<compile_context>
chip_gen: v7x
topology: tpu7x:2x2x1
jax: 0.10.2.dev20260603
libtpu: 0.0.44.dev20260713+nightly
codegen_flags: <defaults>
</compile_context>

<pallas_src>
import functools

import jax
import jax.numpy as jnp
from jax import lax
from jax.experimental import pallas as pl
from jax.experimental.pallas import tpu as pltpu
from jax.experimental.pallas import tpu_sc as plsc

SEQ = 4096
BATCH = 4
D_MODEL = 1024
NC = 2
NS = 16
NW = NC * NS

B = SEQ * BATCH
B_PER_W = B // NW
CHUNK = 16
SEQ_PER_CHUNK = CHUNK // BATCH
N_CHUNKS = B_PER_W // CHUNK
SEQ_PER_W = B_PER_W // BATCH
LANES = 16
VECS = D_MODEL // LANES
NSLOT = 4
AHEAD = 2


def _sc_body(x_hbm, emb_hbm, pe_hbm, out_hbm, idx_v, rows, pes, gsem, psem, osem):
    wid = lax.axis_index("s") * NC + lax.axis_index("c")
    seq_base = wid * SEQ_PER_W
    out_flat = out_hbm.reshape(B, D_MODEL)

    pltpu.sync_copy(x_hbm.at[wid], idx_v)

    def issue(f, slot):
        sq = seq_base + f * SEQ_PER_CHUNK
        pltpu.async_copy(emb_hbm.at[idx_v.at[f]], rows.at[slot], gsem.at[slot])
        pltpu.async_copy(
            pe_hbm.at[pl.ds(sq, SEQ_PER_CHUNK)], pes.at[slot], psem.at[slot]
        )

    def drain_store(slot):
        pltpu.make_async_copy(
            rows.at[slot], out_flat.at[pl.ds(0, CHUNK)], osem.at[slot]
        ).wait()

    def drain_in(slot):
        pltpu.make_async_copy(
            emb_hbm.at[pl.ds(0, CHUNK)], rows.at[slot], gsem.at[slot]
        ).wait()
        pltpu.make_async_copy(
            pe_hbm.at[pl.ds(0, SEQ_PER_CHUNK)], pes.at[slot], psem.at[slot]
        ).wait()

    for f in range(AHEAD):
        issue(f, f)

    def pair_body(i, carry):
        for k in range(NSLOT):
            g = i * NSLOT + k
            f = g + AHEAD
            kf = (k + AHEAD) % NSLOT

            @pl.when(f < N_CHUNKS)
            def _():
                @pl.when(f >= NSLOT)
                def _():
                    drain_store(kf)

                issue(f, kf)

            drain_in(k)

            row_ref = rows.at[k]
            pe_ref = pes.at[k]

            @plsc.parallel_loop(0, SEQ_PER_CHUNK * VECS, unroll=8)
            def add_body(idx):
                s = idx >> 6
                off = (idx & (VECS - 1)) * LANES
                pv = pe_ref[s, 0, pl.ds(off, LANES)]
                row0 = s * BATCH
                for b in range(BATCH):
                    row_ref[row0 + b, pl.ds(off, LANES)] += pv

            sq = seq_base + g * SEQ_PER_CHUNK
            pltpu.async_copy(
                rows.at[k], out_flat.at[pl.ds(sq * BATCH, CHUNK)], osem.at[k]
            )
        return carry

    lax.fori_loop(0, N_CHUNKS // NSLOT, pair_body, 0)

    for g in range(N_CHUNKS - NSLOT, N_CHUNKS):
        drain_store(g % NSLOT)


def kernel(x, emb, pe):
    seq, batch = x.shape
    x_grp = x.reshape(NW, N_CHUNKS, CHUNK)
    mesh = plsc.VectorSubcoreMesh(core_axis_name="c", subcore_axis_name="s")
    run = functools.partial(
        pl.kernel,
        mesh=mesh,
        out_type=jax.ShapeDtypeStruct((SEQ, BATCH, D_MODEL), jnp.float32),
        scratch_types=[
            pltpu.VMEM((N_CHUNKS, CHUNK), jnp.int32),
            pltpu.VMEM((NSLOT, CHUNK, D_MODEL), jnp.float32),
            pltpu.VMEM((NSLOT, SEQ_PER_CHUNK, 1, D_MODEL), jnp.float32),
            pltpu.SemaphoreType.DMA((NSLOT,)),
            pltpu.SemaphoreType.DMA((NSLOT,)),
            pltpu.SemaphoreType.DMA((NSLOT,)),
        ],
    )(_sc_body)
    return run(x_grp, emb, pe)

# --- scband reference (transcript-rebuilt; emitter-appended) ---
"""Pipeline reference for scband-transformer-embedding-34840774705243 (READ-ONLY COPY).

The authoritative reference and input builder live on the scoring server;
editing this copy changes nothing except your own understanding.
"""

import jax, jax.numpy as jnp
import numpy as np

N_VOCAB = 100000
D_MODEL = 1024
MAX_LEN = 8192
SEQ = 4096
BATCH = 4


def _make_pe():
    position = np.arange(MAX_LEN, dtype=np.float32)[:, None]
    div_term = np.exp(np.arange(0, D_MODEL, 2).astype(np.float32) * (-np.log(10000.0) / D_MODEL))
    pe = np.zeros((MAX_LEN, D_MODEL), dtype=np.float32)
    pe[:, 0::2] = np.sin(position * div_term)
    pe[:, 1::2] = np.cos(position * div_term)
    # torch: pe.unsqueeze(0).transpose(0,1) -> [max_len, 1, d_model]
    return jnp.asarray(pe)[:, None, :]


def setup_inputs(seed: int = 0) -> dict:
    key = jax.random.key(seed)
    k1, k2 = jax.random.split(key)
    x = jax.random.randint(k1, (SEQ, BATCH), 0, N_VOCAB, dtype=jnp.int32)
    emb = jax.random.normal(k2, (N_VOCAB, D_MODEL), dtype=jnp.float32)
    pe = _make_pe()
    return {"x": x, "emb": emb, "pe": pe}


def reference(x, emb, pe):
    # embedding lookup (gather)
    h = jnp.take(emb, x, axis=0)  # [seq, batch, d_model]
    # positional encoding: x + pe[:x.size(0), :]
    h = h + pe[: x.shape[0], :]
    # dropout p=0.0 -> identity
    return h

if __name__ == "__main__":
    import jax
    _d = setup_inputs()
    print(jax.jit(kernel)(*tuple(_d.values())))

</pallas_src>

<mosaic_0001>
#map = affine_map<(d0, d1) -> (0, 0, 0)>
#map1 = affine_map<(d0, d1) -> (0, 0)>
module attributes {stable_mosaic.version = 14 : i64} {
  func.func @_sc_body(%arg0: i32, %arg1: i32, %arg2: memref<32x32x16xi32, #tpu.memory_space<hbm>>, %arg3: memref<100000x1024xf32, #tpu.memory_space<hbm>>, %arg4: memref<8192x1x1024xf32, #tpu.memory_space<hbm>>, %arg5: memref<4096x4x1024xf32, #tpu.memory_space<hbm>>, %arg6: memref<32x16xi32, #tpu.memory_space<vmem>>, %arg7: memref<4x16x1024xf32, #tpu.memory_space<vmem>>, %arg8: memref<4x4x1x1024xf32, #tpu.memory_space<vmem>>, %arg9: memref<4x!tpu.dma_semaphore, #tpu.memory_space<semaphore_mem>>, %arg10: memref<4x!tpu.dma_semaphore, #tpu.memory_space<semaphore_mem>>, %arg11: memref<4x!tpu.dma_semaphore, #tpu.memory_space<semaphore_mem>>) attributes {dimension_semantics = [#tpu.dimension_semantics<core_parallel>, #tpu.dimension_semantics<subcore_parallel>], iteration_bounds = array<i64: 2, 16>, scalar_prefetch = 0 : i64, scratch_operands = 6 : i64, tpu.core_type = #tpu.core_type<sc_vector_subcore>, window_params = [{transform_indices = #map}, {transform_indices = #map1}, {transform_indices = #map}, {transform_indices = #map}]} {
    %mul3A = arith.constant 2 : i32
    %mul3A_0 = arith.muli %arg1, %mul3A : i32
    %add3A = arith.addi %mul3A_0, %arg0 : i32
    %mul3A_1 = arith.constant 128 : i32
    %mul3A_2 = arith.muli %add3A, %mul3A_1 : i32
    "tpu.region"() ({
      %run_scoped3A = tpu.sem_alloc : memref<!tpu.dma_semaphore, #tpu.memory_space<semaphore_mem>>
      %dma_start3A_160 = arith.constant 0 : i32
      %dma_start3A_161 = arith.constant 0 : i32
      %dma_start3A_162 = tpu.memref_slice %arg2[%add3A, %dma_start3A_160, %dma_start3A_161] : memref<32x32x16xi32, #tpu.memory_space<hbm>> -> memref<1x32x16xi32, #tpu.memory_space<hbm>>
      %dma_start3A_163 = tpu.memref_squeeze %dma_start3A_162 : memref<1x32x16xi32, #tpu.memory_space<hbm>> -> memref<32x16xi32, #tpu.memory_space<hbm>>
      %dma_start3A_164 = arith.constant 0 : i32
      %dma_start3A_165 = arith.constant 0 : i32
      %dma_start3A_166 = tpu.memref_slice %arg2[%add3A, %dma_start3A_164, %dma_start3A_165] : memref<32x32x16xi32, #tpu.memory_space<hbm>> -> memref<1x32x16xi32, #tpu.memory_space<hbm>>
      %dma_start3A_167 = tpu.memref_squeeze %dma_start3A_166 : memref<1x32x16xi32, #tpu.memory_space<hbm>> -> memref<32x16xi32, #tpu.memory_space<hbm>>
      tpu.enqueue_dma source(%dma_start3A_167 : memref<32x16xi32, #tpu.memory_space<hbm>>) target(%arg6 : memref<32x16xi32, #tpu.memory_space<vmem>>) target_semaphore(%run_scoped3A : memref<!tpu.dma_semaphore, #tpu.memory_space<semaphore_mem>>)
      %dma_wait3A_168 = arith.constant 0 : i32
      %dma_wait3A_169 = arith.constant 0 : i32
      %dma_wait3A_170 = tpu.memref_slice %arg2[%add3A, %dma_wait3A_168, %dma_wait3A_169] : memref<32x32x16xi32, #tpu.memory_space<hbm>> -> memref<1x32x16xi32, #tpu.memory_space<hbm>>
      %dma_wait3A_171 = tpu.memref_squeeze %dma_wait3A_170 : memref<1x32x16xi32, #tpu.memory_space<hbm>> -> memref<32x16xi32, #tpu.memory_space<hbm>>
      %dma_wait3A_172 = arith.constant 0 : i32
      %dma_wait3A_173 = arith.constant 0 : i32
      %dma_wait3A_174 = tpu.memref_slice %arg2[%add3A, %dma_wait3A_172, %dma_wait3A_173] : memref<32x32x16xi32, #tpu.memory_space<hbm>> -> memref<1x32x16xi32, #tpu.memory_space<hbm>>
      %dma_wait3A_175 = tpu.memref_squeeze %dma_wait3A_174 : memref<1x32x16xi32, #tpu.memory_space<hbm>> -> memref<32x16xi32, #tpu.memory_space<hbm>>
      tpu.wait_dma2 semaphore(%run_scoped3A : memref<!tpu.dma_semaphore, #tpu.memory_space<semaphore_mem>>) src(%dma_wait3A_175 : memref<32x16xi32, #tpu.memory_space<hbm>>) dst(%arg6 : memref<32x16xi32, #tpu.memory_space<vmem>>)
      tpu.yield
    }) : () -> ()
    %add3A_3 = arith.constant 0 : i32
    %add3A_4 = arith.addi %mul3A_2, %add3A_3 : i32
    %dma_start3A = arith.constant 0 : i32
    %dma_start3A_5 = arith.constant 0 : i32
    %dma_start3A_6 = arith.constant 0 : i32
    %dma_start3A_7 = arith.constant 0 : i32
    %dma_start3A_8 = arith.constant 0 : i32
    %dma_start3A_9 = tpu.memref_slice %arg7[%dma_start3A_5, %dma_start3A_7, %dma_start3A_8] : memref<4x16x1024xf32, #tpu.memory_space<vmem>> -> memref<1x16x1024xf32, #tpu.memory_space<vmem>>
    %dma_start3A_10 = tpu.memref_squeeze %dma_start3A_9 : memref<1x16x1024xf32, #tpu.memory_space<vmem>> -> memref<16x1024xf32, #tpu.memory_space<vmem>>
    %dma_start3A_11 = arith.constant 0 : i32
    %dma_start3A_12 = tpu.memref_slice %arg6[%dma_start3A, %dma_start3A_11] : memref<32x16xi32, #tpu.memory_space<vmem>> -> memref<1x16xi32, #tpu.memory_space<vmem>>
    %dma_start3A_13 = tpu.memref_squeeze %dma_start3A_12 : memref<1x16xi32, #tpu.memory_space<vmem>> -> memref<16xi32, #tpu.memory_space<vmem>>
    %dma_start3A_14 = arith.constant 0 : i32
    %dma_start3A_15 = arith.constant 0 : i32
    %dma_start3A_16 = tpu.memref_slice %arg3[%dma_start3A_14, %dma_start3A_15] : memref<100000x1024xf32, #tpu.memory_space<hbm>> -> memref<100000x1024xf32, #tpu.memory_space<hbm>>
    %dma_start3A_17 = tpu.memref_slice %arg9[%dma_start3A_6] : memref<4x!tpu.dma_semaphore, #tpu.memory_space<semaphore_mem>> -> memref<1x!tpu.dma_semaphore, #tpu.memory_space<semaphore_mem>>
    %dma_start3A_18 = tpu.memref_squeeze %dma_start3A_17 : memref<1x!tpu.dma_semaphore, #tpu.memory_space<semaphore_mem>> -> memref<!tpu.dma_semaphore, #tpu.memory_space<semaphore_mem>>
    tpu.enqueue_indirect_dma source(%dma_start3A_16 : memref<100000x1024xf32, #tpu.memory_space<hbm>>) target(%dma_start3A_10 : memref<16x1024xf32, #tpu.memory_space<vmem>>) offsets(%dma_start3A_13 : memref<16xi32, #tpu.memory_space<vmem>>) semaphore(%dma_start3A_18 : memref<!tpu.dma_semaphore, #tpu.memory_space<semaphore_mem>>)
    %dma_start3A_19 = arith.constant 0 : i32
    %dma_start3A_20 = arith.constant 0 : i32
    %dma_start3A_21 = arith.constant 0 : i32
    %dma_start3A_22 = arith.constant 0 : i32
    %dma_start3A_23 = arith.constant 0 : i32
    %dma_start3A_24 = tpu.memref_slice %arg8[%dma_start3A_19, %dma_start3A_21, %dma_start3A_22, %dma_start3A_23] : memref<4x4x1x1024xf32, #tpu.memory_space<vmem>> -> memref<1x4x1x1024xf32, #tpu.memory_space<vmem>>
    %dma_start3A_25 = tpu.memref_squeeze %dma_start3A_24 : memref<1x4x1x1024xf32, #tpu.memory_space<vmem>> -> memref<4x1x1024xf32, #tpu.memory_space<vmem>>
    %dma_start3A_26 = arith.constant 0 : i32
    %dma_start3A_27 = arith.constant 0 : i32
    %dma_start3A_28 = tpu.memref_slice %arg4[%add3A_4, %dma_start3A_26, %dma_start3A_27] : memref<8192x1x1024xf32, #tpu.memory_space<hbm>> -> memref<4x1x1024xf32, #tpu.memory_space<hbm>>
    %dma_start3A_29 = tpu.memref_slice %arg10[%dma_start3A_20] : memref<4x!tpu.dma_semaphore, #tpu.memory_space<semaphore_mem>> -> memref<1x!tpu.dma_semaphore, #tpu.memory_space<semaphore_mem>>
    %dma_start3A_30 = tpu.memref_squeeze %dma_start3A_29 : memref<1x!tpu.dma_semaphore, #tpu.memory_space<semaphore_mem>> -> memref<!tpu.dma_semaphore, #tpu.memory_space<semaphore_mem>>
    %dma_start3A_31 = arith.constant 0 : i32
    %dma_start3A_32 = arith.constant 0 : i32
    %dma_start3A_33 = arith.constant 0 : i32
    %dma_start3A_34 = tpu.memref_slice %arg8[%dma_start3A_19, %dma_start3A_31, %dma_start3A_32, %dma_start3A_33] : memref<4x4x1x1024xf32, #tpu.memory_space<vmem>> -> memref<1x4x1x1024xf32, #tpu.memory_space<vmem>>
    %dma_start3A_35 = tpu.memref_squeeze %dma_start3A_34 : memref<1x4x1x1024xf32, #tpu.memory_space<vmem>> -> memref<4x1x1024xf32, #tpu.memory_space<vmem>>
    %dma_start3A_36 = arith.constant 0 : i32
    %dma_start3A_37 = arith.constant 0 : i32
    %dma_start3A_38 = tpu.memref_slice %arg4[%add3A_4, %dma_start3A_36, %dma_start3A_37] : memref<8192x1x1024xf32, #tpu.memory_space<hbm>> -> memref<4x1x1024xf32, #tpu.memory_space<hbm>>
    tpu.enqueue_dma source(%dma_start3A_38 : memref<4x1x1024xf32, #tpu.memory_space<hbm>>) target(%dma_start3A_35 : memref<4x1x1024xf32, #tpu.memory_space<vmem>>) target_semaphore(%dma_start3A_30 : memref<!tpu.dma_semaphore, #tpu.memory_space<semaphore_mem>>)
    %add3A_39 = arith.constant 4 : i32
    %add3A_40 = arith.addi %mul3A_2, %add3A_39 : i32
    %dma_start3A_41 = arith.constant 1 : i32
    %dma_start3A_42 = arith.constant 1 : i32
    %dma_start3A_43 = arith.constant 1 : i32
    %dma_start3A_44 = arith.constant 0 : i32
    %dma_start3A_45 = arith.constant 0 : i32
    %dma_start3A_46 = tpu.memref_slice %arg7[%dma_start3A_42, %dma_start3A_44, %dma_start3A_45] : memref<4x16x1024xf32, #tpu.memory_space<vmem>> -> memref<1x16x1024xf32, #tpu.memory_space<vmem>>
    %dma_start3A_47 = tpu.memref_squeeze %dma_start3A_46 : memref<1x16x1024xf32, #tpu.memory_space<vmem>> -> memref<16x1024xf32, #tpu.memory_space<vmem>>
    %dma_start3A_48 = arith.constant 0 : i32
    %dma_start3A_49 = tpu.memref_slice %arg6[%dma_start3A_41, %dma_start3A_48] : memref<32x16xi32, #tpu.memory_space<vmem>> -> memref<1x16xi32, #tpu.memory_space<vmem>>
    %dma_start3A_50 = tpu.memref_squeeze %dma_start3A_49 : memref<1x16xi32, #tpu.memory_space<vmem>> -> memref<16xi32, #tpu.memory_space<vmem>>
    %dma_start3A_51 = arith.constant 0 : i32
    %dma_start3A_52 = arith.constant 0 : i32
    %dma_start3A_53 = tpu.memref_slice %arg3[%dma_start3A_51, %dma_start3A_52] : memref<100000x1024xf32, #tpu.memory_space<hbm>> -> memref<100000x1024xf32, #tpu.memory_space<hbm>>
    %dma_start3A_54 = tpu.memref_slice %arg9[%dma_start3A_43] : memref<4x!tpu.dma_semaphore, #tpu.memory_space<semaphore_mem>> -> memref<1x!tpu.dma_semaphore, #tpu.memory_space<semaphore_mem>>
    %dma_start3A_55 = tpu.memref_squeeze %dma_start3A_54 : memref<1x!tpu.dma_semaphore, #tpu.memory_space<semaphore_mem>> -> memref<!tpu.dma_semaphore, #tpu.memory_space<semaphore_mem>>
    tpu.enqueue_indirect_dma source(%dma_start3A_53 : memref<100000x1024xf32, #tpu.memory_space<hbm>>) target(%dma_start3A_47 : memref<16x1024xf32, #tpu.memory_space<vmem>>) offsets(%dma_start3A_50 : memref<16xi32, #tpu.memory_space<vmem>>) semaphore(%dma_start3A_55 : memref<!tpu.dma_semaphore, #tpu.memory_space<semaphore_mem>>)
    %dma_start3A_56 = arith.constant 1 : i32
    %dma_start3A_57 = arith.constant 1 : i32
    %dma_start3A_58 = arith.constant 0 : i32
    %dma_start3A_59 = arith.constant 0 : i32
    %dma_start3A_60 = arith.constant 0 : i32
    %dma_start3A_61 = tpu.memref_slice %arg8[%dma_start3A_56, %dma_start3A_58, %dma_start3A_59, %dma_start3A_60] : memref<4x4x1x1024xf32, #tpu.memory_space<vmem>> -> memref<1x4x1x1024xf32, #tpu.memory_space<vmem>>
    %dma_start3A_62 = tpu.memref_squeeze %dma_start3A_61 : memref<1x4x1x1024xf32, #tpu.memory_space<vmem>> -> memref<4x1x1024xf32, #tpu.memory_space<vmem>>
    %dma_start3A_63 = arith.constant 0 : i32
    %dma_start3A_64 = arith.constant 0 : i32
    %dma_start3A_65 = tpu.memref_slice %arg4[%add3A_40, %dma_start3A_63, %dma_start3A_64] : memref<8192x1x1024xf32, #tpu.memory_space<hbm>> -> memref<4x1x1024xf32, #tpu.memory_space<hbm>>
    %dma_start3A_66 = tpu.memref_slice %arg10[%dma_start3A_57] : memref<4x!tpu.dma_semaphore, #tpu.memory_space<semaphore_mem>> -> memref<1x!tpu.dma_semaphore, #tpu.memory_space<semaphore_mem>>
    %dma_start3A_67 = tpu.memref_squeeze %dma_start3A_66 : memref<1x!tpu.dma_semaphore, #tpu.memory_space<semaphore_mem>> -> memref<!tpu.dma_semaphore, #tpu.memory_space<semaphore_mem>>
    %dma_start3A_68 = arith.constant 0 : i32
    %dma_start3A_69 = arith.constant 0 : i32
    %dma_start3A_70 = arith.constant 0 : i32
    %dma_start3A_71 = tpu.memref_slice %arg8[%dma_start3A_56, %dma_start3A_68, %dma_start3A_69, %dma_start3A_70] : memref<4x4x1x1024xf32, #tpu.memory_space<vmem>> -> memref<1x4x1x1024xf32, #tpu.memory_space<vmem>>
    %dma_start3A_72 = tpu.memref_squeeze %dma_start3A_71 : memref<1x4x1x1024xf32, #tpu.memory_space<vmem>> -> memref<4x1x1024xf32, #tpu.memory_space<vmem>>
    %dma_start3A_73 = arith.constant 0 : i32
    %dma_start3A_74 = arith.constant 0 : i32
    %dma_start3A_75 = tpu.memref_slice %arg4[%add3A_40, %dma_start3A_73, %dma_start3A_74] : memref<8192x1x1024xf32, #tpu.memory_space<hbm>> -> memref<4x1x1024xf32, #tpu.memory_space<hbm>>
    tpu.enqueue_dma source(%dma_start3A_75 : memref<4x1x1024xf32, #tpu.memory_space<hbm>>) target(%dma_start3A_72 : memref<4x1x1024xf32, #tpu.memory_space<vmem>>) target_semaphore(%dma_start3A_67 : memref<!tpu.dma_semaphore, #tpu.memory_space<semaphore_mem>>)
    %scan3A = arith.constant 0 : i32
    %scan3A_76 = arith.constant 0 : i32
    %scan3A_77 = arith.constant 8 : i32
    %scan3A_78 = arith.addi %scan3A_76, %scan3A_77 : i32
    %scan3A_79 = arith.constant 1 : i32
    scf.for %scan3A_160 = %scan3A_76 to %scan3A_78 step %scan3A_79  : i32 {
      %mul3A_161 = arith.constant 4 : i32
      %mul3A_162 = arith.muli %scan3A_160, %mul3A_161 : i32
      %add3A_163 = arith.constant 0 : i32
      %add3A_164 = arith.addi %mul3A_162, %add3A_163 : i32
      %add3A_165 = arith.constant 2 : i32
      %add3A_166 = arith.addi %add3A_164, %add3A_165 : i32
      %lt3A = arith.constant 32 : i32
      %lt3A_167 = arith.cmpi slt, %add3A_166, %lt3A : i32
      %convert_element_type3A = arith.extui %lt3A_167 : i1 to i32
      %cond3A = arith.constant 0 : i32
      %cond3A_168 = arith.cmpi ne, %convert_element_type3A, %cond3A : i32
      scf.if %cond3A_168 {
        %ge3A = arith.constant 4 : i32
        %ge3A_473 = arith.cmpi sge, %add3A_166, %ge3A : i32
        %convert_element_type3A_474 = arith.extui %ge3A_473 : i1 to i32
        %cond3A_475 = arith.constant 0 : i32
        %cond3A_476 = arith.cmpi ne, %convert_element_type3A_474, %cond3A_475 : i32
        scf.if %cond3A_476 {
          %dma_wait3A_514 = arith.constant 2 : i32
          %dma_wait3A_515 = arith.constant 2 : i32
          %dma_wait3A_516 = arith.constant 0 : i32
          %dma_wait3A_517 = arith.constant 0 : i32
          %dma_wait3A_518 = tpu.memref_slice %arg7[%dma_wait3A_514, %dma_wait3A_516, %dma_wait3A_517] : memref<4x16x1024xf32, #tpu.memory_space<vmem>> -> memref<1x16x1024xf32, #tpu.memory_space<vmem>>
          %dma_wait3A_519 = tpu.memref_squeeze %dma_wait3A_518 : memref<1x16x1024xf32, #tpu.memory_space<vmem>> -> memref<16x1024xf32, #tpu.memory_space<vmem>>
          %dma_wait3A_520 = tpu.memref_reshape %arg5 : memref<4096x4x1024xf32, #tpu.memory_space<hbm>> -> memref<16384x1024xf32, #tpu.memory_space<hbm>>
          %dma_wait3A_521 = arith.constant 0 : i32
          %dma_wait3A_522 = arith.constant 0 : i32
          %dma_wait3A_523 = tpu.memref_slice %dma_wait3A_520[%dma_wait3A_521, %dma_wait3A_522] : memref<16384x1024xf32, #tpu.memory_space<hbm>> -> memref<16x1024xf32, #tpu.memory_space<hbm>>
          %dma_wait3A_524 = tpu.memref_slice %arg11[%dma_wait3A_515] : memref<4x!tpu.dma_semaphore, #tpu.memory_space<semaphore_mem>> -> memref<1x!tpu.dma_semaphore, #tpu.memory_space<semaphore_mem>>
          %dma_wait3A_525 = tpu.memref_squeeze %dma_wait3A_524 : memref<1x!tpu.dma_semaphore, #tpu.memory_space<semaphore_mem>> -> memref<!tpu.dma_semaphore, #tpu.memory_space<semaphore_mem>>
          %dma_wait3A_526 = tpu.memref_reshape %arg5 : memref<4096x4x1024xf32, #tpu.memory_space<hbm>> -> memref<16384x1024xf32, #tpu.memory_space<hbm>>
          %dma_wait3A_527 = arith.constant 0 : i32
          %dma_wait3A_528 = arith.constant 0 : i32
          %dma_wait3A_529 = tpu.memref_slice %dma_wait3A_526[%dma_wait3A_527, %dma_wait3A_528] : memref<16384x1024xf32, #tpu.memory_space<hbm>> -> memref<16x1024xf32, #tpu.memory_space<hbm>>
          %dma_wait3A_530 = arith.constant 0 : i32
          %dma_wait3A_531 = arith.constant 0 : i32
          %dma_wait3A_532 = tpu.memref_slice %arg7[%dma_wait3A_514, %dma_wait3A_530, %dma_wait3A_531] : memref<4x16x1024xf32, #tpu.memory_space<vmem>> -> memref<1x16x1024xf32, #tpu.memory_space<vmem>>
          %dma_wait3A_533 = tpu.memref_squeeze %dma_wait3A_532 : memref<1x16x1024xf32, #tpu.memory_space<vmem>> -> memref<16x1024xf32, #tpu.memory_space<vmem>>
          tpu.wait_dma2 semaphore(%dma_wait3A_525 : memref<!tpu.dma_semaphore, #tpu.memory_space<semaphore_mem>>) src(%dma_wait3A_533 : memref<16x1024xf32, #tpu.memory_space<vmem>>) dst(%dma_wait3A_529 : memref<16x1024xf32, #tpu.memory_space<hbm>>)
        } else {
        }
        %mul3A_477 = arith.constant 4 : i32
        %mul3A_478 = arith.muli %add3A_166, %mul3A_477 : i32
        %add3A_479 = arith.addi %mul3A_2, %mul3A_478 : i32
        %dma_start3A_480 = arith.constant 2 : i32
        %dma_start3A_481 = arith.constant 2 : i32
        %dma_start3A_482 = arith.constant 0 : i32
        %dma_start3A_483 = arith.constant 0 : i32
        %dma_start3A_484 = tpu.memref_slice %arg7[%dma_start3A_480, %dma_start3A_482, %dma_start3A_483] : memref<4x16x1024xf32, #tpu.memory_space<vmem>> -> memref<1x16x1024xf32, #tpu.memory_space<vmem>>
        %dma_start3A_485 = tpu.memref_squeeze %dma_start3A_484 : memref<1x16x1024xf32, #tpu.memory_space<vmem>> -> memref<16x1024xf32, #tpu.memory_space<vmem>>
        %dma_start3A_486 = arith.constant 0 : i32
        %dma_start3A_487 = tpu.memref_slice %arg6[%add3A_166, %dma_start3A_486] : memref<32x16xi32, #tpu.memory_space<vmem>> -> memref<1x16xi32, #tpu.memory_space<vmem>>
        %dma_start3A_488 = tpu.memref_squeeze %dma_start3A_487 : memref<1x16xi32, #tpu.memory_space<vmem>> -> memref<16xi32, #tpu.memory_space<vmem>>
        %dma_start3A_489 = arith.constant 0 : i32
        %dma_start3A_490 = arith.constant 0 : i32
        %dma_start3A_491 = tpu.memref_slice %arg3[%dma_start3A_489, %dma_start3A_490] : memref<100000x1024xf32, #tpu.memory_space<hbm>> -> memref<100000x1024xf32, #tpu.memory_space<hbm>>
        %dma_start3A_492 = tpu.memref_slice %arg9[%dma_start3A_481] : memref<4x!tpu.dma_semaphore, #tpu.memory_space<semaphore_mem>> -> memref<1x!tpu.dma_semaphore, #tpu.memory_space<semaphore_mem>>
        %dma_start3A_493 = tpu.memref_squeeze %dma_start3A_492 : memref<1x!tpu.dma_semaphore, #tpu.memory_space<semaphore_mem>> -> memref<!tpu.dma_semaphore, #tpu.memory_space<semaphore_mem>>
        tpu.enqueue_indirect_dma source(%dma_start3A_491 : memref<100000x1024xf32, #tpu.memory_space<hbm>>) target(%dma_start3A_485 : memref<16x1024xf32, #tpu.memory_space<vmem>>) offsets(%dma_start3A_488 : memref<16xi32, #tpu.memory_space<vmem>>) semaphore(%dma_start3A_493 : memref<!tpu.dma_semaphore, #tpu.memory_space<semaphore_mem>>)
        %dma_start3A_494 = arith.constant 2 : i32
        %dma_start3A_495 = arith.constant 2 : i32
        %dma_start3A_496 = arith.constant 0 : i32
        %dma_start3A_497 = arith.constant 0 : i32
        %dma_start3A_498 = arith.constant 0 : i32
        %dma_start3A_499 = tpu.memref_slice %arg8[%dma_start3A_494, %dma_start3A_496, %dma_start3A_497, %dma_start3A_498] : memref<4x4x1x1024xf32, #tpu.memory_space<vmem>> -> memref<1x4x1x1024xf32, #tpu.memory_space<vmem>>
        %dma_start3A_500 = tpu.memref_squeeze %dma_start3A_499 : memref<1x4x1x1024xf32, #tpu.memory_space<vmem>> -> memref<4x1x1024xf32, #tpu.memory_space<vmem>>
        %dma_start3A_501 = arith.constant 0 : i32
        %dma_start3A_502 = arith.constant 0 : i32
        %dma_start3A_503 = tpu.memref_slice %arg4[%add3A_479, %dma_start3A_501, %dma_start3A_502] : memref<8192x1x1024xf32, #tpu.memory_space<hbm>> -> memref<4x1x1024xf32, #tpu.memory_space<hbm>>
        %dma_start3A_504 = tpu.memref_slice %arg10[%dma_start3A_495] : memref<4x!tpu.dma_semaphore, #tpu.memory_space<semaphore_mem>> -> memref<1x!tpu.dma_semaphore, #tpu.memory_space<semaphore_mem>>
        %dma_start3A_505 = tpu.memref_squeeze %dma_start3A_504 : memref<1x!tpu.dma_semaphore, #tpu.memory_space<semaphore_mem>> -> memref<!tpu.dma_semaphore, #tpu.memory_space<semaphore_mem>>
        %dma_start3A_506 = arith.constant 0 : i32
        %dma_start3A_507 = arith.constant 0 : i32
        %dma_start3A_508 = arith.constant 0 : i32
        %dma_start3A_509 = tpu.memref_slice %arg8[%dma_start3A_494, %dma_start3A_506, %dma_start3A_507, %dma_start3A_508] : memref<4x4x1x1024xf32, #tpu.memory_space<vmem>> -> memref<1x4x1x1024xf32, #tpu.memory_space<vmem>>
        %dma_start3A_510 = tpu.memref_squeeze %dma_start3A_509 : memref<1x4x1x1024xf32, #tpu.memory_space<vmem>> -> memref<4x1x1024xf32, #tpu.memory_space<vmem>>
        %dma_start3A_511 = arith.constant 0 : i32
        %dma_start3A_512 = arith.constant 0 : i32
        %dma_start3A_513 = tpu.memref_slice %arg4[%add3A_479, %dma_start3A_511, %dma_start3A_512] : memref<8192x1x1024xf32, #tpu.memory_space<hbm>> -> memref<4x1x1024xf32, #tpu.memory_space<hbm>>
        tpu.enqueue_dma source(%dma_start3A_513 : memref<4x1x1024xf32, #tpu.memory_space<hbm>>) target(%dma_start3A_510 : memref<4x1x1024xf32, #tpu.memory_space<vmem>>) target_semaphore(%dma_start3A_505 : memref<!tpu.dma_semaphore, #tpu.memory_space<semaphore_mem>>)
      } else {
      }
      %dma_wait3A_169 = arith.constant 0 : i32
      %dma_wait3A_170 = arith.constant 0 : i32
      %dma_wait3A_171 = arith.constant 0 : i32
      %dma_wait3A_172 = arith.constant 0 : i32
      %dma_wait3A_173 = tpu.memref_slice %arg7[%dma_wait3A_169, %dma_wait3A_171, %dma_wait3A_172] : memref<4x16x1024xf32, #tpu.memory_space<vmem>> -> memref<1x16x1024xf32, #tpu.memory_space<vmem>>
      %dma_wait3A_174 = tpu.memref_squeeze %dma_wait3A_173 : memref<1x16x1024xf32, #tpu.memory_space<vmem>> -> memref<16x1024xf32, #tpu.memory_space<vmem>>
      %dma_wait3A_175 = arith.constant 0 : i32
      %dma_wait3A_176 = arith.constant 0 : i32
      %dma_wait3A_177 = tpu.memref_slice %arg3[%dma_wait3A_175, %dma_wait3A_176] : memref<100000x1024xf32, #tpu.memory_space<hbm>> -> memref<16x1024xf32, #tpu.memory_space<hbm>>
      %dma_wait3A_178 = tpu.memref_slice %arg9[%dma_wait3A_170] : memref<4x!tpu.dma_semaphore, #tpu.memory_space<semaphore_mem>> -> memref<1x!tpu.dma_semaphore, #tpu.memory_space<semaphore_mem>>
      %dma_wait3A_179 = tpu.memref_squeeze %dma_wait3A_178 : memref<1x!tpu.dma_semaphore, #tpu.memory_space<semaphore_mem>> -> memref<!tpu.dma_semaphore, #tpu.memory_space<semaphore_mem>>
      %dma_wait3A_180 = arith.constant 0 : i32
      %dma_wait3A_181 = arith.constant 0 : i32
      %dma_wait3A_182 = tpu.memref_slice %arg7[%dma_wait3A_169, %dma_wait3A_180, %dma_wait3A_181] : memref<4x16x1024xf32, #tpu.memory_space<vmem>> -> memref<1x16x1024xf32, #tpu.memory_space<vmem>>
      %dma_wait3A_183 = tpu.memref_squeeze %dma_wait3A_182 : memref<1x16x1024xf32, #tpu.memory_space<vmem>> -> memref<16x1024xf32, #tpu.memory_space<vmem>>
      %dma_wait3A_184 = arith.constant 0 : i32
      %dma_wait3A_185 = arith.constant 0 : i32
      %dma_wait3A_186 = tpu.memref_slice %arg3[%dma_wait3A_184, %dma_wait3A_185] : memref<100000x1024xf32, #tpu.memory_space<hbm>> -> memref<16x1024xf32, #tpu.memory_space<hbm>>
      tpu.wait_dma2 semaphore(%dma_wait3A_179 : memref<!tpu.dma_semaphore, #tpu.memory_space<semaphore_mem>>) src(%dma_wait3A_186 : memref<16x1024xf32, #tpu.memory_space<hbm>>) dst(%dma_wait3A_183 : memref<16x1024xf32, #tpu.memory_space<vmem>>)
      %dma_wait3A_187 = arith.constant 0 : i32
      %dma_wait3A_188 = arith.constant 0 : i32
      %dma_wait3A_189 = arith.constant 0 : i32
      %dma_wait3A_190 = arith.constant 0 : i32
      %dma_wait3A_191 = arith.constant 0 : i32
      %dma_wait3A_192 = tpu.memref_slice %arg8[%dma_wait3A_187, %dma_wait3A_189, %dma_wait3A_190, %dma_wait3A_191] : memref<4x4x1x1024xf32, #tpu.memory_space<vmem>> -> memref<1x4x1x1024xf32, #tpu.memory_space<vmem>>
      %dma_wait3A_193 = tpu.memref_squeeze %dma_wait3A_192 : memref<1x4x1x1024xf32, #tpu.memory_space<vmem>> -> memref<4x1x1024xf32, #tpu.memory_space<vmem>>
      %dma_wait3A_194 = arith.constant 0 : i32
      %dma_wait3A_195 = arith.constant 0 : i32
      %dma_wait3A_196 = arith.constant 0 : i32
      %dma_wait3A_197 = tpu.memref_slice %arg4[%dma_wait3A_194, %dma_wait3A_195, %dma_wait3A_196] : memref<8192x1x1024xf32, #tpu.memory_space<hbm>> -> memref<4x1x1024xf32, #tpu.memory_space<hbm>>
      %dma_wait3A_198 = tpu.memref_slice %arg10[%dma_wait3A_188] : memref<4x!tpu.dma_semaphore, #tpu.memory_space<semaphore_mem>> -> memref<1x!tpu.dma_semaphore, #tpu.memory_space<semaphore_mem>>
      %dma_wait3A_199 = tpu.memref_squeeze %dma_wait3A_198 : memref<1x!tpu.dma_semaphore, #tpu.memory_space<semaphore_mem>> -> memref<!tpu.dma_semaphore, #tpu.memory_space<semaphore_mem>>
      %dma_wait3A_200 = arith.constant 0 : i32
      %dma_wait3A_201 = arith.constant 0 : i32
      %dma_wait3A_202 = arith.constant 0 : i32
      %dma_wait3A_203 = tpu.memref_slice %arg8[%dma_wait3A_187, %dma_wait3A_200, %dma_wait3A_201, %dma_wait3A_202] : memref<4x4x1x1024xf32, #tpu.memory_space<vmem>> -> memref<1x4x1x1024xf32, #tpu.memory_space<vmem>>
      %dma_wait3A_204 = tpu.memref_squeeze %dma_wait3A_203 : memref<1x4x1x1024xf32, #tpu.memory_space<vmem>> -> memref<4x1x1024xf32, #tpu.memory_space<vmem>>
      %dma_wait3A_205 = arith.constant 0 : i32
      %dma_wait3A_206 = arith.constant 0 : i32
      %dma_wait3A_207 = arith.constant 0 : i32
      %dma_wait3A_208 = tpu.memref_slice %arg4[%dma_wait3A_205, %dma_wait3A_206, %dma_wait3A_207] : memref<8192x1x1024xf32, #tpu.memory_space<hbm>> -> memref<4x1x1024xf32, #tpu.memory_space<hbm>>
      tpu.wait_dma2 semaphore(%dma_wait3A_199 : memref<!tpu.dma_semaphore, #tpu.memory_space<semaphore_mem>>) src(%dma_wait3A_208 : memref<4x1x1024xf32, #tpu.memory_space<hbm>>) dst(%dma_wait3A_204 : memref<4x1x1024xf32, #tpu.memory_space<vmem>>)
      %parallel_loop3A = arith.constant 0 : i32
      %parallel_loop3A_209 = arith.constant 256 : i32
      %parallel_loop3A_210 = arith.constant 1 : i32
      %parallel_loop3A_211 = arith.constant 0 : i32
      %parallel_loop3A_212 = arith.constant 0 : i32
      scf.for %parallel_loop3A_473 = %parallel_loop3A to %parallel_loop3A_209 step %parallel_loop3A_210  : i32 {
        %parallel_loop3A_474 = arith.constant 6 : i32
        %parallel_loop3A_475 = arith.shrsi %parallel_loop3A_473, %parallel_loop3A_474 : i32
        %parallel_loop3A_476 = arith.constant 63 : i32
        %parallel_loop3A_477 = arith.andi %parallel_loop3A_473, %parallel_loop3A_476 : i32
        %parallel_loop3A_478 = arith.constant 16 : i32
        %parallel_loop3A_479 = arith.muli %parallel_loop3A_477, %parallel_loop3A_478 : i32
        %parallel_loop3A_480 = arith.constant 0 : i32
        %parallel_loop3A_481 = arith.constant 0 : i32
        %parallel_loop3A_482 = arith.constant 0 : i32
        %parallel_loop3A_483 = arith.constant 0 : i32
        %parallel_loop3A_484 = tpu.memref_slice %arg8[%parallel_loop3A_211, %parallel_loop3A_481, %parallel_loop3A_482, %parallel_loop3A_483] : memref<4x4x1x1024xf32, #tpu.memory_space<vmem>> -> memref<1x4x1x1024xf32, #tpu.memory_space<vmem>>
        %parallel_loop3A_485 = tpu.memref_squeeze %parallel_loop3A_484 : memref<1x4x1x1024xf32, #tpu.memory_space<vmem>> -> memref<4x1x1024xf32, #tpu.memory_space<vmem>>
        %parallel_loop3A_486 = arith.index_cast %parallel_loop3A_475 : i32 to index
        %parallel_loop3A_487 = arith.index_cast %parallel_loop3A_480 : i32 to index
        %parallel_loop3A_488 = arith.index_cast %parallel_loop3A_479 : i32 to index
        %parallel_loop3A_489 = tpu.vector_load %parallel_loop3A_485[%parallel_loop3A_486, %parallel_loop3A_487, %parallel_loop3A_488] {strides = array<i32>} : memref<4x1x1024xf32, #tpu.memory_space<vmem>>, vector<1x1x16xf32>,
        %parallel_loop3A_490 = vector.shape_cast %parallel_loop3A_489 : vector<1x1x16xf32> to vector<16xf32>
        %parallel_loop3A_491 = arith.constant 4 : i32
        %parallel_loop3A_492 = arith.muli %parallel_loop3A_475, %parallel_loop3A_491 : i32
        %parallel_loop3A_493 = arith.constant 0 : i32
        %parallel_loop3A_494 = arith.addi %parallel_loop3A_492, %parallel_loop3A_493 : i32
        %parallel_loop3A_495 = arith.constant 0 : i32
        %parallel_loop3A_496 = arith.constant 0 : i32
        %parallel_loop3A_497 = tpu.memref_slice %arg7[%parallel_loop3A_212, %parallel_loop3A_495, %parallel_loop3A_496] : memref<4x16x1024xf32, #tpu.memory_space<vmem>> -> memref<1x16x1024xf32, #tpu.memory_space<vmem>>
        %parallel_loop3A_498 = tpu.memref_squeeze %parallel_loop3A_497 : memref<1x16x1024xf32, #tpu.memory_space<vmem>> -> memref<16x1024xf32, #tpu.memory_space<vmem>>
        %parallel_loop3A_499 = arith.index_cast %parallel_loop3A_494 : i32 to index
        %parallel_loop3A_500 = arith.index_cast %parallel_loop3A_479 : i32 to index
        %parallel_loop3A_501 = tpu.vector_load %parallel_loop3A_498[%parallel_loop3A_499, %parallel_loop3A_500] {strides = array<i32>} : memref<16x1024xf32, #tpu.memory_space<vmem>>, vector<1x16xf32>,
        %parallel_loop3A_502 = vector.shape_cast %parallel_loop3A_501 : vector<1x16xf32> to vector<16xf32>
        %parallel_loop3A_503 = arith.addf %parallel_loop3A_502, %parallel_loop3A_490 : vector<16xf32>
        %parallel_loop3A_504 = arith.constant 0 : i32
        %parallel_loop3A_505 = arith.constant 0 : i32
        %parallel_loop3A_506 = tpu.memref_slice %arg7[%parallel_loop3A_212, %parallel_loop3A_504, %parallel_loop3A_505] : memref<4x16x1024xf32, #tpu.memory_space<vmem>> -> memref<1x16x1024xf32, #tpu.memory_space<vmem>>
        %parallel_loop3A_507 = tpu.memref_squeeze %parallel_loop3A_506 : memref<1x16x1024xf32, #tpu.memory_space<vmem>> -> memref<16x1024xf32, #tpu.memory_space<vmem>>
        %parallel_loop3A_508 = arith.index_cast %parallel_loop3A_494 : i32 to index
        %parallel_loop3A_509 = arith.index_cast %parallel_loop3A_479 : i32 to index
        %parallel_loop3A_510 = tpu.vector_load %parallel_loop3A_507[%parallel_loop3A_508, %parallel_loop3A_509] {strides = array<i32>} : memref<16x1024xf32, #tpu.memory_space<vmem>>, vector<1x16xf32>,
        %parallel_loop3A_511 = vector.shape_cast %parallel_loop3A_510 : vector<1x16xf32> to vector<16xf32>
        %parallel_loop3A_512 = vector.shape_cast %parallel_loop3A_503 : vector<16xf32> to vector<1x16xf32>
        tpu.vector_store %parallel_loop3A_507[%parallel_loop3A_508, %parallel_loop3A_509], %parallel_loop3A_512 {strides = array<i32>} : memref<16x1024xf32, #tpu.memory_space<vmem>>, vector<1x16xf32>,
        %parallel_loop3A_513 = arith.constant 1 : i32
        %parallel_loop3A_514 = arith.addi %parallel_loop3A_492, %parallel_loop3A_513 : i32
        %parallel_loop3A_515 = arith.constant 0 : i32
        %parallel_loop3A_516 = arith.constant 0 : i32
        %parallel_loop3A_517 = tpu.memref_slice %arg7[%parallel_loop3A_212, %parallel_loop3A_515, %parallel_loop3A_516] : memref<4x16x1024xf32, #tpu.memory_space<vmem>> -> memref<1x16x1024xf32, #tpu.memory_space<vmem>>
        %parallel_loop3A_518 = tpu.memref_squeeze %parallel_loop3A_517 : memref<1x16x1024xf32, #tpu.memory_space<vmem>> -> memref<16x1024xf32, #tpu.memory_space<vmem>>
        %parallel_loop3A_519 = arith.index_cast %parallel_loop3A_514 : i32 to index
        %parallel_loop3A_520 = arith.index_cast %parallel_loop3A_479 : i32 to index
        %parallel_loop3A_521 = tpu.vector_load %parallel_loop3A_518[%parallel_loop3A_519, %parallel_loop3A_520] {strides = array<i32>} : memref<16x1024xf32, #tpu.memory_space<vmem>>, vector<1x16xf32>,
        %parallel_loop3A_522 = vector.shape_cast %parallel_loop3A_521 : vector<1x16xf32> to vector<16xf32>
        %parallel_loop3A_523 = arith.addf %parallel_loop3A_522, %parallel_loop3A_490 : vector<16xf32>
        %parallel_loop3A_524 = arith.constant 0 : i32
        %parallel_loop3A_525 = arith.constant 0 : i32
        %parallel_loop3A_526 = tpu.memref_slice %arg7[%parallel_loop3A_212, %parallel_loop3A_524, %parallel_loop3A_525] : memref<4x16x1024xf32, #tpu.memory_space<vmem>> -> memref<1x16x1024xf32, #tpu.memory_space<vmem>>
        %parallel_loop3A_527 = tpu.memref_squeeze %parallel_loop3A_526 : memref<1x16x1024xf32, #tpu.memory_space<vmem>> -> memref<16x1024xf32, #tpu.memory_space<vmem>>
        %parallel_loop3A_528 = arith.index_cast %parallel_loop3A_514 : i32 to index
        %parallel_loop3A_529 = arith.index_cast %parallel_loop3A_479 : i32 to index
        %parallel_loop3A_530 = tpu.vector_load %parallel_loop3A_527[%parallel_loop3A_528, %parallel_loop3A_529] {strides = array<i32>} : memref<16x1024xf32, #tpu.memory_space<vmem>>, vector<1x16xf32>,
        %parallel_loop3A_531 = vector.shape_cast %parallel_loop3A_530 : vector<1x16xf32> to vector<16xf32>
        %parallel_loop3A_532 = vector.shape_cast %parallel_loop3A_523 : vector<16xf32> to vector<1x16xf32>
        tpu.vector_store %parallel_loop3A_527[%parallel_loop3A_528, %parallel_loop3A_529], %parallel_loop3A_532 {strides = array<i32>} : memref<16x1024xf32, #tpu.memory_space<vmem>>, vector<1x16xf32>,
        %parallel_loop3A_533 = arith.constant 2 : i32
        %parallel_loop3A_534 = arith.addi %parallel_loop3A_492, %parallel_loop3A_533 : i32
        %parallel_loop3A_535 = arith.constant 0 : i32
        %parallel_loop3A_536 = arith.constant 0 : i32
        %parallel_loop3A_537 = tpu.memref_slice %arg7[%parallel_loop3A_212, %parallel_loop3A_535, %parallel_loop3A_536] : memref<4x16x1024xf32, #tpu.memory_space<vmem>> -> memref<1x16x1024xf32, #tpu.memory_space<vmem>>
        %parallel_loop3A_538 = tpu.memref_squeeze %parallel_loop3A_537 : memref<1x16x1024xf32, #tpu.memory_space<vmem>> -> memref<16x1024xf32, #tpu.memory_space<vmem>>
        %parallel_loop3A_539 = arith.index_cast %parallel_loop3A_534 : i32 to index
        %parallel_loop3A_540 = arith.index_cast %parallel_loop3A_479 : i32 to index
        %parallel_loop3A_541 = tpu.vector_load %parallel_loop3A_538[%parallel_loop3A_539, %parallel_loop3A_540] {strides = array<i32>} : memref<16x1024xf32, #tpu.memory_space<vmem>>, vector<1x16xf32>,
        %parallel_loop3A_542 = vector.shape_cast %parallel_loop3A_541 : vector<1x16xf32> to vector<16xf32>
        %parallel_loop3A_543 = arith.addf %parallel_loop3A_542, %parallel_loop3A_490 : vector<16xf32>
        %parallel_loop3A_544 = arith.constant 0 : i32
        %parallel_loop3A_545 = arith.constant 0 : i32
        %parallel_loop3A_546 = tpu.memref_slice %arg7[%parallel_loop3A_212, %parallel_loop3A_544, %parallel_loop3A_545] : memref<4x16x1024xf32, #tpu.memory_space<vmem>> -> memref<1x16x1024xf32, #tpu.memory_space<vmem>>
        %parallel_loop3A_547 = tpu.memref_squeeze %parallel_loop3A_546 : memref<1x16x1024xf32, #tpu.memory_space<vmem>> -> memref<16x1024xf32, #tpu.memory_space<vmem>>
        %parallel_loop3A_548 = arith.index_cast %parallel_loop3A_534 : i32 to index
        %parallel_loop3A_549 = arith.index_cast %parallel_loop3A_479 : i32 to index
        %parallel_loop3A_550 = tpu.vector_load %parallel_loop3A_547[%parallel_loop3A_548, %parallel_loop3A_549] {strides = array<i32>} : memref<16x1024xf32, #tpu.memory_space<vmem>>, vector<1x16xf32>,
        %parallel_loop3A_551 = vector.shape_cast %parallel_loop3A_550 : vector<1x16xf32> to vector<16xf32>
        %parallel_loop3A_552 = vector.shape_cast %parallel_loop3A_543 : vector<16xf32> to vector<1x16xf32>
        tpu.vector_store %parallel_loop3A_547[%parallel_loop3A_548, %parallel_loop3A_549], %parallel_loop3A_552 {strides = array<i32>} : memref<16x1024xf32, #tpu.memory_space<vmem>>, vector<1x16xf32>,
        %parallel_loop3A_553 = arith.constant 3 : i32
        %parallel_loop3A_554 = arith.addi %parallel_loop3A_492, %parallel_loop3A_553 : i32
        %parallel_loop3A_555 = arith.constant 0 : i32
        %parallel_loop3A_556 = arith.constant 0 : i32
        %parallel_loop3A_557 = tpu.memref_slice %arg7[%parallel_loop3A_212, %parallel_loop3A_555, %parallel_loop3A_556] : memref<4x16x1024xf32, #tpu.memory_space<vmem>> -> memref<1x16x1024xf32, #tpu.memory_space<vmem>>
        %parallel_loop3A_558 = tpu.memref_squeeze %parallel_loop3A_557 : memref<1x16x1024xf32, #tpu.memory_space<vmem>> -> memref<16x1024xf32, #tpu.memory_space<vmem>>
        %parallel_loop3A_559 = arith.index_cast %parallel_loop3A_554 : i32 to index
        %parallel_loop3A_560 = arith.index_cast %parallel_loop3A_479 : i32 to index
        %parallel_loop3A_561 = tpu.vector_load %parallel_loop3A_558[%parallel_loop3A_559, %parallel_loop3A_560] {strides = array<i32>} : memref<16x1024xf32, #tpu.memory_space<vmem>>, vector<1x16xf32>,
        %parallel_loop3A_562 = vector.shape_cast %parallel_loop3A_561 : vector<1x16xf32> to vector<16xf32>
        %parallel_loop3A_563 = arith.addf %parallel_loop3A_562, %parallel_loop3A_490 : vector<16xf32>
        %parallel_loop3A_564 = arith.constant 0 : i32
        %parallel_loop3A_565 = arith.constant 0 : i32
        %parallel_loop3A_566 = tpu.memref_slice %arg7[%parallel_loop3A_212, %parallel_loop3A_564, %parallel_loop3A_565] : memref<4x16x1024xf32, #tpu.memory_space<vmem>> -> memref<1x16x1024xf32, #tpu.memory_space<vmem>>
        %parallel_loop3A_567 = tpu.memref_squeeze %parallel_loop3A_566 : memref<1x16x1024xf32, #tpu.memory_space<vmem>> -> memref<16x1024xf32, #tpu.memory_space<vmem>>
        %parallel_loop3A_568 = arith.index_cast %parallel_loop3A_554 : i32 to index
        %parallel_loop3A_569 = arith.index_cast %parallel_loop3A_479 : i32 to index
        %parallel_loop3A_570 = tpu.vector_load %parallel_loop3A_567[%parallel_loop3A_568, %parallel_loop3A_569] {strides = array<i32>} : memref<16x1024xf32, #tpu.memory_space<vmem>>, vector<1x16xf32>,
        %parallel_loop3A_571 = vector.shape_cast %parallel_loop3A_570 : vector<1x16xf32> to vector<16xf32>
        %parallel_loop3A_572 = vector.shape_cast %parallel_loop3A_563 : vector<16xf32> to vector<1x16xf32>
        tpu.vector_store %parallel_loop3A_567[%parallel_loop3A_568, %parallel_loop3A_569], %parallel_loop3A_572 {strides = array<i32>} : memref<16x1024xf32, #tpu.memory_space<vmem>>, vector<1x16xf32>,
      } {sc.loop_unroll_factor = 8 : i64, sc.parallel_access}
      %mul3A_213 = arith.constant 4 : i32
      %mul3A_214 = arith.muli %add3A_164, %mul3A_213 : i32
      %add3A_215 = arith.addi %mul3A_2, %mul3A_214 : i32
      %mul3A_216 = arith.constant 4 : i32
      %mul3A_217 = arith.muli %add3A_215, %mul3A_216 : i32
      %dma_start3A_218 = arith.constant 0 : i32
      %dma_start3A_219 = arith.constant 0 : i32
      %dma_start3A_220 = arith.constant 0 : i32
      %dma_start3A_221 = arith.constant 0 : i32
      %dma_start3A_222 = tpu.memref_slice %arg7[%dma_start3A_218, %dma_start3A_220, %dma_start3A_221] : memref<4x16x1024xf32, #tpu.memory_space<vmem>> -> memref<1x16x1024xf32, #tpu.memory_space<vmem>>
      %dma_start3A_223 = tpu.memref_squeeze %dma_start3A_222 : memref<1x16x1024xf32, #tpu.memory_space<vmem>> -> memref<16x1024xf32, #tpu.memory_space<vmem>>
      %dma_start3A_224 = tpu.memref_reshape %arg5 : memref<4096x4x1024xf32, #tpu.memory_space<hbm>> -> memref<16384x1024xf32, #tpu.memory_space<hbm>>
      %dma_start3A_225 = arith.constant 0 : i32
      %dma_start3A_226 = tpu.memref_slice %dma_start3A_224[%mul3A_217, %dma_start3A_225] : memref<16384x1024xf32, #tpu.memory_space<hbm>> -> memref<16x1024xf32, #tpu.memory_space<hbm>>
      %dma_start3A_227 = tpu.memref_slice %arg11[%dma_start3A_219] : memref<4x!tpu.dma_semaphore, #tpu.memory_space<semaphore_mem>> -> memref<1x!tpu.dma_semaphore, #tpu.memory_space<semaphore_mem>>
      %dma_start3A_228 = tpu.memref_squeeze %dma_start3A_227 : memref<1x!tpu.dma_semaphore, #tpu.memory_space<semaphore_mem>> -> memref<!tpu.dma_semaphore, #tpu.memory_space<semaphore_mem>>
      %dma_start3A_229 = tpu.memref_reshape %arg5 : memref<4096x4x1024xf32, #tpu.memory_space<hbm>> -> memref<16384x1024xf32, #tpu.memory_space<hbm>>
      %dma_start3A_230 = arith.constant 0 : i32
      %dma_start3A_231 = tpu.memref_slice %dma_start3A_229[%mul3A_217, %dma_start3A_230] : memref<16384x1024xf32, #tpu.memory_space<hbm>> -> memref<16x1024xf32, #tpu.memory_space<hbm>>
      %dma_start3A_232 = arith.constant 0 : i32
      %dma_start3A_233 = arith.constant 0 : i32
      %dma_start3A_234 = tpu.memref_slice %arg7[%dma_start3A_218, %dma_start3A_232, %dma_start3A_233] : memref<4x16x1024xf32, #tpu.memory_space<vmem>> -> memref<1x16x1024xf32, #tpu.memory_space<vmem>>
      %dma_start3A_235 = tpu.memref_squeeze %dma_start3A_234 : memref<1x16x1024xf32, #tpu.memory_space<vmem>> -> memref<16x1024xf32, #tpu.memory_space<vmem>>
      tpu.enqueue_dma source(%dma_start3A_235 : memref<16x1024xf32, #tpu.memory_space<vmem>>) target(%dma_start3A_231 : memref<16x1024xf32, #tpu.memory_space<hbm>>) target_semaphore(%dma_start3A_228 : memref<!tpu.dma_semaphore, #tpu.memory_space<semaphore_mem>>)
      %mul3A_236 = arith.constant 4 : i32
      %mul3A_237 = arith.muli %scan3A_160, %mul3A_236 : i32
      %add3A_238 = arith.constant 1 : i32
      %add3A_239 = arith.addi %mul3A_237, %add3A_238 : i32
      %add3A_240 = arith.constant 2 : i32
      %add3A_241 = arith.addi %add3A_239, %add3A_240 : i32
      %lt3A_242 = arith.constant 32 : i32
      %lt3A_243 = arith.cmpi slt, %add3A_241, %lt3A_242 : i32
      %convert_element_type3A_244 = arith.extui %lt3A_243 : i1 to i32
      %cond3A_245 = arith.constant 0 : i32
      %cond3A_246 = arith.cmpi ne, %convert_element_type3A_244, %cond3A_245 : i32
      scf.if %cond3A_246 {
        %ge3A = arith.constant 4 : i32
        %ge3A_473 = arith.cmpi sge, %add3A_241, %ge3A : i32
        %convert_element_type3A_474 = arith.extui %ge3A_473 : i1 to i32
        %cond3A_475 = arith.constant 0 : i32
        %cond3A_476 = arith.cmpi ne, %convert_element_type3A_474, %cond3A_475 : i32
        scf.if %cond3A_476 {
          %dma_wait3A_514 = arith.constant 3 : i32
          %dma_wait3A_515 = arith.constant 3 : i32
          %dma_wait3A_516 = arith.constant 0 : i32
          %dma_wait3A_517 = arith.constant 0 : i32
          %dma_wait3A_518 = tpu.memref_slice %arg7[%dma_wait3A_514, %dma_wait3A_516, %dma_wait3A_517] : memref<4x16x1024xf32, #tpu.memory_space<vmem>> -> memref<1x16x1024xf32, #tpu.memory_space<vmem>>
          %dma_wait3A_519 = tpu.memref_squeeze %dma_wait3A_518 : memref<1x16x1024xf32, #tpu.memory_space<vmem>> -> memref<16x1024xf32, #tpu.memory_space<vmem>>
          %dma_wait3A_520 = tpu.memref_reshape %arg5 : memref<4096x4x1024xf32, #tpu.memory_space<hbm>> -> memref<16384x1024xf32, #tpu.memory_space<hbm>>
          %dma_wait3A_521 = arith.constant 0 : i32
          %dma_wait3A_522 = arith.constant 0 : i32
          %dma_wait3A_523 = tpu.memref_slice %dma_wait3A_520[%dma_wait3A_521, %dma_wait3A_522] : memref<16384x1024xf32, #tpu.memory_space<hbm>> -> memref<16x1024xf32, #tpu.memory_space<hbm>>
          %dma_wait3A_524 = tpu.memref_slice %arg11[%dma_wait3A_515] : memref<4x!tpu.dma_semaphore, #tpu.memory_space<semaphore_mem>> -> memref<1x!tpu.dma_semaphore, #tpu.memory_space<semaphore_mem>>
          %dma_wait3A_525 = tpu.memref_squeeze %dma_wait3A_524 : memref<1x!tpu.dma_semaphore, #tpu.memory_space<semaphore_mem>> -> memref<!tpu.dma_semaphore, #tpu.memory_space<semaphore_mem>>
          %dma_wait3A_526 = tpu.memref_reshape %arg5 : memref<4096x4x1024xf32, #tpu.memory_space<hbm>> -> memref<16384x1024xf32, #tpu.memory_space<hbm>>
          %dma_wait3A_527 = arith.constant 0 : i32
          %dma_wait3A_528 = arith.constant 0 : i32
          %dma_wait3A_529 = tpu.memref_slice %dma_wait3A_526[%dma_wait3A_527, %dma_wait3A_528] : memref<16384x1024xf32, #tpu.memory_space<hbm>> -> memref<16x1024xf32, #tpu.memory_space<hbm>>
          %dma_wait3A_530 = arith.constant 0 : i32
          %dma_wait3A_531 = arith.constant 0 : i32
          %dma_wait3A_532 = tpu.memref_slice %arg7[%dma_wait3A_514, %dma_wait3A_530, %dma_wait3A_531] : memref<4x16x1024xf32, #tpu.memory_space<vmem>> -> memref<1x16x1024xf32, #tpu.memory_space<vmem>>
          %dma_wait3A_533 = tpu.memref_squeeze %dma_wait3A_532 : memref<1x16x1024xf32, #tpu.memory_space<vmem>> -> memref<16x1024xf32, #tpu.memory_space<vmem>>
          tpu.wait_dma2 semaphore(%dma_wait3A_525 : memref<!tpu.dma_semaphore, #tpu.memory_space<semaphore_mem>>) src(%dma_wait3A_533 : memref<16x1024xf32, #tpu.memory_space<vmem>>) dst(%dma_wait3A_529 : memref<16x1024xf32, #tpu.memory_space<hbm>>)
        } else {
        }
        %mul3A_477 = arith.constant 4 : i32
        %mul3A_478 = arith.muli %add3A_241, %mul3A_477 : i32
        %add3A_479 = arith.addi %mul3A_2, %mul3A_478 : i32
        %dma_start3A_480 = arith.constant 3 : i32
        %dma_start3A_481 = arith.constant 3 : i32
        %dma_start3A_482 = arith.constant 0 : i32
        %dma_start3A_483 = arith.constant 0 : i32
        %dma_start3A_484 = tpu.memref_slice %arg7[%dma_start3A_480, %dma_start3A_482, %dma_start3A_483] : memref<4x16x1024xf32, #tpu.memory_space<vmem>> -> memref<1x16x1024xf32, #tpu.memory_space<vmem>>
        %dma_start3A_485 = tpu.memref_squeeze %dma_start3A_484 : memref<1x16x1024xf32, #tpu.memory_space<vmem>> -> memref<16x1024xf32, #tpu.memory_space<vmem>>
        %dma_start3A_486 = arith.constant 0 : i32
        %dma_start3A_487 = tpu.memref_slice %arg6[%add3A_241, %dma_start3A_486] : memref<32x16xi32, #tpu.memory_space<vmem>> -> memref<1x16xi32, #tpu.memory_space<vmem>>
        %dma_start3A_488 = tpu.memref_squeeze %dma_start3A_487 : memref<1x16xi32, #tpu.memory_space<vmem>> -> memref<16xi32, #tpu.memory_space<vmem>>
        %dma_start3A_489 = arith.constant 0 : i32
        %dma_start3A_490 = arith.constant 0 : i32
        %dma_start3A_491 = tpu.memref_slice %arg3[%dma_start3A_489, %dma_start3A_490] : memref<100000x1024xf32, #tpu.memory_space<hbm>> -> memref<100000x1024xf32, #tpu.memory_space<hbm>>
        %dma_start3A_492 = tpu.memref_slice %arg9[%dma_start3A_481] : memref<4x!tpu.dma_semaphore, #tpu.memory_space<semaphore_mem>> -> memref<1x!tpu.dma_semaphore, #tpu.memory_space<semaphore_mem>>
        %dma_start3A_493 = tpu.memref_squeeze %dma_start3A_492 : memref<1x!tpu.dma_semaphore, #tpu.memory_space<semaphore_mem>> -> memref<!tpu.dma_semaphore, #tpu.memory_space<semaphore_mem>>
        tpu.enqueue_indirect_dma source(%dma_start3A_491 : memref<100000x1024xf32, #tpu.memory_space<hbm>>) target(%dma_start3A_485 : memref<16x1024xf32, #tpu.memory_space<vmem>>) offsets(%dma_start3A_488 : memref<16xi32, #tpu.memory_space<vmem>>) semaphore(%dma_start3A_493 : memref<!tpu.dma_semaphore, #tpu.memory_space<semaphore_mem>>)
        %dma_start3A_494 = arith.constant 3 : i32
        %dma_start3A_495 = arith.constant 3 : i32
        %dma_start3A_496 = arith.constant 0 : i32
        %dma_start3A_497 = arith.constant 0 : i32
        %dma_start3A_498 = arith.constant 0 : i32
        %dma_start3A_499 = tpu.memref_slice %arg8[%dma_start3A_494, %dma_start3A_496, %dma_start3A_497, %dma_start3A_498] : memref<4x4x1x1024xf32, #tpu.memory_space<vmem>> -> memref<1x4x1x1024xf32, #tpu.memory_space<vmem>>
        %dma_start3A_500 = tpu.memref_squeeze %dma_start3A_499 : memref<1x4x1x1024xf32, #tpu.memory_space<vmem>> -> memref<4x1x1024xf32, #tpu.memory_space<vmem>>
        %dma_start3A_501 = arith.constant 0 : i32
        %dma_start3A_502 = arith.constant 0 : i32
        %dma_start3A_503 = tpu.memref_slice %arg4[%add3A_479, %dma_start3A_501, %dma_start3A_502] : memref<8192x1x1024xf32, #tpu.memory_space<hbm>> -> memref<4x1x1024xf32, #tpu.memory_space<hbm>>
        %dma_start3A_504 = tpu.memref_slice %arg10[%dma_start3A_495] : memref<4x!tpu.dma_semaphore, #tpu.memory_space<semaphore_mem>> -> memref<1x!tpu.dma_semaphore, #tpu.memory_space<semaphore_mem>>
        %dma_start3A_505 = tpu.memref_squeeze %dma_start3A_504 : memref<1x!tpu.dma_semaphore, #tpu.memory_space<semaphore_mem>> -> memref<!tpu.dma_semaphore, #tpu.memory_space<semaphore_mem>>
        %dma_start3A_506 = arith.constant 0 : i32
        %dma_start3A_507 = arith.constant 0 : i32
        %dma_start3A_508 = arith.constant 0 : i32
        %dma_start3A_509 = tpu.memref_slice %arg8[%dma_start3A_494, %dma_start3A_506, %dma_start3A_507, %dma_start3A_508] : memref<4x4x1x1024xf32, #tpu.memory_space<vmem>> -> memref<1x4x1x1024xf32, #tpu.memory_space<vmem>>
        %dma_start3A_510 = tpu.memref_squeeze %dma_start3A_509 : memref<1x4x1x1024xf32, #tpu.memory_space<vmem>> -> memref<4x1x1024xf32, #tpu.memory_space<vmem>>
        %dma_start3A_511 = arith.constant 0 : i32
        %dma_start3A_512 = arith.constant 0 : i32
        %dma_start3A_513 = tpu.memref_slice %arg4[%add3A_479, %dma_start3A_511, %dma_start3A_512] : memref<8192x1x1024xf32, #tpu.memory_space<hbm>> -> memref<4x1x1024xf32, #tpu.memory_space<hbm>>
        tpu.enqueue_dma source(%dma_start3A_513 : memref<4x1x1024xf32, #tpu.memory_space<hbm>>) target(%dma_start3A_510 : memref<4x1x1024xf32, #tpu.memory_space<vmem>>) target_semaphore(%dma_start3A_505 : memref<!tpu.dma_semaphore, #tpu.memory_space<semaphore_mem>>)
      } else {
      }
      %dma_wait3A_247 = arith.constant 1 : i32
      %dma_wait3A_248 = arith.constant 1 : i32
      %dma_wait3A_249 = arith.constant 0 : i32
      %dma_wait3A_250 = arith.constant 0 : i32
      %dma_wait3A_251 = tpu.memref_slice %arg7[%dma_wait3A_247, %dma_wait3A_249, %dma_wait3A_250] : memref<4x16x1024xf32, #tpu.memory_space<vmem>> -> memref<1x16x1024xf32, #tpu.memory_space<vmem>>
      %dma_wait3A_252 = tpu.memref_squeeze %dma_wait3A_251 : memref<1x16x1024xf32, #tpu.memory_space<vmem>> -> memref<16x1024xf32, #tpu.memory_space<vmem>>
      %dma_wait3A_253 = arith.constant 0 : i32
      %dma_wait3A_254 = arith.constant 0 : i32
      %dma_wait3A_255 = tpu.memref_slice %arg3[%dma_wait3A_253, %dma_wait3A_254] : memref<100000x1024xf32, #tpu.memory_space<hbm>> -> memref<16x1024xf32, #tpu.memory_space<hbm>>
      %dma_wait3A_256 = tpu.memref_slice %arg9[%dma_wait3A_248] : memref<4x!tpu.dma_semaphore, #tpu.memory_space<semaphore_mem>> -> memref<1x!tpu.dma_semaphore, #tpu.memory_space<semaphore_mem>>
      %dma_wait3A_257 = tpu.memref_squeeze %dma_wait3A_256 : memref<1x!tpu.dma_semaphore, #tpu.memory_space<semaphore_mem>> -> memref<!tpu.dma_semaphore, #tpu.memory_space<semaphore_mem>>
      %dma_wait3A_258 = arith.constant 0 : i32
      %dma_wait3A_259 = arith.constant 0 : i32
      %dma_wait3A_260 = tpu.memref_slice %arg7[%dma_wait3A_247, %dma_wait3A_258, %dma_wait3A_259] : memref<4x16x1024xf32, #tpu.memory_space<vmem>> -> memref<1x16x1024xf32, #tpu.memory_space<vmem>>
      %dma_wait3A_261 = tpu.memref_squeeze %dma_wait3A_260 : memref<1x16x1024xf32, #tpu.memory_space<vmem>> -> memref<16x1024xf32, #tpu.memory_space<vmem>>
      %dma_wait3A_262 = arith.constant 0 : i32
      %dma_wait3A_263 = arith.constant 0 : i32
      %dma_wait3A_264 = tpu.memref_slice %arg3[%dma_wait3A_262, %dma_wait3A_263] : memref<100000x1024xf32, #tpu.memory_space<hbm>> -> memref<16x1024xf32, #tpu.memory_space<hbm>>
      tpu.wait_dma2 semaphore(%dma_wait3A_257 : memref<!tpu.dma_semaphore, #tpu.memory_space<semaphore_mem>>) src(%dma_wait3A_264 : memref<16x1024xf32, #tpu.memory_space<hbm>>) dst(%dma_wait3A_261 : memref<16x1024xf32, #tpu.memory_space<vmem>>)
      %dma_wait3A_265 = arith.constant 1 : i32
      %dma_wait3A_266 = arith.constant 1 : i32
      %dma_wait3A_267 = arith.constant 0 : i32
      %dma_wait3A_268 = arith.constant 0 : i32
      %dma_wait3A_269 = arith.constant 0 : i32
      %dma_wait3A_270 = tpu.memref_slice %arg8[%dma_wait3A_265, %dma_wait3A_267, %dma_wait3A_268, %dma_wait3A_269] : memref<4x4x1x1024xf32, #tpu.memory_space<vmem>> -> memref<1x4x1x1024xf32, #tpu.memory_space<vmem>>
      %dma_wait3A_271 = tpu.memref_squeeze %dma_wait3A_270 : memref<1x4x1x1024xf32, #tpu.memory_space<vmem>> -> memref<4x1x1024xf32, #tpu.memory_space<vmem>>
      %dma_wait3A_272 = arith.constant 0 : i32
      %dma_wait3A_273 = arith.constant 0 : i32
      %dma_wait3A_274 = arith.constant 0 : i32
      %dma_wait3A_275 = tpu.memref_slice %arg4[%dma_wait3A_272, %dma_wait3A_273, %dma_wait3A_274] : memref<8192x1x1024xf32, #tpu.memory_space<hbm>> -> memref<4x1x1024xf32, #tpu.memory_space<hbm>>
      %dma_wait3A_276 = tpu.memref_slice %arg10[%dma_wait3A_266] : memref<4x!tpu.dma_semaphore, #tpu.memory_space<semaphore_mem>> -> memref<1x!tpu.dma_semaphore, #tpu.memory_space<semaphore_mem>>
      %dma_wait3A_277 = tpu.memref_squeeze %dma_wait3A_276 : memref<1x!tpu.dma_semaphore, #tpu.memory_space<semaphore_mem>> -> memref<!tpu.dma_semaphore, #tpu.memory_space<semaphore_mem>>
      %dma_wait3A_278 = arith.constant 0 : i32
      %dma_wait3A_279 = arith.constant 0 : i32
      %dma_wait3A_280 = arith.constant 0 : i32
      %dma_wait3A_281 = tpu.memref_slice %arg8[%dma_wait3A_265, %dma_wait3A_278, %dma_wait3A_279, %dma_wait3A_280] : memref<4x4x1x1024xf32, #tpu.memory_space<vmem>> -> memref<1x4x1x1024xf32, #tpu.memory_space<vmem>>
      %dma_wait3A_282 = tpu.memref_squeeze %dma_wait3A_281 : memref<1x4x1x1024xf32, #tpu.memory_space<vmem>> -> memref<4x1x1024xf32, #tpu.memory_space<vmem>>
      %dma_wait3A_283 = arith.constant 0 : i32
      %dma_wait3A_284 = arith.constant 0 : i32
      %dma_wait3A_285 = arith.constant 0 : i32
      %dma_wait3A_286 = tpu.memref_slice %arg4[%dma_wait3A_283, %dma_wait3A_284, %dma_wait3A_285] : memref<8192x1x1024xf32, #tpu.memory_space<hbm>> -> memref<4x1x1024xf32, #tpu.memory_space<hbm>>
      tpu.wait_dma2 semaphore(%dma_wait3A_277 : memref<!tpu.dma_semaphore, #tpu.memory_space<semaphore_mem>>) src(%dma_wait3A_286 : memref<4x1x1024xf32, #tpu.memory_space<hbm>>) dst(%dma_wait3A_282 : memref<4x1x1024xf32, #tpu.memory_space<vmem>>)
      %parallel_loop3A_287 = arith.constant 0 : i32
      %parallel_loop3A_288 = arith.constant 256 : i32
      %parallel_loop3A_289 = arith.constant 1 : i32
      %parallel_loop3A_290 = arith.constant 1 : i32
      %parallel_loop3A_291 = arith.constant 1 : i32
      scf.for %parallel_loop3A_473 = %parallel_loop3A_287 to %parallel_loop3A_288 step %parallel_loop3A_289  : i32 {
        %parallel_loop3A_474 = arith.constant 6 : i32
        %parallel_loop3A_475 = arith.shrsi %parallel_loop3A_473, %parallel_loop3A_474 : i32
        %parallel_loop3A_476 = arith.constant 63 : i32
        %parallel_loop3A_477 = arith.andi %parallel_loop3A_473, %parallel_loop3A_476 : i32
        %parallel_loop3A_478 = arith.constant 16 : i32
        %parallel_loop3A_479 = arith.muli %parallel_loop3A_477, %parallel_loop3A_478 : i32
        %parallel_loop3A_480 = arith.constant 0 : i32
        %parallel_loop3A_481 = arith.constant 0 : i32
        %parallel_loop3A_482 = arith.constant 0 : i32
        %parallel_loop3A_483 = arith.constant 0 : i32
        %parallel_loop3A_484 = tpu.memref_slice %arg8[%parallel_loop3A_290, %parallel_loop3A_481, %parallel_loop3A_482, %parallel_loop3A_483] : memref<4x4x1x1024xf32, #tpu.memory_space<vmem>> -> memref<1x4x1x1024xf32, #tpu.memory_space<vmem>>
        %parallel_loop3A_485 = tpu.memref_squeeze %parallel_loop3A_484 : memref<1x4x1x1024xf32, #tpu.memory_space<vmem>> -> memref<4x1x1024xf32, #tpu.memory_space<vmem>>
        %parallel_loop3A_486 = arith.index_cast %parallel_loop3A_475 : i32 to index
        %parallel_loop3A_487 = arith.index_cast %parallel_loop3A_480 : i32 to index
        %parallel_loop3A_488 = arith.index_cast %parallel_loop3A_479 : i32 to index
        %parallel_loop3A_489 = tpu.vector_load %parallel_loop3A_485[%parallel_loop3A_486, %parallel_loop3A_487, %parallel_loop3A_488] {strides = array<i32>} : memref<4x1x1024xf32, #tpu.memory_space<vmem>>, vector<1x1x16xf32>,
        %parallel_loop3A_490 = vector.shape_cast %parallel_loop3A_489 : vector<1x1x16xf32> to vector<16xf32>
        %parallel_loop3A_491 = arith.constant 4 : i32
        %parallel_loop3A_492 = arith.muli %parallel_loop3A_475, %parallel_loop3A_491 : i32
        %parallel_loop3A_493 = arith.constant 0 : i32
        %parallel_loop3A_494 = arith.addi %parallel_loop3A_492, %parallel_loop3A_493 : i32
        %parallel_loop3A_495 = arith.constant 0 : i32
        %parallel_loop3A_496 = arith.constant 0 : i32
        %parallel_loop3A_497 = tpu.memref_slice %arg7[%parallel_loop3A_291, %parallel_loop3A_495, %parallel_loop3A_496] : memref<4x16x1024xf32, #tpu.memory_space<vmem>> -> memref<1x16x1024xf32, #tpu.memory_space<vmem>>
        %parallel_loop3A_498 = tpu.memref_squeeze %parallel_loop3A_497 : memref<1x16x1024xf32, #tpu.memory_space<vmem>> -> memref<16x1024xf32, #tpu.memory_space<vmem>>
        %parallel_loop3A_499 = arith.index_cast %parallel_loop3A_494 : i32 to index
        %parallel_loop3A_500 = arith.index_cast %parallel_loop3A_479 : i32 to index
        %parallel_loop3A_501 = tpu.vector_load %parallel_loop3A_498[%parallel_loop3A_499, %parallel_loop3A_500] {strides = array<i32>} : memref<16x1024xf32, #tpu.memory_space<vmem>>, vector<1x16xf32>,
        %parallel_loop3A_502 = vector.shape_cast %parallel_loop3A_501 : vector<1x16xf32> to vector<16xf32>
        %parallel_loop3A_503 = arith.addf %parallel_loop3A_502, %parallel_loop3A_490 : vector<16xf32>
        %parallel_loop3A_504 = arith.constant 0 : i32
        %parallel_loop3A_505 = arith.constant 0 : i32
        %parallel_loop3A_506 = tpu.memref_slice %arg7[%parallel_loop3A_291, %parallel_loop3A_504, %parallel_loop3A_505] : memref<4x16x1024xf32, #tpu.memory_space<vmem>> -> memref<1x16x1024xf32, #tpu.memory_space<vmem>>
        %parallel_loop3A_507 = tpu.memref_squeeze %parallel_loop3A_506 : memref<1x16x1024xf32, #tpu.memory_space<vmem>> -> memref<16x1024xf32, #tpu.memory_space<vmem>>
        %parallel_loop3A_508 = arith.index_cast %parallel_loop3A_494 : i32 to index
        %parallel_loop3A_509 = arith.index_cast %parallel_loop3A_479 : i32 to index
        %parallel_loop3A_510 = tpu.vector_load %parallel_loop3A_507[%parallel_loop3A_508, %parallel_loop3A_509] {strides = array<i32>} : memref<16x1024xf32, #tpu.memory_space<vmem>>, vector<1x16xf32>,
        %parallel_loop3A_511 = vector.shape_cast %parallel_loop3A_510 : vector<1x16xf32> to vector<16xf32>
        %parallel_loop3A_512 = vector.shape_cast %parallel_loop3A_503 : vector<16xf32> to vector<1x16xf32>
        tpu.vector_store %parallel_loop3A_507[%parallel_loop3A_508, %parallel_loop3A_509], %parallel_loop3A_512 {strides = array<i32>} : memref<16x1024xf32, #tpu.memory_space<vmem>>, vector<1x16xf32>,
        %parallel_loop3A_513 = arith.constant 1 : i32
        %parallel_loop3A_514 = arith.addi %parallel_loop3A_492, %parallel_loop3A_513 : i32
        %parallel_loop3A_515 = arith.constant 0 : i32
        %parallel_loop3A_516 = arith.constant 0 : i32
        %parallel_loop3A_517 = tpu.memref_slice %arg7[%parallel_loop3A_291, %parallel_loop3A_515, %parallel_loop3A_516] : memref<4x16x1024xf32, #tpu.memory_space<vmem>> -> memref<1x16x1024xf32, #tpu.memory_space<vmem>>
        %parallel_loop3A_518 = tpu.memref_squeeze %parallel_loop3A_517 : memref<1x16x1024xf32, #tpu.memory_space<vmem>> -> memref<16x1024xf32, #tpu.memory_space<vmem>>
        %parallel_loop3A_519 = arith.index_cast %parallel_loop3A_514 : i32 to index
        %parallel_loop3A_520 = arith.index_cast %parallel_loop3A_479 : i32 to index
        %parallel_loop3A_521 = tpu.vector_load %parallel_loop3A_518[%parallel_loop3A_519, %parallel_loop3A_520] {strides = array<i32>} : memref<16x1024xf32, #tpu.memory_space<vmem>>, vector<1x16xf32>,
        %parallel_loop3A_522 = vector.shape_cast %parallel_loop3A_521 : vector<1x16xf32> to vector<16xf32>
        %parallel_loop3A_523 = arith.addf %parallel_loop3A_522, %parallel_loop3A_490 : vector<16xf32>
        %parallel_loop3A_524 = arith.constant 0 : i32
        %parallel_loop3A_525 = arith.constant 0 : i32
        %parallel_loop3A_526 = tpu.memref_slice %arg7[%parallel_loop3A_291, %parallel_loop3A_524, %parallel_loop3A_525] : memref<4x16x1024xf32, #tpu.memory_space<vmem>> -> memref<1x16x1024xf32, #tpu.memory_space<vmem>>
        %parallel_loop3A_527 = tpu.memref_squeeze %parallel_loop3A_526 : memref<1x16x1024xf32, #tpu.memory_space<vmem>> -> memref<16x1024xf32, #tpu.memory_space<vmem>>
        %parallel_loop3A_528 = arith.index_cast %parallel_loop3A_514 : i32 to index
        %parallel_loop3A_529 = arith.index_cast %parallel_loop3A_479 : i32 to index
        %parallel_loop3A_530 = tpu.vector_load %parallel_loop3A_527[%parallel_loop3A_528, %parallel_loop3A_529] {strides = array<i32>} : memref<16x1024xf32, #tpu.memory_space<vmem>>, vector<1x16xf32>,
        %parallel_loop3A_531 = vector.shape_cast %parallel_loop3A_530 : vector<1x16xf32> to vector<16xf32>
        %parallel_loop3A_532 = vector.shape_cast %parallel_loop3A_523 : vector<16xf32> to vector<1x16xf32>
        tpu.vector_store %parallel_loop3A_527[%parallel_loop3A_528, %parallel_loop3A_529], %parallel_loop3A_532 {strides = array<i32>} : memref<16x1024xf32, #tpu.memory_space<vmem>>, vector<1x16xf32>,
        %parallel_loop3A_533 = arith.constant 2 : i32
        %parallel_loop3A_534 = arith.addi %parallel_loop3A_492, %parallel_loop3A_533 : i32
        %parallel_loop3A_535 = arith.constant 0 : i32
        %parallel_loop3A_536 = arith.constant 0 : i32
        %parallel_loop3A_537 = tpu.memref_slice %arg7[%parallel_loop3A_291, %parallel_loop3A_535, %parallel_loop3A_536] : memref<4x16x1024xf32, #tpu.memory_space<vmem>> -> memref<1x16x1024xf32, #tpu.memory_space<vmem>>
        %parallel_loop3A_538 = tpu.memref_squeeze %parallel_loop3A_537 : memref<1x16x1024xf32, #tpu.memory_space<vmem>> -> memref<16x1024xf32, #tpu.memory_space<vmem>>
        %parallel_loop3A_539 = arith.index_cast %parallel_loop3A_534 : i32 to index
        %parallel_loop3A_540 = arith.index_cast %parallel_loop3A_479 : i32 to index
        %parallel_loop3A_541 = tpu.vector_load %parallel_loop3A_538[%parallel_loop3A_539, %parallel_loop3A_540] {strides = array<i32>} : memref<16x1024xf32, #tpu.memory_space<vmem>>, vector<1x16xf32>,
        %parallel_loop3A_542 = vector.shape_cast %parallel_loop3A_541 : vector<1x16xf32> to vector<16xf32>
        %parallel_loop3A_543 = arith.addf %parallel_loop3A_542, %parallel_loop3A_490 : vector<16xf32>
        %parallel_loop3A_544 = arith.constant 0 : i32
        %parallel_loop3A_545 = arith.constant 0 : i32
        %parallel_loop3A_546 = tpu.memref_slice %arg7[%parallel_loop3A_291, %parallel_loop3A_544, %parallel_loop3A_545] : memref<4x16x1024xf32, #tpu.memory_space<vmem>> -> memref<1x16x1024xf32, #tpu.memory_space<vmem>>
        %parallel_loop3A_547 = tpu.memref_squeeze %parallel_loop3A_546 : memref<1x16x1024xf32, #tpu.memory_space<vmem>> -> memref<16x1024xf32, #tpu.memory_space<vmem>>
        %parallel_loop3A_548 = arith.index_cast %parallel_loop3A_534 : i32 to index
        %parallel_loop3A_549 = arith.index_cast %parallel_loop3A_479 : i32 to index
        %parallel_loop3A_550 = tpu.vector_load %parallel_loop3A_547[%parallel_loop3A_548, %parallel_loop3A_549] {strides = array<i32>} : memref<16x1024xf32, #tpu.memory_space<vmem>>, vector<1x16xf32>,
        %parallel_loop3A_551 = vector.shape_cast %parallel_loop3A_550 : vector<1x16xf32> to vector<16xf32>
        %parallel_loop3A_552 = vector.shape_cast %parallel_loop3A_543 : vector<16xf32> to vector<1x16xf32>
        tpu.vector_store %parallel_loop3A_547[%parallel_loop3A_548, %parallel_loop3A_549], %parallel_loop3A_552 {strides = array<i32>} : memref<16x1024xf32, #tpu.memory_space<vmem>>, vector<1x16xf32>,
        %parallel_loop3A_553 = arith.constant 3 : i32
        %parallel_loop3A_554 = arith.addi %parallel_loop3A_492, %parallel_loop3A_553 : i32
        %parallel_loop3A_555 = arith.constant 0 : i32
        %parallel_loop3A_556 = arith.constant 0 : i32
        %parallel_loop3A_557 = tpu.memref_slice %arg7[%parallel_loop3A_291, %parallel_loop3A_555, %parallel_loop3A_556] : memref<4x16x1024xf32, #tpu.memory_space<vmem>> -> memref<1x16x1024xf32, #tpu.memory_space<vmem>>
        %parallel_loop3A_558 = tpu.memref_squeeze %parallel_loop3A_557 : memref<1x16x1024xf32, #tpu.memory_space<vmem>> -> memref<16x1024xf32, #tpu.memory_space<vmem>>
        %parallel_loop3A_559 = arith.index_cast %parallel_loop3A_554 : i32 to index
        %parallel_loop3A_560 = arith.index_cast %parallel_loop3A_479 : i32 to index
        %parallel_loop3A_561 = tpu.vector_load %parallel_loop3A_558[%parallel_loop3A_559, %parallel_loop3A_560] {strides = array<i32>} : memref<16x1024xf32, #tpu.memory_space<vmem>>, vector<1x16xf32>,
        %parallel_loop3A_562 = vector.shape_cast %parallel_loop3A_561 : vector<1x16xf32> to vector<16xf32>
        %parallel_loop3A_563 = arith.addf %parallel_loop3A_562, %parallel_loop3A_490 : vector<16xf32>
        %parallel_loop3A_564 = arith.constant 0 : i32
        %parallel_loop3A_565 = arith.constant 0 : i32
        %parallel_loop3A_566 = tpu.memref_slice %arg7[%parallel_loop3A_291, %parallel_loop3A_564, %parallel_loop3A_565] : memref<4x16x1024xf32, #tpu.memory_space<vmem>> -> memref<1x16x1024xf32, #tpu.memory_space<vmem>>
        %parallel_loop3A_567 = tpu.memref_squeeze %parallel_loop3A_566 : memref<1x16x1024xf32, #tpu.memory_space<vmem>> -> memref<16x1024xf32, #tpu.memory_space<vmem>>
        %parallel_loop3A_568 = arith.index_cast %parallel_loop3A_554 : i32 to index
        %parallel_loop3A_569 = arith.index_cast %parallel_loop3A_479 : i32 to index
        %parallel_loop3A_570 = tpu.vector_load %parallel_loop3A_567[%parallel_loop3A_568, %parallel_loop3A_569] {strides = array<i32>} : memref<16x1024xf32, #tpu.memory_space<vmem>>, vector<1x16xf32>,
        %parallel_loop3A_571 = vector.shape_cast %parallel_loop3A_570 : vector<1x16xf32> to vector<16xf32>
        %parallel_loop3A_572 = vector.shape_cast %parallel_loop3A_563 : vector<16xf32> to vector<1x16xf32>
        tpu.vector_store %parallel_loop3A_567[%parallel_loop3A_568, %parallel_loop3A_569], %parallel_loop3A_572 {strides = array<i32>} : memref<16x1024xf32, #tpu.memory_space<vmem>>, vector<1x16xf32>,
      } {sc.loop_unroll_factor = 8 : i64, sc.parallel_access}
      %mul3A_292 = arith.constant 4 : i32
      %mul3A_293 = arith.muli %add3A_239, %mul3A_292 : i32
      %add3A_294 = arith.addi %mul3A_2, %mul3A_293 : i32
      %mul3A_295 = arith.constant 4 : i32
      %mul3A_296 = arith.muli %add3A_294, %mul3A_295 : i32
      %dma_start3A_297 = arith.constant 1 : i32
      %dma_start3A_298 = arith.constant 1 : i32
      %dma_start3A_299 = arith.constant 0 : i32
      %dma_start3A_300 = arith.constant 0 : i32
      %dma_start3A_301 = tpu.memref_slice %arg7[%dma_start3A_297, %dma_start3A_299, %dma_start3A_300] : memref<4x16x1024xf32, #tpu.memory_space<vmem>> -> memref<1x16x1024xf32, #tpu.memory_space<vmem>>
      %dma_start3A_302 = tpu.memref_squeeze %dma_start3A_301 : memref<1x16x1024xf32, #tpu.memory_space<vmem>> -> memref<16x1024xf32, #tpu.memory_space<vmem>>
      %dma_start3A_303 = tpu.memref_reshape %arg5 : memref<4096x4x1024xf32, #tpu.memory_space<hbm>> -> memref<16384x1024xf32, #tpu.memory_space<hbm>>
      %dma_start3A_304 = arith.constant 0 : i32
      %dma_start3A_305 = tpu.memref_slice %dma_start3A_303[%mul3A_296, %dma_start3A_304] : memref<16384x1024xf32, #tpu.memory_space<hbm>> -> memref<16x1024xf32, #tpu.memory_space<hbm>>
      %dma_start3A_306 = tpu.memref_slice %arg11[%dma_start3A_298] : memref<4x!tpu.dma_semaphore, #tpu.memory_space<semaphore_mem>> -> memref<1x!tpu.dma_semaphore, #tpu.memory_space<semaphore_mem>>
      %dma_start3A_307 = tpu.memref_squeeze %dma_start3A_306 : memref<1x!tpu.dma_semaphore, #tpu.memory_space<semaphore_mem>> -> memref<!tpu.dma_semaphore, #tpu.memory_space<semaphore_mem>>
      %dma_start3A_308 = tpu.memref_reshape %arg5 : memref<4096x4x1024xf32, #tpu.memory_space<hbm>> -> memref<16384x1024xf32, #tpu.memory_space<hbm>>
      %dma_start3A_309 = arith.constant 0 : i32
      %dma_start3A_310 = tpu.memref_slice %dma_start3A_308[%mul3A_296, %dma_start3A_309] : memref<16384x1024xf32, #tpu.memory_space<hbm>> -> memref<16x1024xf32, #tpu.memory_space<hbm>>
      %dma_start3A_311 = arith.constant 0 : i32
      %dma_start3A_312 = arith.constant 0 : i32
      %dma_start3A_313 = tpu.memref_slice %arg7[%dma_start3A_297, %dma_start3A_311, %dma_start3A_312] : memref<4x16x1024xf32, #tpu.memory_space<vmem>> -> memref<1x16x1024xf32, #tpu.memory_space<vmem>>
      %dma_start3A_314 = tpu.memref_squeeze %dma_start3A_313 : memref<1x16x1024xf32, #tpu.memory_space<vmem>> -> memref<16x1024xf32, #tpu.memory_space<vmem>>
      tpu.enqueue_dma source(%dma_start3A_314 : memref<16x1024xf32, #tpu.memory_space<vmem>>) target(%dma_start3A_310 : memref<16x1024xf32, #tpu.memory_space<hbm>>) target_semaphore(%dma_start3A_307 : memref<!tpu.dma_semaphore, #tpu.memory_space<semaphore_mem>>)
      %mul3A_315 = arith.constant 4 : i32
      %mul3A_316 = arith.muli %scan3A_160, %mul3A_315 : i32
      %add3A_317 = arith.constant 2 : i32
      %add3A_318 = arith.addi %mul3A_316, %add3A_317 : i32
      %add3A_319 = arith.constant 2 : i32
      %add3A_320 = arith.addi %add3A_318, %add3A_319 : i32
      %lt3A_321 = arith.constant 32 : i32
      %lt3A_322 = arith.cmpi slt, %add3A_320, %lt3A_321 : i32
      %convert_element_type3A_323 = arith.extui %lt3A_322 : i1 to i32
      %cond3A_324 = arith.constant 0 : i32
      %cond3A_325 = arith.cmpi ne, %convert_element_type3A_323, %cond3A_324 : i32
      scf.if %cond3A_325 {
        %ge3A = arith.constant 4 : i32
        %ge3A_473 = arith.cmpi sge, %add3A_320, %ge3A : i32
        %convert_element_type3A_474 = arith.extui %ge3A_473 : i1 to i32
        %cond3A_475 = arith.constant 0 : i32
        %cond3A_476 = arith.cmpi ne, %convert_element_type3A_474, %cond3A_475 : i32
        scf.if %cond3A_476 {
          %dma_wait3A_514 = arith.constant 0 : i32
          %dma_wait3A_515 = arith.constant 0 : i32
          %dma_wait3A_516 = arith.constant 0 : i32
          %dma_wait3A_517 = arith.constant 0 : i32
          %dma_wait3A_518 = tpu.memref_slice %arg7[%dma_wait3A_514, %dma_wait3A_516, %dma_wait3A_517] : memref<4x16x1024xf32, #tpu.memory_space<vmem>> -> memref<1x16x1024xf32, #tpu.memory_space<vmem>>
          %dma_wait3A_519 = tpu.memref_squeeze %dma_wait3A_518 : memref<1x16x1024xf32, #tpu.memory_space<vmem>> -> memref<16x1024xf32, #tpu.memory_space<vmem>>
          %dma_wait3A_520 = tpu.memref_reshape %arg5 : memref<4096x4x1024xf32, #tpu.memory_space<hbm>> -> memref<16384x1024xf32, #tpu.memory_space<hbm>>
          %dma_wait3A_521 = arith.constant 0 : i32
          %dma_wait3A_522 = arith.constant 0 : i32
          %dma_wait3A_523 = tpu.memref_slice %dma_wait3A_520[%dma_wait3A_521, %dma_wait3A_522] : memref<16384x1024xf32, #tpu.memory_space<hbm>> -> memref<16x1024xf32, #tpu.memory_space<hbm>>
          %dma_wait3A_524 = tpu.memref_slice %arg11[%dma_wait3A_515] : memref<4x!tpu.dma_semaphore, #tpu.memory_space<semaphore_mem>> -> memref<1x!tpu.dma_semaphore, #tpu.memory_space<semaphore_mem>>
          %dma_wait3A_525 = tpu.memref_squeeze %dma_wait3A_524 : memref<1x!tpu.dma_semaphore, #tpu.memory_space<semaphore_mem>> -> memref<!tpu.dma_semaphore, #tpu.memory_space<semaphore_mem>>
          %dma_wait3A_526 = tpu.memref_reshape %arg5 : memref<4096x4x1024xf32, #tpu.memory_space<hbm>> -> memref<16384x1024xf32, #tpu.memory_space<hbm>>
          %dma_wait3A_527 = arith.constant 0 : i32
          %dma_wait3A_528 = arith.constant 0 : i32
          %dma_wait3A_529 = tpu.memref_slice %dma_wait3A_526[%dma_wait3A_527, %dma_wait3A_528] : memref<16384x1024xf32, #tpu.memory_space<hbm>> -> memref<16x1024xf32, #tpu.memory_space<hbm>>
          %dma_wait3A_530 = arith.constant 0 : i32
          %dma_wait3A_531 = arith.constant 0 : i32
          %dma_wait3A_532 = tpu.memref_slice %arg7[%dma_wait3A_514, %dma_wait3A_530, %dma_wait3A_531] : memref<4x16x1024xf32, #tpu.memory_space<vmem>> -> memref<1x16x1024xf32, #tpu.memory_space<vmem>>
          %dma_wait3A_533 = tpu.memref_squeeze %dma_wait3A_532 : memref<1x16x1024xf32, #tpu.memory_space<vmem>> -> memref<16x1024xf32, #tpu.memory_space<vmem>>
          tpu.wait_dma2 semaphore(%dma_wait3A_525 : memref<!tpu.dma_semaphore, #tpu.memory_space<semaphore_mem>>) src(%dma_wait3A_533 : memref<16x1024xf32, #tpu.memory_space<vmem>>) dst(%dma_wait3A_529 : memref<16x1024xf32, #tpu.memory_space<hbm>>)
        } else {
        }
        %mul3A_477 = arith.constant 4 : i32
        %mul3A_478 = arith.muli %add3A_320, %mul3A_477 : i32
        %add3A_479 = arith.addi %mul3A_2, %mul3A_478 : i32
        %dma_start3A_480 = arith.constant 0 : i32
        %dma_start3A_481 = arith.constant 0 : i32
        %dma_start3A_482 = arith.constant 0 : i32
        %dma_start3A_483 = arith.constant 0 : i32
        %dma_start3A_484 = tpu.memref_slice %arg7[%dma_start3A_480, %dma_start3A_482, %dma_start3A_483] : memref<4x16x1024xf32, #tpu.memory_space<vmem>> -> memref<1x16x1024xf32, #tpu.memory_space<vmem>>
        %dma_start3A_485 = tpu.memref_squeeze %dma_start3A_484 : memref<1x16x1024xf32, #tpu.memory_space<vmem>> -> memref<16x1024xf32, #tpu.memory_space<vmem>>
        %dma_start3A_486 = arith.constant 0 : i32
        %dma_start3A_487 = tpu.memref_slice %arg6[%add3A_320, %dma_start3A_486] : memref<32x16xi32, #tpu.memory_space<vmem>> -> memref<1x16xi32, #tpu.memory_space<vmem>>
        %dma_start3A_488 = tpu.memref_squeeze %dma_start3A_487 : memref<1x16xi32, #tpu.memory_space<vmem>> -> memref<16xi32, #tpu.memory_space<vmem>>
        %dma_start3A_489 = arith.constant 0 : i32
        %dma_start3A_490 = arith.constant 0 : i32
        %dma_start3A_491 = tpu.memref_slice %arg3[%dma_start3A_489, %dma_start3A_490] : memref<100000x1024xf32, #tpu.memory_space<hbm>> -> memref<100000x1024xf32, #tpu.memory_space<hbm>>
        %dma_start3A_492 = tpu.memref_slice %arg9[%dma_start3A_481] : memref<4x!tpu.dma_semaphore, #tpu.memory_space<semaphore_mem>> -> memref<1x!tpu.dma_semaphore, #tpu.memory_space<semaphore_mem>>
        %dma_start3A_493 = tpu.memref_squeeze %dma_start3A_492 : memref<1x!tpu.dma_semaphore, #tpu.memory_space<semaphore_mem>> -> memref<!tpu.dma_semaphore, #tpu.memory_space<semaphore_mem>>
        tpu.enqueue_indirect_dma source(%dma_start3A_491 : memref<100000x1024xf32, #tpu.memory_space<hbm>>) target(%dma_start3A_485 : memref<16x1024xf32, #tpu.memory_space<vmem>>) offsets(%dma_start3A_488 : memref<16xi32, #tpu.memory_space<vmem>>) semaphore(%dma_start3A_493 : memref<!tpu.dma_semaphore, #tpu.memory_space<semaphore_mem>>)
        %dma_start3A_494 = arith.constant 0 : i32
        %dma_start3A_495 = arith.constant 0 : i32
        %dma_start3A_496 = arith.constant 0 : i32
        %dma_start3A_497 = arith.constant 0 : i32
        %dma_start3A_498 = arith.constant 0 : i32
        %dma_start3A_499 = tpu.memref_slice %arg8[%dma_start3A_494, %dma_start3A_496, %dma_start3A_497, %dma_start3A_498] : memref<4x4x1x1024xf32, #tpu.memory_space<vmem>> -> memref<1x4x1x1024xf32, #tpu.memory_space<vmem>>
        %dma_start3A_500 = tpu.memref_squeeze %dma_start3A_499 : memref<1x4x1x1024xf32, #tpu.memory_space<vmem>> -> memref<4x1x1024xf32, #tpu.memory_space<vmem>>
        %dma_start3A_501 = arith.constant 0 : i32
        %dma_start3A_502 = arith.constant 0 : i32
        %dma_start3A_503 = tpu.memref_slice %arg4[%add3A_479, %dma_start3A_501, %dma_start3A_502] : memref<8192x1x1024xf32, #tpu.memory_space<hbm>> -> memref<4x1x1024xf32, #tpu.memory_space<hbm>>
        %dma_start3A_504 = tpu.memref_slice %arg10[%dma_start3A_495] : memref<4x!tpu.dma_semaphore, #tpu.memory_space<semaphore_mem>> -> memref<1x!tpu.dma_semaphore, #tpu.memory_space<semaphore_mem>>
        %dma_start3A_505 = tpu.memref_squeeze %dma_start3A_504 : memref<1x!tpu.dma_semaphore, #tpu.memory_space<semaphore_mem>> -> memref<!tpu.dma_semaphore, #tpu.memory_space<semaphore_mem>>
        %dma_start3A_506 = arith.constant 0 : i32
        %dma_start3A_507 = arith.constant 0 : i32
        %dma_start3A_508 = arith.constant 0 : i32
        %dma_start3A_509 = tpu.memref_slice %arg8[%dma_start3A_494, %dma_start3A_506, %dma_start3A_507, %dma_start3A_508] : memref<4x4x1x1024xf32, #tpu.memory_space<vmem>> -> memref<1x4x1x1024xf32, #tpu.memory_space<vmem>>
        %dma_start3A_510 = tpu.memref_squeeze %dma_start3A_509 : memref<1x4x1x1024xf32, #tpu.memory_space<vmem>> -> memref<4x1x1024xf32, #tpu.memory_space<vmem>>
        %dma_start3A_511 = arith.constant 0 : i32
        %dma_start3A_512 = arith.constant 0 : i32
        %dma_start3A_513 = tpu.memref_slice %arg4[%add3A_479, %dma_start3A_511, %dma_start3A_512] : memref<8192x1x1024xf32, #tpu.memory_space<hbm>> -> memref<4x1x1024xf32, #tpu.memory_space<hbm>>
        tpu.enqueue_dma source(%dma_start3A_513 : memref<4x1x1024xf32, #tpu.memory_space<hbm>>) target(%dma_start3A_510 : memref<4x1x1024xf32, #tpu.memory_space<vmem>>) target_semaphore(%dma_start3A_505 : memref<!tpu.dma_semaphore, #tpu.memory_space<semaphore_mem>>)
      } else {
      }
      %dma_wait3A_326 = arith.constant 2 : i32
      %dma_wait3A_327 = arith.constant 2 : i32
      %dma_wait3A_328 = arith.constant 0 : i32
      %dma_wait3A_329 = arith.constant 0 : i32
      %dma_wait3A_330 = tpu.memref_slice %arg7[%dma_wait3A_326, %dma_wait3A_328, %dma_wait3A_329] : memref<4x16x1024xf32, #tpu.memory_space<vmem>> -> memref<1x16x1024xf32, #tpu.memory_space<vmem>>
      %dma_wait3A_331 = tpu.memref_squeeze %dma_wait3A_330 : memref<1x16x1024xf32, #tpu.memory_space<vmem>> -> memref<16x1024xf32, #tpu.memory_space<vmem>>
      %dma_wait3A_332 = arith.constant 0 : i32
      %dma_wait3A_333 = arith.constant 0 : i32
      %dma_wait3A_334 = tpu.memref_slice %arg3[%dma_wait3A_332, %dma_wait3A_333] : memref<100000x1024xf32, #tpu.memory_space<hbm>> -> memref<16x1024xf32, #tpu.memory_space<hbm>>
      %dma_wait3A_335 = tpu.memref_slice %arg9[%dma_wait3A_327] : memref<4x!tpu.dma_semaphore, #tpu.memory_space<semaphore_mem>> -> memref<1x!tpu.dma_semaphore, #tpu.memory_space<semaphore_mem>>
      %dma_wait3A_336 = tpu.memref_squeeze %dma_wait3A_335 : memref<1x!tpu.dma_semaphore, #tpu.memory_space<semaphore_mem>> -> memref<!tpu.dma_semaphore, #tpu.memory_space<semaphore_mem>>
      %dma_wait3A_337 = arith.constant 0 : i32
      %dma_wait3A_338 = arith.constant 0 : i32
      %dma_wait3A_339 = tpu.memref_slice %arg7[%dma_wait3A_326, %dma_wait3A_337, %dma_wait3A_338] : memref<4x16x1024xf32, #tpu.memory_space<vmem>> -> memref<1x16x1024xf32, #tpu.memory_space<vmem>>
      %dma_wait3A_340 = tpu.memref_squeeze %dma_wait3A_339 : memref<1x16x1024xf32, #tpu.memory_space<vmem>> -> memref<16x1024xf32, #tpu.memory_space<vmem>>
      %dma_wait3A_341 = arith.constant 0 : i32
      %dma_wait3A_342 = arith.constant 0 : i32
      %dma_wait3A_343 = tpu.memref_slice %arg3[%dma_wait3A_341, %dma_wait3A_342] : memref<100000x1024xf32, #tpu.memory_space<hbm>> -> memref<16x1024xf32, #tpu.memory_space<hbm>>
      tpu.wait_dma2 semaphore(%dma_wait3A_336 : memref<!tpu.dma_semaphore, #tpu.memory_space<semaphore_mem>>) src(%dma_wait3A_343 : memref<16x1024xf32, #tpu.memory_space<hbm>>) dst(%dma_wait3A_340 : memref<16x1024xf32, #tpu.memory_space<vmem>>)
      %dma_wait3A_344 = arith.constant 2 : i32
      %dma_wait3A_345 = arith.constant 2 : i32
      %dma_wait3A_346 = arith.constant 0 : i32
      %dma_wait3A_347 = arith.constant 0 : i32
      %dma_wait3A_348 = arith.constant 0 : i32
      %dma_wait3A_349 = tpu.memref_slice %arg8[%dma_wait3A_344, %dma_wait3A_346, %dma_wait3A_347, %dma_wait3A_348] : memref<4x4x1x1024xf32, #tpu.memory_space<vmem>> -> memref<1x4x1x1024xf32, #tpu.memory_space<vmem>>
      %dma_wait3A_350 = tpu.memref_squeeze %dma_wait3A_349 : memref<1x4x1x1024xf32, #tpu.memory_space<vmem>> -> memref<4x1x1024xf32, #tpu.memory_space<vmem>>
      %dma_wait3A_351 = arith.constant 0 : i32
      %dma_wait3A_352 = arith.constant 0 : i32
      %dma_wait3A_353 = arith.constant 0 : i32
      %dma_wait3A_354 = tpu.memref_slice %arg4[%dma_wait3A_351, %dma_wait3A_352, %dma_wait3A_353] : memref<8192x1x1024xf32, #tpu.memory_space<hbm>> -> memref<4x1x1024xf32, #tpu.memory_space<hbm>>
      %dma_wait3A_355 = tpu.memref_slice %arg10[%dma_wait3A_345] : memref<4x!tpu.dma_semaphore, #tpu.memory_space<semaphore_mem>> -> memref<1x!tpu.dma_semaphore, #tpu.memory_space<semaphore_mem>>
      %dma_wait3A_356 = tpu.memref_squeeze %dma_wait3A_355 : memref<1x!tpu.dma_semaphore, #tpu.memory_space<semaphore_mem>> -> memref<!tpu.dma_semaphore, #tpu.memory_space<semaphore_mem>>
      %dma_wait3A_357 = arith.constant 0 : i32
      %dma_wait3A_358 = arith.constant 0 : i32
      %dma_wait3A_359 = arith.constant 0 : i32
      %dma_wait3A_360 = tpu.memref_slice %arg8[%dma_wait3A_344, %dma_wait3A_357, %dma_wait3A_358, %dma_wait3A_359] : memref<4x4x1x1024xf32, #tpu.memory_space<vmem>> -> memref<1x4x1x1024xf32, #tpu.memory_space<vmem>>
      %dma_wait3A_361 = tpu.memref_squeeze %dma_wait3A_360 : memref<1x4x1x1024xf32, #tpu.memory_space<vmem>> -> memref<4x1x1024xf32, #tpu.memory_space<vmem>>
      %dma_wait3A_362 = arith.constant 0 : i32
      %dma_wait3A_363 = arith.constant 0 : i32
      %dma_wait3A_364 = arith.constant 0 : i32
      %dma_wait3A_365 = tpu.memref_slice %arg4[%dma_wait3A_362, %dma_wait3A_363, %dma_wait3A_364] : memref<8192x1x1024xf32, #tpu.memory_space<hbm>> -> memref<4x1x1024xf32, #tpu.memory_space<hbm>>
      tpu.wait_dma2 semaphore(%dma_wait3A_356 : memref<!tpu.dma_semaphore, #tpu.memory_space<semaphore_mem>>) src(%dma_wait3A_365 : memref<4x1x1024xf32, #tpu.memory_space<hbm>>) dst(%dma_wait3A_361 : memref<4x1x1024xf32, #tpu.memory_space<vmem>>)
      %parallel_loop3A_366 = arith.constant 0 : i32
      %parallel_loop3A_367 = arith.constant 256 : i32
      %parallel_loop3A_368 = arith.constant 1 : i32
      %parallel_loop3A_369 = arith.constant 2 : i32
      %parallel_loop3A_370 = arith.constant 2 : i32
      scf.for %parallel_loop3A_473 = %parallel_loop3A_366 to %parallel_loop3A_367 step %parallel_loop3A_368  : i32 {
        %parallel_loop3A_474 = arith.constant 6 : i32
        %parallel_loop3A_475 = arith.shrsi %parallel_loop3A_473, %parallel_loop3A_474 : i32
        %parallel_loop3A_476 = arith.constant 63 : i32
        %parallel_loop3A_477 = arith.andi %parallel_loop3A_473, %parallel_loop3A_476 : i32
        %parallel_loop3A_478 = arith.constant 16 : i32
        %parallel_loop3A_479 = arith.muli %parallel_loop3A_477, %parallel_loop3A_478 : i32
        %parallel_loop3A_480 = arith.constant 0 : i32
        %parallel_loop3A_481 = arith.constant 0 : i32
        %parallel_loop3A_482 = arith.constant 0 : i32
        %parallel_loop3A_483 = arith.constant 0 : i32
        %parallel_loop3A_484 = tpu.memref_slice %arg8[%parallel_loop3A_369, %parallel_loop3A_481, %parallel_loop3A_482, %parallel_loop3A_483] : memref<4x4x1x1024xf32, #tpu.memory_space<vmem>> -> memref<1x4x1x1024xf32, #tpu.memory_space<vmem>>
        %parallel_loop3A_485 = tpu.memref_squeeze %parallel_loop3A_484 : memref<1x4x1x1024xf32, #tpu.memory_space<vmem>> -> memref<4x1x1024xf32, #tpu.memory_space<vmem>>
        %parallel_loop3A_486 = arith.index_cast %parallel_loop3A_475 : i32 to index
        %parallel_loop3A_487 = arith.index_cast %parallel_loop3A_480 : i32 to index
        %parallel_loop3A_488 = arith.index_cast %parallel_loop3A_479 : i32 to index
        %parallel_loop3A_489 = tpu.vector_load %parallel_loop3A_485[%parallel_loop3A_486, %parallel_loop3A_487, %parallel_loop3A_488] {strides = array<i32>} : memref<4x1x1024xf32, #tpu.memory_space<vmem>>, vector<1x1x16xf32>,
        %parallel_loop3A_490 = vector.shape_cast %parallel_loop3A_489 : vector<1x1x16xf32> to vector<16xf32>
        %parallel_loop3A_491 = arith.constant 4 : i32
        %parallel_loop3A_492 = arith.muli %parallel_loop3A_475, %parallel_loop3A_491 : i32
        %parallel_loop3A_493 = arith.constant 0 : i32
        %parallel_loop3A_494 = arith.addi %parallel_loop3A_492, %parallel_loop3A_493 : i32
        %parallel_loop3A_495 = arith.constant 0 : i32
        %parallel_loop3A_496 = arith.constant 0 : i32
        %parallel_loop3A_497 = tpu.memref_slice %arg7[%parallel_loop3A_370, %parallel_loop3A_495, %parallel_loop3A_496] : memref<4x16x1024xf32, #tpu.memory_space<vmem>> -> memref<1x16x1024xf32, #tpu.memory_space<vmem>>
        %parallel_loop3A_498 = tpu.memref_squeeze %parallel_loop3A_497 : memref<1x16x1024xf32, #tpu.memory_space<vmem>> -> memref<16x1024xf32, #tpu.memory_space<vmem>>
        %parallel_loop3A_499 = arith.index_cast %parallel_loop3A_494 : i32 to index
        %parallel_loop3A_500 = arith.index_cast %parallel_loop3A_479 : i32 to index
        %parallel_loop3A_501 = tpu.vector_load %parallel_loop3A_498[%parallel_loop3A_499, %parallel_loop3A_500] {strides = array<i32>} : memref<16x1024xf32, #tpu.memory_space<vmem>>, vector<1x16xf32>,
        %parallel_loop3A_502 = vector.shape_cast %parallel_loop3A_501 : vector<1x16xf32> to vector<16xf32>
        %parallel_loop3A_503 = arith.addf %parallel_loop3A_502, %parallel_loop3A_490 : vector<16xf32>
        %parallel_loop3A_504 = arith.constant 0 : i32
        %parallel_loop3A_505 = arith.constant 0 : i32
        %parallel_loop3A_506 = tpu.memref_slice %arg7[%parallel_loop3A_370, %parallel_loop3A_504, %parallel_loop3A_505] : memref<4x16x1024xf32, #tpu.memory_space<vmem>> -> memref<1x16x1024xf32, #tpu.memory_space<vmem>>
        %parallel_loop3A_507 = tpu.memref_squeeze %parallel_loop3A_506 : memref<1x16x1024xf32, #tpu.memory_space<vmem>> -> memref<16x1024xf32, #tpu.memory_space<vmem>>
        %parallel_loop3A_508 = arith.index_cast %parallel_loop3A_494 : i32 to index
        %parallel_loop3A_509 = arith.index_cast %parallel_loop3A_479 : i32 to index
        %parallel_loop3A_510 = tpu.vector_load %parallel_loop3A_507[%parallel_loop3A_508, %parallel_loop3A_509] {strides = array<i32>} : memref<16x1024xf32, #tpu.memory_space<vmem>>, vector<1x16xf32>,
        %parallel_loop3A_511 = vector.shape_cast %parallel_loop3A_510 : vector<1x16xf32> to vector<16xf32>
        %parallel_loop3A_512 = vector.shape_cast %parallel_loop3A_503 : vector<16xf32> to vector<1x16xf32>
        tpu.vector_store %parallel_loop3A_507[%parallel_loop3A_508, %parallel_loop3A_509], %parallel_loop3A_512 {strides = array<i32>} : memref<16x1024xf32, #tpu.memory_space<vmem>>, vector<1x16xf32>,
        %parallel_loop3A_513 = arith.constant 1 : i32
        %parallel_loop3A_514 = arith.addi %parallel_loop3A_492, %parallel_loop3A_513 : i32
        %parallel_loop3A_515 = arith.constant 0 : i32
        %parallel_loop3A_516 = arith.constant 0 : i32
        %parallel_loop3A_517 = tpu.memref_slice %arg7[%parallel_loop3A_370, %parallel_loop3A_515, %parallel_loop3A_516] : memref<4x16x1024xf32, #tpu.memory_space<vmem>> -> memref<1x16x1024xf32, #tpu.memory_space<vmem>>
        %parallel_loop3A_518 = tpu.memref_squeeze %parallel_loop3A_517 : memref<1x16x1024xf32, #tpu.memory_space<vmem>> -> memref<16x1024xf32, #tpu.memory_space<vmem>>
        %parallel_loop3A_519 = arith.index_cast %parallel_loop3A_514 : i32 to index
        %parallel_loop3A_520 = arith.index_cast %parallel_loop3A_479 : i32 to index
        %parallel_loop3A_521 = tpu.vector_load %parallel_loop3A_518[%parallel_loop3A_519, %parallel_loop3A_520] {strides = array<i32>} : memref<16x1024xf32, #tpu.memory_space<vmem>>, vector<1x16xf32>,
        %parallel_loop3A_522 = vector.shape_cast %parallel_loop3A_521 : vector<1x16xf32> to vector<16xf32>
        %parallel_loop3A_523 = arith.addf %parallel_loop3A_522, %parallel_loop3A_490 : vector<16xf32>
        %parallel_loop3A_524 = arith.constant 0 : i32
        %parallel_loop3A_525 = arith.constant 0 : i32
        %parallel_loop3A_526 = tpu.memref_slice %arg7[%parallel_loop3A_370, %parallel_loop3A_524, %parallel_loop3A_525] : memref<4x16x1024xf32, #tpu.memory_space<vmem>> -> memref<1x16x1024xf32, #tpu.memory_space<vmem>>
        %parallel_loop3A_527 = tpu.memref_squeeze %parallel_loop3A_526 : memref<1x16x1024xf32, #tpu.memory_space<vmem>> -> memref<16x1024xf32, #tpu.memory_space<vmem>>
        %parallel_loop3A_528 = arith.index_cast %parallel_loop3A_514 : i32 to index
        %parallel_loop3A_529 = arith.index_cast %parallel_loop3A_479 : i32 to index
        %parallel_loop3A_530 = tpu.vector_load %parallel_loop3A_527[%parallel_loop3A_528, %parallel_loop3A_529] {strides = array<i32>} : memref<16x1024xf32, #tpu.memory_space<vmem>>, vector<1x16xf32>,
        %parallel_loop3A_531 = vector.shape_cast %parallel_loop3A_530 : vector<1x16xf32> to vector<16xf32>
        %parallel_loop3A_532 = vector.shape_cast %parallel_loop3A_523 : vector<16xf32> to vector<1x16xf32>
        tpu.vector_store %parallel_loop3A_527[%parallel_loop3A_528, %parallel_loop3A_529], %parallel_loop3A_532 {strides = array<i32>} : memref<16x1024xf32, #tpu.memory_space<vmem>>, vector<1x16xf32>,
        %parallel_loop3A_533 = arith.constant 2 : i32
        %parallel_loop3A_534 = arith.addi %parallel_loop3A_492, %parallel_loop3A_533 : i32
        %parallel_loop3A_535 = arith.constant 0 : i32
        %parallel_loop3A_536 = arith.constant 0 : i32
        %parallel_loop3A_537 = tpu.memref_slice %arg7[%parallel_loop3A_370, %parallel_loop3A_535, %parallel_loop3A_536] : memref<4x16x1024xf32, #tpu.memory_space<vmem>> -> memref<1x16x1024xf32, #tpu.memory_space<vmem>>
        %parallel_loop3A_538 = tpu.memref_squeeze %parallel_loop3A_537 : memref<1x16x1024xf32, #tpu.memory_space<vmem>> -> memref<16x1024xf32, #tpu.memory_space<vmem>>
        %parallel_loop3A_539 = arith.index_cast %parallel_loop3A_534 : i32 to index
        %parallel_loop3A_540 = arith.index_cast %parallel_loop3A_479 : i32 to index
        %parallel_loop3A_541 = tpu.vector_load %parallel_loop3A_538[%parallel_loop3A_539, %parallel_loop3A_540] {strides = array<i32>} : memref<16x1024xf32, #tpu.memory_space<vmem>>, vector<1x16xf32>,
        %parallel_loop3A_542 = vector.shape_cast %parallel_loop3A_541 : vector<1x16xf32> to vector<16xf32>
        %parallel_loop3A_543 = arith.addf %parallel_loop3A_542, %parallel_loop3A_490 : vector<16xf32>
        %parallel_loop3A_544 = arith.constant 0 : i32
        %parallel_loop3A_545 = arith.constant 0 : i32
        %parallel_loop3A_546 = tpu.memref_slice %arg7[%parallel_loop3A_370, %parallel_loop3A_544, %parallel_loop3A_545] : memref<4x16x1024xf32, #tpu.memory_space<vmem>> -> memref<1x16x1024xf32, #tpu.memory_space<vmem>>
        %parallel_loop3A_547 = tpu.memref_squeeze %parallel_loop3A_546 : memref<1x16x1024xf32, #tpu.memory_space<vmem>> -> memref<16x1024xf32, #tpu.memory_space<vmem>>
        %parallel_loop3A_548 = arith.index_cast %parallel_loop3A_534 : i32 to index
        %parallel_loop3A_549 = arith.index_cast %parallel_loop3A_479 : i32 to index
        %parallel_loop3A_550 = tpu.vector_load %parallel_loop3A_547[%parallel_loop3A_548, %parallel_loop3A_549] {strides = array<i32>} : memref<16x1024xf32, #tpu.memory_space<vmem>>, vector<1x16xf32>,
        %parallel_loop3A_551 = vector.shape_cast %parallel_loop3A_550 : vector<1x16xf32> to vector<16xf32>
        %parallel_loop3A_552 = vector.shape_cast %parallel_loop3A_543 : vector<16xf32> to vector<1x16xf32>
        tpu.vector_store %parallel_loop3A_547[%parallel_loop3A_548, %parallel_loop3A_549], %parallel_loop3A_552 {strides = array<i32>} : memref<16x1024xf32, #tpu.memory_space<vmem>>, vector<1x16xf32>,
        %parallel_loop3A_553 = arith.constant 3 : i32
        %parallel_loop3A_554 = arith.addi %parallel_loop3A_492, %parallel_loop3A_553 : i32
        %parallel_loop3A_555 = arith.constant 0 : i32
        %parallel_loop3A_556 = arith.constant 0 : i32
        %parallel_loop3A_557 = tpu.memref_slice %arg7[%parallel_loop3A_370, %parallel_loop3A_555, %parallel_loop3A_556] : memref<4x16x1024xf32, #tpu.memory_space<vmem>> -> memref<1x16x1024xf32, #tpu.memory_space<vmem>>
        %parallel_loop3A_558 = tpu.memref_squeeze %parallel_loop3A_557 : memref<1x16x1024xf32, #tpu.memory_space<vmem>> -> memref<16x1024xf32, #tpu.memory_space<vmem>>
        %parallel_loop3A_559 = arith.index_cast %parallel_loop3A_554 : i32 to index
        %parallel_loop3A_560 = arith.index_cast %parallel_loop3A_479 : i32 to index
        %parallel_loop3A_561 = tpu.vector_load %parallel_loop3A_558[%parallel_loop3A_559, %parallel_loop3A_560] {strides = array<i32>} : memref<16x1024xf32, #tpu.memory_space<vmem>>, vector<1x16xf32>,
        %parallel_loop3A_562 = vector.shape_cast %parallel_loop3A_561 : vector<1x16xf32> to vector<16xf32>
        %parallel_loop3A_563 = arith.addf %parallel_loop3A_562, %parallel_loop3A_490 : vector<16xf32>
        %parallel_loop3A_564 = arith.constant 0 : i32
        %parallel_loop3A_565 = arith.constant 0 : i32
        %parallel_loop3A_566 = tpu.memref_slice %arg7[%parallel_loop3A_370, %parallel_loop3A_564, %parallel_loop3A_565] : memref<4x16x1024xf32, #tpu.memory_space<vmem>> -> memref<1x16x1024xf32, #tpu.memory_space<vmem>>
        %parallel_loop3A_567 = tpu.memref_squeeze %parallel_loop3A_566 : memref<1x16x1024xf32, #tpu.memory_space<vmem>> -> memref<16x1024xf32, #tpu.memory_space<vmem>>
        %parallel_loop3A_568 = arith.index_cast %parallel_loop3A_554 : i32 to index
        %parallel_loop3A_569 = arith.index_cast %parallel_loop3A_479 : i32 to index
        %parallel_loop3A_570 = tpu.vector_load %parallel_loop3A_567[%parallel_loop3A_568, %parallel_loop3A_569] {strides = array<i32>} : memref<16x1024xf32, #tpu.memory_space<vmem>>, vector<1x16xf32>,
        %parallel_loop3A_571 = vector.shape_cast %parallel_loop3A_570 : vector<1x16xf32> to vector<16xf32>
        %parallel_loop3A_572 = vector.shape_cast %parallel_loop3A_563 : vector<16xf32> to vector<1x16xf32>
        tpu.vector_store %parallel_loop3A_567[%parallel_loop3A_568, %parallel_loop3A_569], %parallel_loop3A_572 {strides = array<i32>} : memref<16x1024xf32, #tpu.memory_space<vmem>>, vector<1x16xf32>,
      } {sc.loop_unroll_factor = 8 : i64, sc.parallel_access}
      %mul3A_371 = arith.constant 4 : i32
      %mul3A_372 = arith.muli %add3A_318, %mul3A_371 : i32
      %add3A_373 = arith.addi %mul3A_2, %mul3A_372 : i32
      %mul3A_374 = arith.constant 4 : i32
      %mul3A_375 = arith.muli %add3A_373, %mul3A_374 : i32
      %dma_start3A_376 = arith.constant 2 : i32
      %dma_start3A_377 = arith.constant 2 : i32
      %dma_start3A_378 = arith.constant 0 : i32
      %dma_start3A_379 = arith.constant 0 : i32
      %dma_start3A_380 = tpu.memref_slice %arg7[%dma_start3A_376, %dma_start3A_378, %dma_start3A_379] : memref<4x16x1024xf32, #tpu.memory_space<vmem>> -> memref<1x16x1024xf32, #tpu.memory_space<vmem>>
      %dma_start3A_381 = tpu.memref_squeeze %dma_start3A_380 : memref<1x16x1024xf32, #tpu.memory_space<vmem>> -> memref<16x1024xf32, #tpu.memory_space<vmem>>
      %dma_start3A_382 = tpu.memref_reshape %arg5 : memref<4096x4x1024xf32, #tpu.memory_space<hbm>> -> memref<16384x1024xf32, #tpu.memory_space<hbm>>
      %dma_start3A_383 = arith.constant 0 : i32
      %dma_start3A_384 = tpu.memref_slice %dma_start3A_382[%mul3A_375, %dma_start3A_383] : memref<16384x1024xf32, #tpu.memory_space<hbm>> -> memref<16x1024xf32, #tpu.memory_space<hbm>>
      %dma_start3A_385 = tpu.memref_slice %arg11[%dma_start3A_377] : memref<4x!tpu.dma_semaphore, #tpu.memory_space<semaphore_mem>> -> memref<1x!tpu.dma_semaphore, #tpu.memory_space<semaphore_mem>>
      %dma_start3A_386 = tpu.memref_squeeze %dma_start3A_385 : memref<1x!tpu.dma_semaphore, #tpu.memory_space<semaphore_mem>> -> memref<!tpu.dma_semaphore, #tpu.memory_space<semaphore_mem>>
      %dma_start3A_387 = tpu.memref_reshape %arg5 : memref<4096x4x1024xf32, #tpu.memory_space<hbm>> -> memref<16384x1024xf32, #tpu.memory_space<hbm>>
      %dma_start3A_388 = arith.constant 0 : i32
      %dma_start3A_389 = tpu.memref_slice %dma_start3A_387[%mul3A_375, %dma_start3A_388] : memref<16384x1024xf32, #tpu.memory_space<hbm>> -> memref<16x1024xf32, #tpu.memory_space<hbm>>
      %dma_start3A_390 = arith.constant 0 : i32
      %dma_start3A_391 = arith.constant 0 : i32
      %dma_start3A_392 = tpu.memref_slice %arg7[%dma_start3A_376, %dma_start3A_390, %dma_start3A_391] : memref<4x16x1024xf32, #tpu.memory_space<vmem>> -> memref<1x16x1024xf32, #tpu.memory_space<vmem>>
      %dma_start3A_393 = tpu.memref_squeeze %dma_start3A_392 : memref<1x16x1024xf32, #tpu.memory_space<vmem>> -> memref<16x1024xf32, #tpu.memory_space<vmem>>
      tpu.enqueue_dma source(%dma_start3A_393 : memref<16x1024xf32, #tpu.memory_space<vmem>>) target(%dma_start3A_389 : memref<16x1024xf32, #tpu.memory_space<hbm>>) target_semaphore(%dma_start3A_386 : memref<!tpu.dma_semaphore, #tpu.memory_space<semaphore_mem>>)
      %mul3A_394 = arith.constant 4 : i32
      %mul3A_395 = arith.muli %scan3A_160, %mul3A_394 : i32
      %add3A_396 = arith.constant 3 : i32
      %add3A_397 = arith.addi %mul3A_395, %add3A_396 : i32
      %add3A_398 = arith.constant 2 : i32
      %add3A_399 = arith.addi %add3A_397, %add3A_398 : i32
      %lt3A_400 = arith.constant 32 : i32
      %lt3A_401 = arith.cmpi slt, %add3A_399, %lt3A_400 : i32
      %convert_element_type3A_402 = arith.extui %lt3A_401 : i1 to i32
      %cond3A_403 = arith.constant 0 : i32
      %cond3A_404 = arith.cmpi ne, %convert_element_type3A_402, %cond3A_403 : i32
      scf.if %cond3A_404 {
        %ge3A = arith.constant 4 : i32
        %ge3A_473 = arith.cmpi sge, %add3A_399, %ge3A : i32
        %convert_element_type3A_474 = arith.extui %ge3A_473 : i1 to i32
        %cond3A_475 = arith.constant 0 : i32
        %cond3A_476 = arith.cmpi ne, %convert_element_type3A_474, %cond3A_475 : i32
        scf.if %cond3A_476 {
          %dma_wait3A_514 = arith.constant 1 : i32
          %dma_wait3A_515 = arith.constant 1 : i32
          %dma_wait3A_516 = arith.constant 0 : i32
          %dma_wait3A_517 = arith.constant 0 : i32
          %dma_wait3A_518 = tpu.memref_slice %arg7[%dma_wait3A_514, %dma_wait3A_516, %dma_wait3A_517] : memref<4x16x1024xf32, #tpu.memory_space<vmem>> -> memref<1x16x1024xf32, #tpu.memory_space<vmem>>
          %dma_wait3A_519 = tpu.memref_squeeze %dma_wait3A_518 : memref<1x16x1024xf32, #tpu.memory_space<vmem>> -> memref<16x1024xf32, #tpu.memory_space<vmem>>
          %dma_wait3A_520 = tpu.memref_reshape %arg5 : memref<4096x4x1024xf32, #tpu.memory_space<hbm>> -> memref<16384x1024xf32, #tpu.memory_space<hbm>>
          %dma_wait3A_521 = arith.constant 0 : i32
          %dma_wait3A_522 = arith.constant 0 : i32
          %dma_wait3A_523 = tpu.memref_slice %dma_wait3A_520[%dma_wait3A_521, %dma_wait3A_522] : memref<16384x1024xf32, #tpu.memory_space<hbm>> -> memref<16x1024xf32, #tpu.memory_space<hbm>>
          %dma_wait3A_524 = tpu.memref_slice %arg11[%dma_wait3A_515] : memref<4x!tpu.dma_semaphore, #tpu.memory_space<semaphore_mem>> -> memref<1x!tpu.dma_semaphore, #tpu.memory_space<semaphore_mem>>
          %dma_wait3A_525 = tpu.memref_squeeze %dma_wait3A_524 : memref<1x!tpu.dma_semaphore, #tpu.memory_space<semaphore_mem>> -> memref<!tpu.dma_semaphore, #tpu.memory_space<semaphore_mem>>
          %dma_wait3A_526 = tpu.memref_reshape %arg5 : memref<4096x4x1024xf32, #tpu.memory_space<hbm>> -> memref<16384x1024xf32, #tpu.memory_space<hbm>>
          %dma_wait3A_527 = arith.constant 0 : i32
          %dma_wait3A_528 = arith.constant 0 : i32
          %dma_wait3A_529 = tpu.memref_slice %dma_wait3A_526[%dma_wait3A_527, %dma_wait3A_528] : memref<16384x1024xf32, #tpu.memory_space<hbm>> -> memref<16x1024xf32, #tpu.memory_space<hbm>>
          %dma_wait3A_530 = arith.constant 0 : i32
          %dma_wait3A_531 = arith.constant 0 : i32
          %dma_wait3A_532 = tpu.memref_slice %arg7[%dma_wait3A_514, %dma_wait3A_530, %dma_wait3A_531] : memref<4x16x1024xf32, #tpu.memory_space<vmem>> -> memref<1x16x1024xf32, #tpu.memory_space<vmem>>
          %dma_wait3A_533 = tpu.memref_squeeze %dma_wait3A_532 : memref<1x16x1024xf32, #tpu.memory_space<vmem>> -> memref<16x1024xf32, #tpu.memory_space<vmem>>
          tpu.wait_dma2 semaphore(%dma_wait3A_525 : memref<!tpu.dma_semaphore, #tpu.memory_space<semaphore_mem>>) src(%dma_wait3A_533 : memref<16x1024xf32, #tpu.memory_space<vmem>>) dst(%dma_wait3A_529 : memref<16x1024xf32, #tpu.memory_space<hbm>>)
        } else {
        }
        %mul3A_477 = arith.constant 4 : i32
        %mul3A_478 = arith.muli %add3A_399, %mul3A_477 : i32
        %add3A_479 = arith.addi %mul3A_2, %mul3A_478 : i32
        %dma_start3A_480 = arith.constant 1 : i32
        %dma_start3A_481 = arith.constant 1 : i32
        %dma_start3A_482 = arith.constant 0 : i32
        %dma_start3A_483 = arith.constant 0 : i32
        %dma_start3A_484 = tpu.memref_slice %arg7[%dma_start3A_480, %dma_start3A_482, %dma_start3A_483] : memref<4x16x1024xf32, #tpu.memory_space<vmem>> -> memref<1x16x1024xf32, #tpu.memory_space<vmem>>
        %dma_start3A_485 = tpu.memref_squeeze %dma_start3A_484 : memref<1x16x1024xf32, #tpu.memory_space<vmem>> -> memref<16x1024xf32, #tpu.memory_space<vmem>>
        %dma_start3A_486 = arith.constant 0 : i32
        %dma_start3A_487 = tpu.memref_slice %arg6[%add3A_399, %dma_start3A_486] : memref<32x16xi32, #tpu.memory_space<vmem>> -> memref<1x16xi32, #tpu.memory_space<vmem>>
        %dma_start3A_488 = tpu.memref_squeeze %dma_start3A_487 : memref<1x16xi32, #tpu.memory_space<vmem>> -> memref<16xi32, #tpu.memory_space<vmem>>
        %dma_start3A_489 = arith.constant 0 : i32
        %dma_start3A_490 = arith.constant 0 : i32
        %dma_start3A_491 = tpu.memref_slice %arg3[%dma_start3A_489, %dma_start3A_490] : memref<100000x1024xf32, #tpu.memory_space<hbm>> -> memref<100000x1024xf32, #tpu.memory_space<hbm>>
        %dma_start3A_492 = tpu.memref_slice %arg9[%dma_start3A_481] : memref<4x!tpu.dma_semaphore, #tpu.memory_space<semaphore_mem>> -> memref<1x!tpu.dma_semaphore, #tpu.memory_space<semaphore_mem>>
        %dma_start3A_493 = tpu.memref_squeeze %dma_start3A_492 : memref<1x!tpu.dma_semaphore, #tpu.memory_space<semaphore_mem>> -> memref<!tpu.dma_semaphore, #tpu.memory_space<semaphore_mem>>
        tpu.enqueue_indirect_dma source(%dma_start3A_491 : memref<100000x1024xf32, #tpu.memory_space<hbm>>) target(%dma_start3A_485 : memref<16x1024xf32, #tpu.memory_space<vmem>>) offsets(%dma_start3A_488 : memref<16xi32, #tpu.memory_space<vmem>>) semaphore(%dma_start3A_493 : memref<!tpu.dma_semaphore, #tpu.memory_space<semaphore_mem>>)
        %dma_start3A_494 = arith.constant 1 : i32
        %dma_start3A_495 = arith.constant 1 : i32
        %dma_start3A_496 = arith.constant 0 : i32
        %dma_start3A_497 = arith.constant 0 : i32
        %dma_start3A_498 = arith.constant 0 : i32
        %dma_start3A_499 = tpu.memref_slice %arg8[%dma_start3A_494, %dma_start3A_496, %dma_start3A_497, %dma_start3A_498] : memref<4x4x1x1024xf32, #tpu.memory_space<vmem>> -> memref<1x4x1x1024xf32, #tpu.memory_space<vmem>>
        %dma_start3A_500 = tpu.memref_squeeze %dma_start3A_499 : memref<1x4x1x1024xf32, #tpu.memory_space<vmem>> -> memref<4x1x1024xf32, #tpu.memory_space<vmem>>
        %dma_start3A_501 = arith.constant 0 : i32
        %dma_start3A_502 = arith.constant 0 : i32
        %dma_start3A_503 = tpu.memref_slice %arg4[%add3A_479, %dma_start3A_501, %dma_start3A_502] : memref<8192x1x1024xf32, #tpu.memory_space<hbm>> -> memref<4x1x1024xf32, #tpu.memory_space<hbm>>
        %dma_start3A_504 = tpu.memref_slice %arg10[%dma_start3A_495] : memref<4x!tpu.dma_semaphore, #tpu.memory_space<semaphore_mem>> -> memref<1x!tpu.dma_semaphore, #tpu.memory_space<semaphore_mem>>
        %dma_start3A_505 = tpu.memref_squeeze %dma_start3A_504 : memref<1x!tpu.dma_semaphore, #tpu.memory_space<semaphore_mem>> -> memref<!tpu.dma_semaphore, #tpu.memory_space<semaphore_mem>>
        %dma_start3A_506 = arith.constant 0 : i32
        %dma_start3A_507 = arith.constant 0 : i32
        %dma_start3A_508 = arith.constant 0 : i32
        %dma_start3A_509 = tpu.memref_slice %arg8[%dma_start3A_494, %dma_start3A_506, %dma_start3A_507, %dma_start3A_508] : memref<4x4x1x1024xf32, #tpu.memory_space<vmem>> -> memref<1x4x1x1024xf32, #tpu.memory_space<vmem>>
        %dma_start3A_510 = tpu.memref_squeeze %dma_start3A_509 : memref<1x4x1x1024xf32, #tpu.memory_space<vmem>> -> memref<4x1x1024xf32, #tpu.memory_space<vmem>>
        %dma_start3A_511 = arith.constant 0 : i32
        %dma_start3A_512 = arith.constant 0 : i32
        %dma_start3A_513 = tpu.memref_slice %arg4[%add3A_479, %dma_start3A_511, %dma_start3A_512] : memref<8192x1x1024xf32, #tpu.memory_space<hbm>> -> memref<4x1x1024xf32, #tpu.memory_space<hbm>>
        tpu.enqueue_dma source(%dma_start3A_513 : memref<4x1x1024xf32, #tpu.memory_space<hbm>>) target(%dma_start3A_510 : memref<4x1x1024xf32, #tpu.memory_space<vmem>>) target_semaphore(%dma_start3A_505 : memref<!tpu.dma_semaphore, #tpu.memory_space<semaphore_mem>>)
      } else {
      }
      %dma_wait3A_405 = arith.constant 3 : i32
      %dma_wait3A_406 = arith.constant 3 : i32
      %dma_wait3A_407 = arith.constant 0 : i32
      %dma_wait3A_408 = arith.constant 0 : i32
      %dma_wait3A_409 = tpu.memref_slice %arg7[%dma_wait3A_405, %dma_wait3A_407, %dma_wait3A_408] : memref<4x16x1024xf32, #tpu.memory_space<vmem>> -> memref<1x16x1024xf32, #tpu.memory_space<vmem>>
      %dma_wait3A_410 = tpu.memref_squeeze %dma_wait3A_409 : memref<1x16x1024xf32, #tpu.memory_space<vmem>> -> memref<16x1024xf32, #tpu.memory_space<vmem>>
      %dma_wait3A_411 = arith.constant 0 : i32
      %dma_wait3A_412 = arith.constant 0 : i32
      %dma_wait3A_413 = tpu.memref_slice %arg3[%dma_wait3A_411, %dma_wait3A_412] : memref<100000x1024xf32, #tpu.memory_space<hbm>> -> memref<16x1024xf32, #tpu.memory_space<hbm>>
      %dma_wait3A_414 = tpu.memref_slice %arg9[%dma_wait3A_406] : memref<4x!tpu.dma_semaphore, #tpu.memory_space<semaphore_mem>> -> memref<1x!tpu.dma_semaphore, #tpu.memory_space<semaphore_mem>>
      %dma_wait3A_415 = tpu.memref_squeeze %dma_wait3A_414 : memref<1x!tpu.dma_semaphore, #tpu.memory_space<semaphore_mem>> -> memref<!tpu.dma_semaphore, #tpu.memory_space<semaphore_mem>>
      %dma_wait3A_416 = arith.constant 0 : i32
      %dma_wait3A_417 = arith.constant 0 : i32
      %dma_wait3A_418 = tpu.memref_slice %arg7[%dma_wait3A_405, %dma_wait3A_416, %dma_wait3A_417] : memref<4x16x1024xf32, #tpu.memory_space<vmem>> -> memref<1x16x1024xf32, #tpu.memory_space<vmem>>
      %dma_wait3A_419 = tpu.memref_squeeze %dma_wait3A_418 : memref<1x16x1024xf32, #tpu.memory_space<vmem>> -> memref<16x1024xf32, #tpu.memory_space<vmem>>
      %dma_wait3A_420 = arith.constant 0 : i32
      %dma_wait3A_421 = arith.constant 0 : i32
      %dma_wait3A_422 = tpu.memref_slice %arg3[%dma_wait3A_420, %dma_wait3A_421] : memref<100000x1024xf32, #tpu.memory_space<hbm>> -> memref<16x1024xf32, #tpu.memory_space<hbm>>
      tpu.wait_dma2 semaphore(%dma_wait3A_415 : memref<!tpu.dma_semaphore, #tpu.memory_space<semaphore_mem>>) src(%dma_wait3A_422 : memref<16x1024xf32, #tpu.memory_space<hbm>>) dst(%dma_wait3A_419 : memref<16x1024xf32, #tpu.memory_space<vmem>>)
      %dma_wait3A_423 = arith.constant 3 : i32
      %dma_wait3A_424 = arith.constant 3 : i32
      %dma_wait3A_425 = arith.constant 0 : i32
      %dma_wait3A_426 = arith.constant 0 : i32
      %dma_wait3A_427 = arith.constant 0 : i32
      %dma_wait3A_428 = tpu.memref_slice %arg8[%dma_wait3A_423, %dma_wait3A_425, %dma_wait3A_426, %dma_wait3A_427] : memref<4x4x1x1024xf32, #tpu.memory_space<vmem>> -> memref<1x4x1x1024xf32, #tpu.memory_space<vmem>>
      %dma_wait3A_429 = tpu.memref_squeeze %dma_wait3A_428 : memref<1x4x1x1024xf32, #tpu.memory_space<vmem>> -> memref<4x1x1024xf32, #tpu.memory_space<vmem>>
      %dma_wait3A_430 = arith.constant 0 : i32
      %dma_wait3A_431 = arith.constant 0 : i32
      %dma_wait3A_432 = arith.constant 0 : i32
      %dma_wait3A_433 = tpu.memref_slice %arg4[%dma_wait3A_430, %dma_wait3A_431, %dma_wait3A_432] : memref<8192x1x1024xf32, #tpu.memory_space<hbm>> -> memref<4x1x1024xf32, #tpu.memory_space<hbm>>
      %dma_wait3A_434 = tpu.memref_slice %arg10[%dma_wait3A_424] : memref<4x!tpu.dma_semaphore, #tpu.memory_space<semaphore_mem>> -> memref<1x!tpu.dma_semaphore, #tpu.memory_space<semaphore_mem>>
      %dma_wait3A_435 = tpu.memref_squeeze %dma_wait3A_434 : memref<1x!tpu.dma_semaphore, #tpu.memory_space<semaphore_mem>> -> memref<!tpu.dma_semaphore, #tpu.memory_space<semaphore_mem>>
      %dma_wait3A_436 = arith.constant 0 : i32
      %dma_wait3A_437 = arith.constant 0 : i32
      %dma_wait3A_438 = arith.constant 0 : i32
      %dma_wait3A_439 = tpu.memref_slice %arg8[%dma_wait3A_423, %dma_wait3A_436, %dma_wait3A_437, %dma_wait3A_438] : memref<4x4x1x1024xf32, #tpu.memory_space<vmem>> -> memref<1x4x1x1024xf32, #tpu.memory_space<vmem>>
      %dma_wait3A_440 = tpu.memref_squeeze %dma_wait3A_439 : memref<1x4x1x1024xf32, #tpu.memory_space<vmem>> -> memref<4x1x1024xf32, #tpu.memory_space<vmem>>
      %dma_wait3A_441 = arith.constant 0 : i32
      %dma_wait3A_442 = arith.constant 0 : i32
      %dma_wait3A_443 = arith.constant 0 : i32
      %dma_wait3A_444 = tpu.memref_slice %arg4[%dma_wait3A_441, %dma_wait3A_442, %dma_wait3A_443] : memref<8192x1x1024xf32, #tpu.memory_space<hbm>> -> memref<4x1x1024xf32, #tpu.memory_space<hbm>>
      tpu.wait_dma2 semaphore(%dma_wait3A_435 : memref<!tpu.dma_semaphore, #tpu.memory_space<semaphore_mem>>) src(%dma_wait3A_444 : memref<4x1x1024xf32, #tpu.memory_space<hbm>>) dst(%dma_wait3A_440 : memref<4x1x1024xf32, #tpu.memory_space<vmem>>)
      %parallel_loop3A_445 = arith.constant 0 : i32
      %parallel_loop3A_446 = arith.constant 256 : i32
      %parallel_loop3A_447 = arith.constant 1 : i32
      %parallel_loop3A_448 = arith.constant 3 : i32
      %parallel_loop3A_449 = arith.constant 3 : i32
      scf.for %parallel_loop3A_473 = %parallel_loop3A_445 to %parallel_loop3A_446 step %parallel_loop3A_447  : i32 {
        %parallel_loop3A_474 = arith.constant 6 : i32
        %parallel_loop3A_475 = arith.shrsi %parallel_loop3A_473, %parallel_loop3A_474 : i32
        %parallel_loop3A_476 = arith.constant 63 : i32
        %parallel_loop3A_477 = arith.andi %parallel_loop3A_473, %parallel_loop3A_476 : i32
        %parallel_loop3A_478 = arith.constant 16 : i32
        %parallel_loop3A_479 = arith.muli %parallel_loop3A_477, %parallel_loop3A_478 : i32
        %parallel_loop3A_480 = arith.constant 0 : i32
        %parallel_loop3A_481 = arith.constant 0 : i32
        %parallel_loop3A_482 = arith.constant 0 : i32
        %parallel_loop3A_483 = arith.constant 0 : i32
        %parallel_loop3A_484 = tpu.memref_slice %arg8[%parallel_loop3A_448, %parallel_loop3A_481, %parallel_loop3A_482, %parallel_loop3A_483] : memref<4x4x1x1024xf32, #tpu.memory_space<vmem>> -> memref<1x4x1x1024xf32, #tpu.memory_space<vmem>>
        %parallel_loop3A_485 = tpu.memref_squeeze %parallel_loop3A_484 : memref<1x4x1x1024xf32, #tpu.memory_space<vmem>> -> memref<4x1x1024xf32, #tpu.memory_space<vmem>>
        %parallel_loop3A_486 = arith.index_cast %parallel_loop3A_475 : i32 to index
        %parallel_loop3A_487 = arith.index_cast %parallel_loop3A_480 : i32 to index
        %parallel_loop3A_488 = arith.index_cast %parallel_loop3A_479 : i32 to index
        %parallel_loop3A_489 = tpu.vector_load %parallel_loop3A_485[%parallel_loop3A_486, %parallel_loop3A_487, %parallel_loop3A_488] {strides = array<i32>} : memref<4x1x1024xf32, #tpu.memory_space<vmem>>, vector<1x1x16xf32>,
        %parallel_loop3A_490 = vector.shape_cast %parallel_loop3A_489 : vector<1x1x16xf32> to vector<16xf32>
        %parallel_loop3A_491 = arith.constant 4 : i32
        %parallel_loop3A_492 = arith.muli %parallel_loop3A_475, %parallel_loop3A_491 : i32
        %parallel_loop3A_493 = arith.constant 0 : i32
        %parallel_loop3A_494 = arith.addi %parallel_loop3A_492, %parallel_loop3A_493 : i32
        %parallel_loop3A_495 = arith.constant 0 : i32
        %parallel_loop3A_496 = arith.constant 0 : i32
        %parallel_loop3A_497 = tpu.memref_slice %arg7[%parallel_loop3A_449, %parallel_loop3A_495, %parallel_loop3A_496] : memref<4x16x1024xf32, #tpu.memory_space<vmem>> -> memref<1x16x1024xf32, #tpu.memory_space<vmem>>
        %parallel_loop3A_498 = tpu.memref_squeeze %parallel_loop3A_497 : memref<1x16x1024xf32, #tpu.memory_space<vmem>> -> memref<16x1024xf32, #tpu.memory_space<vmem>>
        %parallel_loop3A_499 = arith.index_cast %parallel_loop3A_494 : i32 to index
        %parallel_loop3A_500 = arith.index_cast %parallel_loop3A_479 : i32 to index
        %parallel_loop3A_501 = tpu.vector_load %parallel_loop3A_498[%parallel_loop3A_499, %parallel_loop3A_500] {strides = array<i32>} : memref<16x1024xf32, #tpu.memory_space<vmem>>, vector<1x16xf32>,
        %parallel_loop3A_502 = vector.shape_cast %parallel_loop3A_501 : vector<1x16xf32> to vector<16xf32>
        %parallel_loop3A_503 = arith.addf %parallel_loop3A_502, %parallel_loop3A_490 : vector<16xf32>
        %parallel_loop3A_504 = arith.constant 0 : i32
        %parallel_loop3A_505 = arith.constant 0 : i32
        %parallel_loop3A_506 = tpu.memref_slice %arg7[%parallel_loop3A_449, %parallel_loop3A_504, %parallel_loop3A_505] : memref<4x16x1024xf32, #tpu.memory_space<vmem>> -> memref<1x16x1024xf32, #tpu.memory_space<vmem>>
        %parallel_loop3A_507 = tpu.memref_squeeze %parallel_loop3A_506 : memref<1x16x1024xf32, #tpu.memory_space<vmem>> -> memref<16x1024xf32, #tpu.memory_space<vmem>>
        %parallel_loop3A_508 = arith.index_cast %parallel_loop3A_494 : i32 to index
        %parallel_loop3A_509 = arith.index_cast %parallel_loop3A_479 : i32 to index
        %parallel_loop3A_510 = tpu.vector_load %parallel_loop3A_507[%parallel_loop3A_508, %parallel_loop3A_509] {strides = array<i32>} : memref<16x1024xf32, #tpu.memory_space<vmem>>, vector<1x16xf32>,
        %parallel_loop3A_511 = vector.shape_cast %parallel_loop3A_510 : vector<1x16xf32> to vector<16xf32>
        %parallel_loop3A_512 = vector.shape_cast %parallel_loop3A_503 : vector<16xf32> to vector<1x16xf32>
        tpu.vector_store %parallel_loop3A_507[%parallel_loop3A_508, %parallel_loop3A_509], %parallel_loop3A_512 {strides = array<i32>} : memref<16x1024xf32, #tpu.memory_space<vmem>>, vector<1x16xf32>,
        %parallel_loop3A_513 = arith.constant 1 : i32
        %parallel_loop3A_514 = arith.addi %parallel_loop3A_492, %parallel_loop3A_513 : i32
        %parallel_loop3A_515 = arith.constant 0 : i32
        %parallel_loop3A_516 = arith.constant 0 : i32
        %parallel_loop3A_517 = tpu.memref_slice %arg7[%parallel_loop3A_449, %parallel_loop3A_515, %parallel_loop3A_516] : memref<4x16x1024xf32, #tpu.memory_space<vmem>> -> memref<1x16x1024xf32, #tpu.memory_space<vmem>>
        %parallel_loop3A_518 = tpu.memref_squeeze %parallel_loop3A_517 : memref<1x16x1024xf32, #tpu.memory_space<vmem>> -> memref<16x1024xf32, #tpu.memory_space<vmem>>
        %parallel_loop3A_519 = arith.index_cast %parallel_loop3A_514 : i32 to index
        %parallel_loop3A_520 = arith.index_cast %parallel_loop3A_479 : i32 to index
        %parallel_loop3A_521 = tpu.vector_load %parallel_loop3A_518[%parallel_loop3A_519, %parallel_loop3A_520] {strides = array<i32>} : memref<16x1024xf32, #tpu.memory_space<vmem>>, vector<1x16xf32>,
        %parallel_loop3A_522 = vector.shape_cast %parallel_loop3A_521 : vector<1x16xf32> to vector<16xf32>
        %parallel_loop3A_523 = arith.addf %parallel_loop3A_522, %parallel_loop3A_490 : vector<16xf32>
        %parallel_loop3A_524 = arith.constant 0 : i32
        %parallel_loop3A_525 = arith.constant 0 : i32
        %parallel_loop3A_526 = tpu.memref_slice %arg7[%parallel_loop3A_449, %parallel_loop3A_524, %parallel_loop3A_525] : memref<4x16x1024xf32, #tpu.memory_space<vmem>> -> memref<1x16x1024xf32, #tpu.memory_space<vmem>>
        %parallel_loop3A_527 = tpu.memref_squeeze %parallel_loop3A_526 : memref<1x16x1024xf32, #tpu.memory_space<vmem>> -> memref<16x1024xf32, #tpu.memory_space<vmem>>
        %parallel_loop3A_528 = arith.index_cast %parallel_loop3A_514 : i32 to index
        %parallel_loop3A_529 = arith.index_cast %parallel_loop3A_479 : i32 to index
        %parallel_loop3A_530 = tpu.vector_load %parallel_loop3A_527[%parallel_loop3A_528, %parallel_loop3A_529] {strides = array<i32>} : memref<16x1024xf32, #tpu.memory_space<vmem>>, vector<1x16xf32>,
        %parallel_loop3A_531 = vector.shape_cast %parallel_loop3A_530 : vector<1x16xf32> to vector<16xf32>
        %parallel_loop3A_532 = vector.shape_cast %parallel_loop3A_523 : vector<16xf32> to vector<1x16xf32>
        tpu.vector_store %parallel_loop3A_527[%parallel_loop3A_528, %parallel_loop3A_529], %parallel_loop3A_532 {strides = array<i32>} : memref<16x1024xf32, #tpu.memory_space<vmem>>, vector<1x16xf32>,
        %parallel_loop3A_533 = arith.constant 2 : i32
        %parallel_loop3A_534 = arith.addi %parallel_loop3A_492, %parallel_loop3A_533 : i32
        %parallel_loop3A_535 = arith.constant 0 : i32
        %parallel_loop3A_536 = arith.constant 0 : i32
        %parallel_loop3A_537 = tpu.memref_slice %arg7[%parallel_loop3A_449, %parallel_loop3A_535, %parallel_loop3A_536] : memref<4x16x1024xf32, #tpu.memory_space<vmem>> -> memref<1x16x1024xf32, #tpu.memory_space<vmem>>
        %parallel_loop3A_538 = tpu.memref_squeeze %parallel_loop3A_537 : memref<1x16x1024xf32, #tpu.memory_space<vmem>> -> memref<16x1024xf32, #tpu.memory_space<vmem>>
        %parallel_loop3A_539 = arith.index_cast %parallel_loop3A_534 : i32 to index
        %parallel_loop3A_540 = arith.index_cast %parallel_loop3A_479 : i32 to index
        %parallel_loop3A_541 = tpu.vector_load %parallel_loop3A_538[%parallel_loop3A_539, %parallel_loop3A_540] {strides = array<i32>} : memref<16x1024xf32, #tpu.memory_space<vmem>>, vector<1x16xf32>,
        %parallel_loop3A_542 = vector.shape_cast %parallel_loop3A_541 : vector<1x16xf32> to vector<16xf32>
        %parallel_loop3A_543 = arith.addf %parallel_loop3A_542, %parallel_loop3A_490 : vector<16xf32>
        %parallel_loop3A_544 = arith.constant 0 : i32
        %parallel_loop3A_545 = arith.constant 0 : i32
        %parallel_loop3A_546 = tpu.memref_slice %arg7[%parallel_loop3A_449, %parallel_loop3A_544, %parallel_loop3A_545] : memref<4x16x1024xf32, #tpu.memory_space<vmem>> -> memref<1x16x1024xf32, #tpu.memory_space<vmem>>
        %parallel_loop3A_547 = tpu.memref_squeeze %parallel_loop3A_546 : memref<1x16x1024xf32, #tpu.memory_space<vmem>> -> memref<16x1024xf32, #tpu.memory_space<vmem>>
        %parallel_loop3A_548 = arith.index_cast %parallel_loop3A_534 : i32 to index
        %parallel_loop3A_549 = arith.index_cast %parallel_loop3A_479 : i32 to index
        %parallel_loop3A_550 = tpu.vector_load %parallel_loop3A_547[%parallel_loop3A_548, %parallel_loop3A_549] {strides = array<i32>} : memref<16x1024xf32, #tpu.memory_space<vmem>>, vector<1x16xf32>,
        %parallel_loop3A_551 = vector.shape_cast %parallel_loop3A_550 : vector<1x16xf32> to vector<16xf32>
        %parallel_loop3A_552 = vector.shape_cast %parallel_loop3A_543 : vector<16xf32> to vector<1x16xf32>
        tpu.vector_store %parallel_loop3A_547[%parallel_loop3A_548, %parallel_loop3A_549], %parallel_loop3A_552 {strides = array<i32>} : memref<16x1024xf32, #tpu.memory_space<vmem>>, vector<1x16xf32>,
        %parallel_loop3A_553 = arith.constant 3 : i32
        %parallel_loop3A_554 = arith.addi %parallel_loop3A_492, %parallel_loop3A_553 : i32
        %parallel_loop3A_555 = arith.constant 0 : i32
        %parallel_loop3A_556 = arith.constant 0 : i32
        %parallel_loop3A_557 = tpu.memref_slice %arg7[%parallel_loop3A_449, %parallel_loop3A_555, %parallel_loop3A_556] : memref<4x16x1024xf32, #tpu.memory_space<vmem>> -> memref<1x16x1024xf32, #tpu.memory_space<vmem>>
        %parallel_loop3A_558 = tpu.memref_squeeze %parallel_loop3A_557 : memref<1x16x1024xf32, #tpu.memory_space<vmem>> -> memref<16x1024xf32, #tpu.memory_space<vmem>>
        %parallel_loop3A_559 = arith.index_cast %parallel_loop3A_554 : i32 to index
        %parallel_loop3A_560 = arith.index_cast %parallel_loop3A_479 : i32 to index
        %parallel_loop3A_561 = tpu.vector_load %parallel_loop3A_558[%parallel_loop3A_559, %parallel_loop3A_560] {strides = array<i32>} : memref<16x1024xf32, #tpu.memory_space<vmem>>, vector<1x16xf32>,
        %parallel_loop3A_562 = vector.shape_cast %parallel_loop3A_561 : vector<1x16xf32> to vector<16xf32>
        %parallel_loop3A_563 = arith.addf %parallel_loop3A_562, %parallel_loop3A_490 : vector<16xf32>
        %parallel_loop3A_564 = arith.constant 0 : i32
        %parallel_loop3A_565 = arith.constant 0 : i32
        %parallel_loop3A_566 = tpu.memref_slice %arg7[%parallel_loop3A_449, %parallel_loop3A_564, %parallel_loop3A_565] : memref<4x16x1024xf32, #tpu.memory_space<vmem>> -> memref<1x16x1024xf32, #tpu.memory_space<vmem>>
        %parallel_loop3A_567 = tpu.memref_squeeze %parallel_loop3A_566 : memref<1x16x1024xf32, #tpu.memory_space<vmem>> -> memref<16x1024xf32, #tpu.memory_space<vmem>>
        %parallel_loop3A_568 = arith.index_cast %parallel_loop3A_554 : i32 to index
        %parallel_loop3A_569 = arith.index_cast %parallel_loop3A_479 : i32 to index
        %parallel_loop3A_570 = tpu.vector_load %parallel_loop3A_567[%parallel_loop3A_568, %parallel_loop3A_569] {strides = array<i32>} : memref<16x1024xf32, #tpu.memory_space<vmem>>, vector<1x16xf32>,
        %parallel_loop3A_571 = vector.shape_cast %parallel_loop3A_570 : vector<1x16xf32> to vector<16xf32>
        %parallel_loop3A_572 = vector.shape_cast %parallel_loop3A_563 : vector<16xf32> to vector<1x16xf32>
        tpu.vector_store %parallel_loop3A_567[%parallel_loop3A_568, %parallel_loop3A_569], %parallel_loop3A_572 {strides = array<i32>} : memref<16x1024xf32, #tpu.memory_space<vmem>>, vector<1x16xf32>,
      } {sc.loop_unroll_factor = 8 : i64, sc.parallel_access}
      %mul3A_450 = arith.constant 4 : i32
      %mul3A_451 = arith.muli %add3A_397, %mul3A_450 : i32
      %add3A_452 = arith.addi %mul3A_2, %mul3A_451 : i32
      %mul3A_453 = arith.constant 4 : i32
      %mul3A_454 = arith.muli %add3A_452, %mul3A_453 : i32
      %dma_start3A_455 = arith.constant 3 : i32
      %dma_start3A_456 = arith.constant 3 : i32
      %dma_start3A_457 = arith.constant 0 : i32
      %dma_start3A_458 = arith.constant 0 : i32
      %dma_start3A_459 = tpu.memref_slice %arg7[%dma_start3A_455, %dma_start3A_457, %dma_start3A_458] : memref<4x16x1024xf32, #tpu.memory_space<vmem>> -> memref<1x16x1024xf32, #tpu.memory_space<vmem>>
      %dma_start3A_460 = tpu.memref_squeeze %dma_start3A_459 : memref<1x16x1024xf32, #tpu.memory_space<vmem>> -> memref<16x1024xf32, #tpu.memory_space<vmem>>
      %dma_start3A_461 = tpu.memref_reshape %arg5 : memref<4096x4x1024xf32, #tpu.memory_space<hbm>> -> memref<16384x1024xf32, #tpu.memory_space<hbm>>
      %dma_start3A_462 = arith.constant 0 : i32
      %dma_start3A_463 = tpu.memref_slice %dma_start3A_461[%mul3A_454, %dma_start3A_462] : memref<16384x1024xf32, #tpu.memory_space<hbm>> -> memref<16x1024xf32, #tpu.memory_space<hbm>>
      %dma_start3A_464 = tpu.memref_slice %arg11[%dma_start3A_456] : memref<4x!tpu.dma_semaphore, #tpu.memory_space<semaphore_mem>> -> memref<1x!tpu.dma_semaphore, #tpu.memory_space<semaphore_mem>>
      %dma_start3A_465 = tpu.memref_squeeze %dma_start3A_464 : memref<1x!tpu.dma_semaphore, #tpu.memory_space<semaphore_mem>> -> memref<!tpu.dma_semaphore, #tpu.memory_space<semaphore_mem>>
      %dma_start3A_466 = tpu.memref_reshape %arg5 : memref<4096x4x1024xf32, #tpu.memory_space<hbm>> -> memref<16384x1024xf32, #tpu.memory_space<hbm>>
      %dma_start3A_467 = arith.constant 0 : i32
      %dma_start3A_468 = tpu.memref_slice %dma_start3A_466[%mul3A_454, %dma_start3A_467] : memref<16384x1024xf32, #tpu.memory_space<hbm>> -> memref<16x1024xf32, #tpu.memory_space<hbm>>
      %dma_start3A_469 = arith.constant 0 : i32
      %dma_start3A_470 = arith.constant 0 : i32
      %dma_start3A_471 = tpu.memref_slice %arg7[%dma_start3A_455, %dma_start3A_469, %dma_start3A_470] : memref<4x16x1024xf32, #tpu.memory_space<vmem>> -> memref<1x16x1024xf32, #tpu.memory_space<vmem>>
      %dma_start3A_472 = tpu.memref_squeeze %dma_start3A_471 : memref<1x16x1024xf32, #tpu.memory_space<vmem>> -> memref<16x1024xf32, #tpu.memory_space<vmem>>
      tpu.enqueue_dma source(%dma_start3A_472 : memref<16x1024xf32, #tpu.memory_space<vmem>>) target(%dma_start3A_468 : memref<16x1024xf32, #tpu.memory_space<hbm>>) target_semaphore(%dma_start3A_465 : memref<!tpu.dma_semaphore, #tpu.memory_space<semaphore_mem>>)
    }
    %scan3A_80 = arith.constant 8 : i32
    %dma_wait3A = arith.constant 0 : i32
    %dma_wait3A_81 = arith.constant 0 : i32
    %dma_wait3A_82 = arith.constant 0 : i32
    %dma_wait3A_83 = arith.constant 0 : i32
    %dma_wait3A_84 = tpu.memref_slice %arg7[%dma_wait3A, %dma_wait3A_82, %dma_wait3A_83] : memref<4x16x1024xf32, #tpu.memory_space<vmem>> -> memref<1x16x1024xf32, #tpu.memory_space<vmem>>
    %dma_wait3A_85 = tpu.memref_squeeze %dma_wait3A_84 : memref<1x16x1024xf32, #tpu.memory_space<vmem>> -> memref<16x1024xf32, #tpu.memory_space<vmem>>
    %dma_wait3A_86 = tpu.memref_reshape %arg5 : memref<4096x4x1024xf32, #tpu.memory_space<hbm>> -> memref<16384x1024xf32, #tpu.memory_space<hbm>>
    %dma_wait3A_87 = arith.constant 0 : i32
    %dma_wait3A_88 = arith.constant 0 : i32
    %dma_wait3A_89 = tpu.memref_slice %dma_wait3A_86[%dma_wait3A_87, %dma_wait3A_88] : memref<16384x1024xf32, #tpu.memory_space<hbm>> -> memref<16x1024xf32, #tpu.memory_space<hbm>>
    %dma_wait3A_90 = tpu.memref_slice %arg11[%dma_wait3A_81] : memref<4x!tpu.dma_semaphore, #tpu.memory_space<semaphore_mem>> -> memref<1x!tpu.dma_semaphore, #tpu.memory_space<semaphore_mem>>
    %dma_wait3A_91 = tpu.memref_squeeze %dma_wait3A_90 : memref<1x!tpu.dma_semaphore, #tpu.memory_space<semaphore_mem>> -> memref<!tpu.dma_semaphore, #tpu.memory_space<semaphore_mem>>
    %dma_wait3A_92 = tpu.memref_reshape %arg5 : memref<4096x4x1024xf32, #tpu.memory_space<hbm>> -> memref<16384x1024xf32, #tpu.memory_space<hbm>>
    %dma_wait3A_93 = arith.constant 0 : i32
    %dma_wait3A_94 = arith.constant 0 : i32
    %dma_wait3A_95 = tpu.memref_slice %dma_wait3A_92[%dma_wait3A_93, %dma_wait3A_94] : memref<16384x1024xf32, #tpu.memory_space<hbm>> -> memref<16x1024xf32, #tpu.memory_space<hbm>>
    %dma_wait3A_96 = arith.constant 0 : i32
    %dma_wait3A_97 = arith.constant 0 : i32
    %dma_wait3A_98 = tpu.memref_slice %arg7[%dma_wait3A, %dma_wait3A_96, %dma_wait3A_97] : memref<4x16x1024xf32, #tpu.memory_space<vmem>> -> memref<1x16x1024xf32, #tpu.memory_space<vmem>>
    %dma_wait3A_99 = tpu.memref_squeeze %dma_wait3A_98 : memref<1x16x1024xf32, #tpu.memory_space<vmem>> -> memref<16x1024xf32, #tpu.memory_space<vmem>>
    tpu.wait_dma2 semaphore(%dma_wait3A_91 : memref<!tpu.dma_semaphore, #tpu.memory_space<semaphore_mem>>) src(%dma_wait3A_99 : memref<16x1024xf32, #tpu.memory_space<vmem>>) dst(%dma_wait3A_95 : memref<16x1024xf32, #tpu.memory_space<hbm>>)
    %dma_wait3A_100 = arith.constant 1 : i32
    %dma_wait3A_101 = arith.constant 1 : i32
    %dma_wait3A_102 = arith.constant 0 : i32
    %dma_wait3A_103 = arith.constant 0 : i32
    %dma_wait3A_104 = tpu.memref_slice %arg7[%dma_wait3A_100, %dma_wait3A_102, %dma_wait3A_103] : memref<4x16x1024xf32, #tpu.memory_space<vmem>> -> memref<1x16x1024xf32, #tpu.memory_space<vmem>>
    %dma_wait3A_105 = tpu.memref_squeeze %dma_wait3A_104 : memref<1x16x1024xf32, #tpu.memory_space<vmem>> -> memref<16x1024xf32, #tpu.memory_space<vmem>>
    %dma_wait3A_106 = tpu.memref_reshape %arg5 : memref<4096x4x1024xf32, #tpu.memory_space<hbm>> -> memref<16384x1024xf32, #tpu.memory_space<hbm>>
    %dma_wait3A_107 = arith.constant 0 : i32
    %dma_wait3A_108 = arith.constant 0 : i32
    %dma_wait3A_109 = tpu.memref_slice %dma_wait3A_106[%dma_wait3A_107, %dma_wait3A_108] : memref<16384x1024xf32, #tpu.memory_space<hbm>> -> memref<16x1024xf32, #tpu.memory_space<hbm>>
    %dma_wait3A_110 = tpu.memref_slice %arg11[%dma_wait3A_101] : memref<4x!tpu.dma_semaphore, #tpu.memory_space<semaphore_mem>> -> memref<1x!tpu.dma_semaphore, #tpu.memory_space<semaphore_mem>>
    %dma_wait3A_111 = tpu.memref_squeeze %dma_wait3A_110 : memref<1x!tpu.dma_semaphore, #tpu.memory_space<semaphore_mem>> -> memref<!tpu.dma_semaphore, #tpu.memory_space<semaphore_mem>>
    %dma_wait3A_112 = tpu.memref_reshape %arg5 : memref<4096x4x1024xf32, #tpu.memory_space<hbm>> -> memref<16384x1024xf32, #tpu.memory_space<hbm>>
    %dma_wait3A_113 = arith.constant 0 : i32
    %dma_wait3A_114 = arith.constant 0 : i32
    %dma_wait3A_115 = tpu.memref_slice %dma_wait3A_112[%dma_wait3A_113, %dma_wait3A_114] : memref<16384x1024xf32, #tpu.memory_space<hbm>> -> memref<16x1024xf32, #tpu.memory_space<hbm>>
    %dma_wait3A_116 = arith.constant 0 : i32
    %dma_wait3A_117 = arith.constant 0 : i32
    %dma_wait3A_118 = tpu.memref_slice %arg7[%dma_wait3A_100, %dma_wait3A_116, %dma_wait3A_117] : memref<4x16x1024xf32, #tpu.memory_space<vmem>> -> memref<1x16x1024xf32, #tpu.memory_space<vmem>>
    %dma_wait3A_119 = tpu.memref_squeeze %dma_wait3A_118 : memref<1x16x1024xf32, #tpu.memory_space<vmem>> -> memref<16x1024xf32, #tpu.memory_space<vmem>>
    tpu.wait_dma2 semaphore(%dma_wait3A_111 : memref<!tpu.dma_semaphore, #tpu.memory_space<semaphore_mem>>) src(%dma_wait3A_119 : memref<16x1024xf32, #tpu.memory_space<vmem>>) dst(%dma_wait3A_115 : memref<16x1024xf32, #tpu.memory_space<hbm>>)
    %dma_wait3A_120 = arith.constant 2 : i32
    %dma_wait3A_121 = arith.constant 2 : i32
    %dma_wait3A_122 = arith.constant 0 : i32
    %dma_wait3A_123 = arith.constant 0 : i32
    %dma_wait3A_124 = tpu.memref_slice %arg7[%dma_wait3A_120, %dma_wait3A_122, %dma_wait3A_123] : memref<4x16x1024xf32, #tpu.memory_space<vmem>> -> memref<1x16x1024xf32, #tpu.memory_space<vmem>>
    %dma_wait3A_125 = tpu.memref_squeeze %dma_wait3A_124 : memref<1x16x1024xf32, #tpu.memory_space<vmem>> -> memref<16x1024xf32, #tpu.memory_space<vmem>>
    %dma_wait3A_126 = tpu.memref_reshape %arg5 : memref<4096x4x1024xf32, #tpu.memory_space<hbm>> -> memref<16384x1024xf32, #tpu.memory_space<hbm>>
    %dma_wait3A_127 = arith.constant 0 : i32
    %dma_wait3A_128 = arith.constant 0 : i32
    %dma_wait3A_129 = tpu.memref_slice %dma_wait3A_126[%dma_wait3A_127, %dma_wait3A_128] : memref<16384x1024xf32, #tpu.memory_space<hbm>> -> memref<16x1024xf32, #tpu.memory_space<hbm>>
    %dma_wait3A_130 = tpu.memref_slice %arg11[%dma_wait3A_121] : memref<4x!tpu.dma_semaphore, #tpu.memory_space<semaphore_mem>> -> memref<1x!tpu.dma_semaphore, #tpu.memory_space<semaphore_mem>>
    %dma_wait3A_131 = tpu.memref_squeeze %dma_wait3A_130 : memref<1x!tpu.dma_semaphore, #tpu.memory_space<semaphore_mem>> -> memref<!tpu.dma_semaphore, #tpu.memory_space<semaphore_mem>>
    %dma_wait3A_132 = tpu.memref_reshape %arg5 : memref<4096x4x1024xf32, #tpu.memory_space<hbm>> -> memref<16384x1024xf32, #tpu.memory_space<hbm>>
    %dma_wait3A_133 = arith.constant 0 : i32
    %dma_wait3A_134 = arith.constant 0 : i32
    %dma_wait3A_135 = tpu.memref_slice %dma_wait3A_132[%dma_wait3A_133, %dma_wait3A_134] : memref<16384x1024xf32, #tpu.memory_space<hbm>> -> memref<16x1024xf32, #tpu.memory_space<hbm>>
    %dma_wait3A_136 = arith.constant 0 : i32
    %dma_wait3A_137 = arith.constant 0 : i32
    %dma_wait3A_138 = tpu.memref_slice %arg7[%dma_wait3A_120, %dma_wait3A_136, %dma_wait3A_137] : memref<4x16x1024xf32, #tpu.memory_space<vmem>> -> memref<1x16x1024xf32, #tpu.memory_space<vmem>>
    %dma_wait3A_139 = tpu.memref_squeeze %dma_wait3A_138 : memref<1x16x1024xf32, #tpu.memory_space<vmem>> -> memref<16x1024xf32, #tpu.memory_space<vmem>>
    tpu.wait_dma2 semaphore(%dma_wait3A_131 : memref<!tpu.dma_semaphore, #tpu.memory_space<semaphore_mem>>) src(%dma_wait3A_139 : memref<16x1024xf32, #tpu.memory_space<vmem>>) dst(%dma_wait3A_135 : memref<16x1024xf32, #tpu.memory_space<hbm>>)
    %dma_wait3A_140 = arith.constant 3 : i32
    %dma_wait3A_141 = arith.constant 3 : i32
    %dma_wait3A_142 = arith.constant 0 : i32
    %dma_wait3A_143 = arith.constant 0 : i32
    %dma_wait3A_144 = tpu.memref_slice %arg7[%dma_wait3A_140, %dma_wait3A_142, %dma_wait3A_143] : memref<4x16x1024xf32, #tpu.memory_space<vmem>> -> memref<1x16x1024xf32, #tpu.memory_space<vmem>>
    %dma_wait3A_145 = tpu.memref_squeeze %dma_wait3A_144 : memref<1x16x1024xf32, #tpu.memory_space<vmem>> -> memref<16x1024xf32, #tpu.memory_space<vmem>>
    %dma_wait3A_146 = tpu.memref_reshape %arg5 : memref<4096x4x1024xf32, #tpu.memory_space<hbm>> -> memref<16384x1024xf32, #tpu.memory_space<hbm>>
    %dma_wait3A_147 = arith.constant 0 : i32
    %dma_wait3A_148 = arith.constant 0 : i32
    %dma_wait3A_149 = tpu.memref_slice %dma_wait3A_146[%dma_wait3A_147, %dma_wait3A_148] : memref<16384x1024xf32, #tpu.memory_space<hbm>> -> memref<16x1024xf32, #tpu.memory_space<hbm>>
    %dma_wait3A_150 = tpu.memref_slice %arg11[%dma_wait3A_141] : memref<4x!tpu.dma_semaphore, #tpu.memory_space<semaphore_mem>> -> memref<1x!tpu.dma_semaphore, #tpu.memory_space<semaphore_mem>>
    %dma_wait3A_151 = tpu.memref_squeeze %dma_wait3A_150 : memref<1x!tpu.dma_semaphore, #tpu.memory_space<semaphore_mem>> -> memref<!tpu.dma_semaphore, #tpu.memory_space<semaphore_mem>>
    %dma_wait3A_152 = tpu.memref_reshape %arg5 : memref<4096x4x1024xf32, #tpu.memory_space<hbm>> -> memref<16384x1024xf32, #tpu.memory_space<hbm>>
    %dma_wait3A_153 = arith.constant 0 : i32
    %dma_wait3A_154 = arith.constant 0 : i32
    %dma_wait3A_155 = tpu.memref_slice %dma_wait3A_152[%dma_wait3A_153, %dma_wait3A_154] : memref<16384x1024xf32, #tpu.memory_space<hbm>> -> memref<16x1024xf32, #tpu.memory_space<hbm>>
    %dma_wait3A_156 = arith.constant 0 : i32
    %dma_wait3A_157 = arith.constant 0 : i32
    %dma_wait3A_158 = tpu.memref_slice %arg7[%dma_wait3A_140, %dma_wait3A_156, %dma_wait3A_157] : memref<4x16x1024xf32, #tpu.memory_space<vmem>> -> memref<1x16x1024xf32, #tpu.memory_space<vmem>>
    %dma_wait3A_159 = tpu.memref_squeeze %dma_wait3A_158 : memref<1x16x1024xf32, #tpu.memory_space<vmem>> -> memref<16x1024xf32, #tpu.memory_space<vmem>>
    tpu.wait_dma2 semaphore(%dma_wait3A_151 : memref<!tpu.dma_semaphore, #tpu.memory_space<semaphore_mem>>) src(%dma_wait3A_159 : memref<16x1024xf32, #tpu.memory_space<vmem>>) dst(%dma_wait3A_155 : memref<16x1024xf32, #tpu.memory_space<hbm>>)
    return
  }
}

</mosaic_0001>

<sc_bundles>
// kernel: kernel.3.cloned.1.call-start
scs
__scs_entry_jumppad:
0x0: {  	(pc) =	sbr.rel $0x88, $3  }
0x1: {  	(tag) =	ssettag $0x0;
	lr =	simm.s32 $0x1  }
0x2: {  	[smem:$0x3F9E] =	sst lr;
	_ =	strace $0xD0000000  }
0x3: {  	_ = 	snop  }
0x4: {  	_ = 	snop  }
0x5: {  	_ = 	snop  }
0x6: {  	_ = 	snop  }
0x7: {  	_ = 	snop  }
__scs_overlays_trampoline_lowered:
0x8: {  	[smem:$0x3FAD] =	sst s0  }
0x9: {  	[smem:$0x3FAE] =	sst s1  }
0xa: {  	[smem:$0x3FAF] =	sst s2  }
0xb: {  	[smem:$0x3FB0] =	sst s3  }
0xc: {  	[smem:$0x3FB1] =	sst s4  }
0xd: {  	[smem:$0x3FB2] =	sst s5  }
0xe: {  	[smem:$0x3FB3] =	sst s6  }
0xf: {  	[smem:$0x3FB4] =	sst s7  }
0x10: {  	[smem:$0x3FB5] =	sst s8  }
0x11: {  	[smem:$0x3FB6] =	sst s9;
	s0 =	simm.s32 @!p0 $0x0  }
0x12: {  	s1 =	sld [smem:$0x3F9C];
	s0 =	simm.s32 @p0 $0x1  }
0x13: {  	[smem:$0x3FB7] =	sst s0;
	s0 =	simm.s32 @!p1 $0x0  }
0x14: {  	s2 =	sld [smem:$0x3F9B];
	s0 =	simm.s32 @p1 $0x1  }
0x15: {  	[smem:$0x3FB8] =	sst s0;
	s0 =	simm.s32 @!p2 $0x0  }
0x16: {  	s3 =	sld [smem:$0x3FDB];
	s0 =	simm.s32 @p2 $0x1  }
0x17: {  	s4 =	simm.s32 $0x1BF5;
	[smem:$0x3FBA] =	sst s0  }
0x18: {  	s0 =	sld [smem:$0x3F9D];
	_ =	swait.ge [sflag:s4], $0x0  }
0x19: {  	s7 =	sld [smem:$0x3F9E]  }
0x1a: {  	s8 =	sadd.s32 $0xFFFFE003, lr  }
0x1b: {  	s9 =	sadd.s32 $0xFFFFFEF7, lr;
	s5 =	simm.s32 $0xFFFFFFFF;
	p2 =	slt.u32 s8, $0xFFFFF086  }
0x1c: {  	p1 =	slt.u32 s9, $0xF7A;
	s5 =	simm.s32 @!p2 $0x0  }
0x1d: {  	s5 =	simm.s32 @p1 $0x1;
	p0 =	seq.s32 s7, s2  }
0x1e: {  	s7 =	smul.u32 @!p0 $0xF7A, s2;
	p2 =	seq.s32 @!p0 s5, $0x0  }
0x1f: {  	s9 =	smul.u32 $0xF7A, s1;
	s8 =	simm.s32 @!p0 $0x1BF5;
	p2 =	por !p2, p0  }
0x20: {  	[sflag:s8] =	ssyncset.s32 @!p0 $0xFFFFF086;
	s6 =	sadd.s32 @!p0 s3, s7;
	s7 =	simm.s32 @!p0 $0x108  }
0x21: {  	s3 =	sadd.s32 s3, s9;
	s6 =	sadd.s32 @!p0 $0x88, s6;
	s7 =	simm.s32 @p2 $0x1082  }
0x22: {  	[simem:s7], [sflag:s8] =	dma.local @!p0 [hbm:s6], $0xF7A  }
0x23: {  	s9 =	sor.u32 $0xD0000000, s2;
	s6 =	simm.s32 $0x108;
	_ =	swait.ge @!p0 [sflag:s8], $0x0  }
0x24: {  	s3 =	sadd.s32 $0x88, s3;
	s6 =	simm.s32 @!p1 $0x1082;
	[sflag:s4] =	ssyncset.s32 $0xFFFFF086  }
0x25: {  	[simem:s6], [sflag:s4] =	dma.local [hbm:s3], $0xF7A  }
0x26: {  	[smem:$0x3F9E] =	sst s1;
	(tag) =	ssettag s2;
	_ =	strace s9  }
0x27: {  	s1 =	sld [smem:$0x3FAE]  }
0x28: {  	s2 =	sld [smem:$0x3FAF]  }
0x29: {  	s4 =	sld [smem:$0x3FB1]  }
0x2a: {  	p0 =	seq.s32 s5, $0x0;
	s5 =	sld [smem:$0x3FB2]  }
0x2b: {  	s6 =	sld [smem:$0x3FB3]  }
0x2c: {  	s7 =	sld [smem:$0x3FB4]  }
0x2d: {  	s3 =	simm.s32 $0x108;
	s8 =	sld [smem:$0x3FB5]  }
0x2e: {  	s3 =	simm.s32 @!p0 $0x1082;
	s9 =	sld [smem:$0x3FB6]  }
0x2f: {  	lr =	sadd.s32 s0, s3;
	s0 =	sld [smem:$0x3FAD]  }
0x30: {  	s3 =	sld [smem:$0x3FB0]  }
0x31: {  	[smem:$0x3FB9] =	sst s10  }
0x32: {  	s10 =	sld [smem:$0x3FB7];
	_ =	sdelay $0x3  }
0x33: {  	p0 =	seq.s32 s10, $0x1;
	s10 =	sld [smem:$0x3FB9];
	_ =	sdelay $0x3  }
0x34: {  	[smem:$0x3FB9] =	sst s10  }
0x35: {  	s10 =	sld [smem:$0x3FB8];
	_ =	sdelay $0x3  }
0x36: {  	p1 =	seq.s32 s10, $0x1;
	s10 =	sld [smem:$0x3FB9];
	_ =	sdelay $0x3  }
0x37: {  	[smem:$0x3FB9] =	sst s10  }
0x38: {  	s10 =	sld [smem:$0x3FBA]  }
0x39: {  	_ = 	snop;
	(pc) =	sbr.ind lr, $3  }
0x3a: {  	_ = 	snop  }
0x3b: {  	_ = 	snop  }
0x3c: {  	p2 =	seq.s32 s10, $0x1;
	s10 =	sld [smem:$0x3FB9]  }
0x3d: {  	_ =	shalt  }
0x3e: {  	_ =	shalt  }
0x3f: {  	_ =	shalt  }
0x40: {  	_ =	shalt  }
0x41: {  	_ =	shalt  }
0x42: {  	_ =	shalt  }
0x43: {  	_ =	shalt  }
0x44: {  	_ =	shalt  }
0x45: {  	_ =	shalt  }
0x46: {  	_ =	shalt  }
0x47: {  	_ =	shalt  }
0x48: {  	_ =	shalt  }
0x49: {  	_ =	shalt  }
0x4a: {  	_ =	shalt  }
0x4b: {  	_ =	shalt  }
0x4c: {  	_ =	shalt  }
0x4d: {  	_ =	shalt  }
0x4e: {  	_ =	shalt  }
0x4f: {  	_ =	shalt  }
0x50: {  	_ =	shalt  }
0x51: {  	_ =	shalt  }
0x52: {  	_ =	shalt  }
0x53: {  	_ =	shalt  }
0x54: {  	_ =	shalt  }
0x55: {  	_ =	shalt  }
0x56: {  	_ =	shalt  }
0x57: {  	_ =	shalt  }
0x58: {  	_ =	shalt  }
0x59: {  	_ =	shalt  }
0x5a: {  	_ =	shalt  }
0x5b: {  	_ =	shalt  }
0x5c: {  	_ =	shalt  }
0x5d: {  	_ =	shalt  }
0x5e: {  	_ =	shalt  }
0x5f: {  	_ =	shalt  }
0x60: {  	_ =	shalt  }
0x61: {  	_ =	shalt  }
0x62: {  	_ =	shalt  }
0x63: {  	_ =	shalt  }
0x64: {  	_ =	shalt  }
0x65: {  	_ =	shalt  }
0x66: {  	_ =	shalt  }
0x67: {  	_ =	shalt  }
0x68: {  	_ =	shalt  }
0x69: {  	_ =	shalt  }
0x6a: {  	_ =	shalt  }
0x6b: {  	_ =	shalt  }
0x6c: {  	_ =	shalt  }
0x6d: {  	_ =	shalt  }
0x6e: {  	_ =	shalt  }
0x6f: {  	_ =	shalt  }
0x70: {  	_ =	shalt  }
0x71: {  	_ =	shalt  }
0x72: {  	_ =	shalt  }
0x73: {  	_ =	shalt  }
0x74: {  	_ =	shalt  }
0x75: {  	_ =	shalt  }
0x76: {  	_ =	shalt  }
0x77: {  	_ =	shalt  }
0x78: {  	_ =	shalt  }
0x79: {  	_ =	shalt  }
0x7a: {  	_ =	shalt  }
0x7b: {  	_ =	shalt  }
0x7c: {  	_ =	shalt  }
0x7d: {  	_ =	shalt  }
0x7e: {  	_ =	shalt  }
0x7f: {  	_ =	shalt  }
0x80: {  	_ =	shalt  }
0x81: {  	_ =	shalt  }
0x82: {  	_ =	shalt  }
0x83: {  	_ =	shalt  }
0x84: {  	_ =	shalt  }
0x85: {  	_ =	shalt  }
0x86: {  	_ =	shalt  }
0x87: {  	_ =	shalt  }
.Lfunc_end0:
.L_simem_size_0:
called_computation_lowered:
.L_overlay_start_0:
0x88: {  	s2 =	sld [smem:$0x3FD9]  }
0x89: {  	s3 =	sld [smem:$0x3FFE];
	_ =	sdelay $0x1  }
0x8a: {  	s1 =	srdreg.scid  }
0x8b: {  	s0 =	sand.u32 $0x1, s1  }
0x8c: {  	s17 =	sshll.u32 s0, $0xA;
	s2 =	sadd.s32 s3, s2  }
0x8d: {  	s2 =	sadd.s32 s2, s17  }
0x8e: {  	[smem:$0x3FC5] =	sst s2  }
0x8f: {  	_ = 	snop  }
0x90: {  	s2 =	sld [smem:$0x3FC8]  }
0x91: {  	s18 =	sld [smem:$0x3FC7]  }
0x92: {  	s4 =	sld [smem:$0x3FD0];
	(tm) =	ssettm $0x1  }
0x93: {  	s5 =	sld [smem:$0x3FFB];
	_ =	sdelay $0x3  }
0x94: {  	_ =	strace s5  }
0x95: {  	s5 =	sld [smem:$0x3FFC];
	_ =	sdelay $0x3  }
0x96: {  	_ =	strace s5  }
0x97: {  	s5 =	sld [smem:$0x3FFD];
	_ =	sdelay $0x3  }
0x98: {  	_ =	strace s5  }
0x99: {  	_ =	strace $0x8FFFFFFF  }
0x9a: {  	s19 =	sld [smem:$0x3FDB];
	_ =	sdelay $0x1  }
0x9b: {  	s6 =	simm.s32 $_scs_section_size  }
0x9c: {  	s7 =	simm.s32 $_size__tile_overlayer_lowered;
	s8 =	simm.s32 $_tile_overlayer_lowered  }
0x9d: {  	s22 =	simm.s32 $0x1BFF;
	s21 =	sshll.u32 s8, $0x1;
	s5 =	sadd.s32 s6, s19  }
0x9e: {  	s9 =	simm.s32 $0x0;
	s20 =	sshll.u32 s7, $0x1;
	s7 =	sadd.s32 s21, s5  }
0x9f: {  	[timem:s9], [sflag:s22] =	dma.local [hbm:s7], s20  }
0xa0: {  	_ =	swait.ge [sflag:s22], s20  }
0xa1: {  	s6 =	ssub.s32 $0x0, s20;
	[sflag:s22] =	ssyncset.done $0x0  }
0xa2: {  	[sflag:s22] =	ssyncadd.s32 s6;
	_ =	sdelay $0x1  }
0xa3: {  	s23 =	simm.s32 $0x1B8B  }
0xa4: {  	_ =	swait.ge [sflag:s23], $0x1  }
0xa5: {  	[sflag:s23] =	ssyncset.done $0x0  }
0xa6: {  	s25 =	simm.s32 $0x1B8E;
	s24 =	sld [smem:$0x3FFE];
	[sflag:s23] =	ssyncadd.s32 $0xFFFFFFFF  }
0xa7: {  	s26 =	simm.s32 $execute0_lowered;
	[smem:$0x3FD2] =	sst s25  }
0xa8: {  	s7 =	sshll.u32 s26, $0x1;
	_ =	strace $0x80000046;
	[dreg:$0x1] =	wrdreg $0xFFFFFFFF  }
0xa9: {  	s28 =	simm.s32 $_size_execute0_lowered;
	s5 =	sadd.s32 s5, s7;
	[dreg:$0x0] =	wrdreg $0x0  }
0xaa: {  	s7 =	sshll.u32 s28, $0x1;
	[dreg:$0x2] =	wrdreg s5  }
0xab: {  	[dreg:$0x3] =	wrdreg s7  }
0xac: {  	[dreg:$0x4] =	wrdreg $0xC0  }
0xad: {  	_ =	task [dreg:s9], $0x5FFFF  }
0xae: {  	[dreg:$0x1] =	wrdreg $0xFFFFFFFF  }
0xaf: {  	[dreg:$0x0] =	wrdreg $0x60  }
0xb0: {  	[dreg:$0x2] =	wrdreg s24  }
0xb1: {  	[dreg:$0x3] =	wrdreg s2  }
0xb2: {  	[dreg:$0x4] =	wrdreg s18  }
0xb3: {  	[dreg:$0x5] =	wrdreg s4  }
0xb4: {  	[dreg:$0x6] =	wrdreg $0x9  }
0xb5: {  	_ =	task.clear_ibuf [dreg:s9], $0x7FFFF;
	_ =	strace $0x90000046  }
0xb6: {  	s29 =	simm.s32 $0x9;
	_ =	strace $0x80000048  }
0xb7: {  	_ =	swait.ge [sflag:s29], $0x1  }
0xb8: {  	[sflag:s29] =	ssyncadd.s32 $0xFFFFFFFF  }
0xb9: {  	_ =	strace $0x90000048  }
0xba: {  	_ =	sfence  }
0xbb: {  	s30 =	sld [smem:$0x0];
	_ =	sdelay $0x2  }
0xbc: {  	s31 =	sshll.u32 s1, $0xD;
	s1 =	sshrl.u32 s1, $0x2  }
0xbd: {  	s3 =	sand.u32 $0x4000, s31;
	s1 =	sadd.s32 s1, s30  }
0xbe: {  	s0 =	sor.u32 s3, s0;
	s1 =	sshll.u32 s1, $0x11  }
0xbf: {  	s0 =	sor.u32 s1, s0  }
0xc0: {  	s0 =	sadd.s32 $0x8F2B, s0  }
0xc1: {  	[sflag:s0] =	ssyncadd.remote.s32 $0x1  }
0xc2: {  	_ =	sfence.sel $0xFFFF  }
0xc3: {  	[dreg:$0x0] =	wrdreg $0xFFFFFFFF;
	(pc) =	sbr.abs _section_cstart, $3  }
0xc4: {  	[dreg:$0x1] =	wrdreg $0xFFFFFFFF  }
0xc5: {  	_ =	task.clear_ibuf [dreg:s9], $0x2FFFF;
	_ =	strace $0x9FFFFFFF  }
0xc6: {  	(tm) =	ssettm $0x7FFFFFFF  }
0xc7: {  	_ =	shalt  }
tec
execute0_lowered:
.L_overlay_start_1:
0x0: {  	(tag) =	ssettag $0x1  }
0x1: {  	s0 =	rddreg [dreg:$0x0]  }
0x2: {  	s2 =	rddreg [dreg:$0x1]  }
0x3: {  	s1 =	rddreg [dreg:$0x2]  }
0x4: {  	s3 =	rddreg [dreg:$0x3]  }
0x5: {  	s4 =	srdreg.scid;
	s5 =	stileid.u32  }
0x6: {  	s6 =	simm.s32 $0x0;
	s13 =	simm.s32 $0x1000;
	s20 =	simm.s32 $0x9000  }
0x7: {  	s14 =	simm.s32 $0x5;
	s15 =	simm.s32 $0x200;
	s22 =	simm.s32 $0xF800  }
0x8: {  	s23 =	simm.s32 $0x10000;
	s24 =	simm.s32 $0x10800;
	s28 =	simm.s32 $0x3  }
0x9: {  	s29 =	simm.s32 $0x7;
	s30 =	simm.s32 $0x4;
	s4 =	sand.u32 $0x1, s4  }
0xa: {  	s5 =	sshll.u32 s5, $0x1;
	[smem:$0x7FF] =	sst s6;
	s6 =	sadd.s32 $0x200, s2  }
0xb: {  	s8 =	sadd.s32 $0x300, s2;
	s5 =	sor.u32 s4, s5;
	s4 =	ssub.s32 $0x2, s4  }
0xc: {  	_ =	strace $0x80000047;
	s25 =	sshll.u32 s5, $0x9;
	s7 =	sshrl.u32 s4, $0x1  }
0xd: {  	s9 =	sshll.u32 s5, $0x10;
	s26 =	sshll.u32 s5, $0xE;
	s5 =	sadd.s32 $0x100, s2  }
0xe: {  	s0 =	sadd.s32 s25, s0;
	s4 =	ssub.s32 s4, s7;
	s7 =	sadd.s32 s1, s26  }
0xf: {  	s10 =	sadd.s32 s3, s9;
	s3 =	simm.s32 $0x1;
	s0 =	sadd.s32 $0x400, s0  }
0x10: {  	v2 =	vlaneseq.u32;
	s25 =	simm.s32 $0x2;
	s31 =	smax.u32 s4, $0x1;
	[dreg:$0x5] =	wrdreg s0  }
0x11: {  	vm0 =	vmmov $0xffff;
	v1 =	vshrl.u32 v2, $0x3;
	s26 =	simm.s32 $0x6;
	s0 =	sadd.s32 $0x200, s7;
	[dreg:$0x7] =	wrdreg s31  }
0x12: {  	v0 =	vand.u32 $0x7, v2;
	v2 =	vor.u32 $0x8, v2;
	v1 =	vmul.u32 $0x8, v1;
	s9 =	simm.s32 $0x0;
	[dreg:$0x6] =	wrdreg s0;
	s0 =	simm.s32 $0x8  }
.LBB2_1:
0x13: {  	[dreg:$0x8] =	wrdreg s9  }
0x14: {  	s1 =	simm.s32 $0x0;
	s4 =	rddreg [dreg:$0x5];
	s31 =	simm.s32 $0xD  }
0x15: {  	[tilespmem:s1], [sflag:$0xD] =	stream.linear.gather [hbm4b:s4+s1], $0x1000, $0x38;
	[tilespmem:$0x15000] =	vst v63  }
0x16: {  	_ =	swait.ge [sflag:s31], $0x1000  }
0x17: {  	[sflag:s31] =	ssyncset.done $0x0  }
0x18: {  	[sflag:s31] =	ssyncadd.s32 $0xFFFFF000  }
0x19: {  	v3 =	vld [tilespmem:$0x0];
	_ =	sdelay $0x4  }
0x1a: {  	v4 =	vshll.u32 v3, $0x3  }
0x1b: {  	v3 =	vand.u32 $0x7, v3;
	v4 =	vand.u32 $0xFFFFFFC0, v4  }
0x1c: {  	v3 =	vor.u32 v3, v4  }
0x1d: {  	v4 =	vperm.xlane v3, v0;
	_ =	sdelay $0x1  }
0x1e: {  	v4 =	vadd.s32 v1, v4;
	_ =	sdelay $0x4  }
0x1f: {  	[tilespmem:s13], [sflag:$0x1] =	stream.indirect_vreg.gather [hbm4b:s2+s1], $0x80, v4, vm0, $0xb8;
	[tilespmem:$0x15000] =	vst v63  }
0x20: {  	s9 =	simm.s32 $0x1800;
	v3 =	vperm.xlane v3, v2  }
0x21: {  	[tilespmem:s9], [sflag:$0x1] =	stream.indirect_vreg.gather [hbm4b:s5+s1], $0x80, v4, vm0, $0xb8;
	[tilespmem:$0x15000] =	vst v63  }
0x22: {  	s11 =	simm.s32 $0x2000;
	v3 =	vadd.s32 v1, v3  }
0x23: {  	[tilespmem:s11], [sflag:$0x1] =	stream.indirect_vreg.gather [hbm4b:s6+s1], $0x80, v4, vm0, $0xb8;
	[tilespmem:$0x15000] =	vst v63  }
0x24: {  	s12 =	simm.s32 $0x2800  }
0x25: {  	[tilespmem:s12], [sflag:$0x1] =	stream.indirect_vreg.gather [hbm4b:s8+s1], $0x80, v4, vm0, $0xb8;
	[tilespmem:$0x15000] =	vst v63  }
0x26: {  	s16 =	simm.s32 $0x3000  }
0x27: {  	[tilespmem:s16], [sflag:$0x1] =	stream.indirect_vreg.gather [hbm4b:s2+s1], $0x80, v3, vm0, $0xb8;
	[tilespmem:$0x15000] =	vst v63  }
0x28: {  	s17 =	simm.s32 $0x3800  }
0x29: {  	[tilespmem:s17], [sflag:$0x1] =	stream.indirect_vreg.gather [hbm4b:s5+s1], $0x80, v3, vm0, $0xb8;
	[tilespmem:$0x15000] =	vst v63  }
0x2a: {  	s18 =	simm.s32 $0x4000  }
0x2b: {  	[tilespmem:s18], [sflag:$0x1] =	stream.indirect_vreg.gather [hbm4b:s6+s1], $0x80, v3, vm0, $0xb8;
	[tilespmem:$0x15000] =	vst v63  }
0x2c: {  	s19 =	simm.s32 $0x4800  }
0x2d: {  	[tilespmem:s19], [sflag:$0x1] =	stream.indirect_vreg.gather [hbm4b:s8+s1], $0x80, v3, vm0, $0xb8;
	[tilespmem:$0x15000] =	vst v63  }
0x2e: {  	s21 =	simm.s32 $0x11000  }
0x2f: {  	[tilespmem:s21], [sflag:$0x5] =	stream.linear.gather [hbm4b:s7+s1], $0x1000, $0x38;
	[tilespmem:$0x15000] =	vst v63  }
0x30: {  	v3 =	vld [tilespmem:$0x80];
	_ =	sdelay $0x4  }
0x31: {  	v63 =	vshll.u32 v3, $0x3  }
0x32: {  	v3 =	vand.u32 $0x7, v3;
	v4 =	vand.u32 $0xFFFFFFC0, v63  }
0x33: {  	v3 =	vor.u32 v3, v4  }
0x34: {  	v4 =	vperm.xlane v3, v0;
	_ =	sdelay $0x1  }
0x35: {  	v4 =	vadd.s32 v1, v4;
	_ =	sdelay $0x3  }
0x36: {  	s31 =	simm.s32 $0x5000  }
0x37: {  	[tilespmem:s31], [sflag:$0x2] =	stream.indirect_vreg.gather [hbm4b:s2+s1], $0x80, v4, vm0, $0xb8;
	[tilespmem:$0x15000] =	vst v63  }
0x38: {  	s9 =	simm.s32 $0x5800;
	v3 =	vperm.xlane v3, v2  }
0x39: {  	[tilespmem:s9], [sflag:$0x2] =	stream.indirect_vreg.gather [hbm4b:s5+s1], $0x80, v4, vm0, $0xb8;
	[tilespmem:$0x15000] =	vst v63  }
0x3a: {  	s11 =	simm.s32 $0x6000;
	v3 =	vadd.s32 v1, v3  }
0x3b: {  	[tilespmem:s11], [sflag:$0x2] =	stream.indirect_vreg.gather [hbm4b:s6+s1], $0x80, v4, vm0, $0xb8;
	[tilespmem:$0x15000] =	vst v63  }
0x3c: {  	s12 =	simm.s32 $0x6800  }
0x3d: {  	[tilespmem:s12], [sflag:$0x2] =	stream.indirect_vreg.gather [hbm4b:s8+s1], $0x80, v4, vm0, $0xb8;
	[tilespmem:$0x15000] =	vst v63  }
0x3e: {  	s16 =	simm.s32 $0x7000  }
0x3f: {  	[tilespmem:s16], [sflag:$0x2] =	stream.indirect_vreg.gather [hbm4b:s2+s1], $0x80, v3, vm0, $0xb8;
	[tilespmem:$0x15000] =	vst v63  }
0x40: {  	s17 =	simm.s32 $0x7800  }
0x41: {  	[tilespmem:s17], [sflag:$0x2] =	stream.indirect_vreg.gather [hbm4b:s5+s1], $0x80, v3, vm0, $0xb8;
	[tilespmem:$0x15000] =	vst v63  }
0x42: {  	s18 =	simm.s32 $0x8000  }
0x43: {  	[tilespmem:s18], [sflag:$0x2] =	stream.indirect_vreg.gather [hbm4b:s6+s1], $0x80, v3, vm0, $0xb8;
	[tilespmem:$0x15000] =	vst v63  }
0x44: {  	s19 =	simm.s32 $0x8800  }
0x45: {  	[tilespmem:s19], [sflag:$0x2] =	stream.indirect_vreg.gather [hbm4b:s8+s1], $0x80, v3, vm0, $0xb8;
	[tilespmem:$0x15000] =	vst v63  }
0x46: {  	s21 =	rddreg [dreg:$0x6];
	s31 =	simm.s32 $0x12000  }
0x47: {  	[tilespmem:s31], [sflag:$0x6] =	stream.linear.gather [hbm4b:s21+s1], $0x1000, $0x38;
	[tilespmem:$0x15000] =	vst v63  }
0x48: {  	s1 =	simm.s32 $0x0  }
.LBB2_2:
0x49: {  	p0 =	seq.s32 s1, $0x0  }
0x4a: {  	s21 =	sshll.u32 s1, $0x2;
	s4 =	simm.s32 @!p0 $0xB  }
0x4b: {  	s31 =	sor.u32 $0x2, s21;
	_ =	swait.ge @!p0 [sflag:s4], $0x4000  }
0x4c: {  	s9 =	sshll.u32 s31, $0x9;
	[sflag:s4] =	ssyncset.done @!p0 $0x0  }
0x4d: {  	s18 =	sshrl.u32 s9, $0x2;
	[sflag:s4] =	ssyncadd.s32 @!p0 $0xFFFFC000  }
0x4e: {  	v3 =	vld [tilespmem:s18+$0x0];
	_ =	sdelay $0x4  }
0x4f: {  	v4 =	vshll.u32 v3, $0x3  }
0x50: {  	v3 =	vand.u32 $0x7, v3;
	v4 =	vand.u32 $0xFFFFFFC0, v4  }
0x51: {  	v3 =	vor.u32 v3, v4  }
0x52: {  	v4 =	vperm.xlane v3, v0;
	_ =	sdelay $0x1  }
0x53: {  	v4 =	vadd.s32 v1, v4;
	_ =	sdelay $0x3  }
0x54: {  	s4 =	simm.s32 $0x0  }
0x55: {  	[tilespmem:s20], [sflag:$0x3] =	stream.indirect_vreg.gather [hbm4b:s2+s4], $0x80, v4, vm0, $0xb8;
	[tilespmem:$0x15000] =	vst v63  }
0x56: {  	s11 =	simm.s32 $0x9800;
	v3 =	vperm.xlane v3, v2  }
0x57: {  	[tilespmem:s11], [sflag:$0x3] =	stream.indirect_vreg.gather [hbm4b:s5+s4], $0x80, v4, vm0, $0xb8;
	[tilespmem:$0x15000] =	vst v63  }
0x58: {  	s19 =	simm.s32 $0xA000;
	v3 =	vadd.s32 v1, v3  }
0x59: {  	[tilespmem:s19], [sflag:$0x3] =	stream.indirect_vreg.gather [hbm4b:s6+s4], $0x80, v4, vm0, $0xb8;
	[tilespmem:$0x15000] =	vst v63  }
0x5a: {  	s20 =	simm.s32 $0xA800  }
0x5b: {  	[tilespmem:s20], [sflag:$0x3] =	stream.indirect_vreg.gather [hbm4b:s8+s4], $0x80, v4, vm0, $0xb8;
	[tilespmem:$0x15000] =	vst v63  }
0x5c: {  	s12 =	simm.s32 $0xB000  }
0x5d: {  	[tilespmem:s12], [sflag:$0x3] =	stream.indirect_vreg.gather [hbm4b:s2+s4], $0x80, v3, vm0, $0xb8;
	[tilespmem:$0x15000] =	vst v63  }
0x5e: {  	s16 =	simm.s32 $0xB800  }
0x5f: {  	[tilespmem:s16], [sflag:$0x3] =	stream.indirect_vreg.gather [hbm4b:s5+s4], $0x80, v3, vm0, $0xb8;
	[tilespmem:$0x15000] =	vst v63  }
0x60: {  	s17 =	simm.s32 $0xC000  }
0x61: {  	[tilespmem:s17], [sflag:$0x3] =	stream.indirect_vreg.gather [hbm4b:s6+s4], $0x80, v3, vm0, $0xb8;
	[tilespmem:$0x15000] =	vst v63  }
0x62: {  	s18 =	simm.s32 $0xC800  }
0x63: {  	[tilespmem:s18], [sflag:$0x3] =	stream.indirect_vreg.gather [hbm4b:s8+s4], $0x80, v3, vm0, $0xb8;
	[tilespmem:$0x15000] =	vst v63  }
0x64: {  	s9 =	sadd.s32 s9, s7;
	s19 =	simm.s32 $0x13000  }
0x65: {  	[tilespmem:s19], [sflag:$0x7] =	stream.linear.gather [hbm4b:s9+s4], $0x1000, $0x38;
	[tilespmem:$0x15000] =	vst v63  }
0x66: {  	_ =	swait.ge [sflag:s3], $0x4000  }
0x67: {  	s12 =	simm.s32 $0x0;
	[sflag:s3] =	ssyncset.done $0x0  }
0x68: {  	s20 =	simm.s32 $0x0;
	s12 =	sand.u32 $0x3FFFFC00, s12;
	[sflag:s3] =	ssyncadd.s32 $0xFFFFC000  }
0x69: {  	s17 =	simm.s32 $0x0;
	s9 =	sand.u32 $0x7, s4;
	_ =	swait.ge [sflag:s14], $0x1000  }
0x6a: {  	s17 =	sand.u32 $0x200, s17;
	s16 =	sshll.u32 s9, $0x7;
	[sflag:s14] =	ssyncset.done $0x0  }
0x6b: {  	s18 =	sand.u32 $0x2000, s20;
	s12 =	sor.u32 s16, s12;
	[sflag:s14] =	ssyncadd.s32 $0xFFFFF000  }
0x6c: {  	s20 =	sor.u32 s17, s18;
	s9 =	sshll.u32 s9, $0xA;
	s19 =	sadd.s32 $0x11000, s12;
	v4 =	vld [tilespmem:s12+$0x11000]  }
0x6d: {  	s9 =	sor.u32 s20, s9;
	v3 =	vld [tilespmem:s19+$0x70]  }
0x6e: {  	v5 =	vld [tilespmem:s9+$0x11F0]  }
0x6f: {  	v6 =	vld [tilespmem:s9+$0x1000]  }
0x70: {  	v7 =	vld [tilespmem:s9+$0x1080]  }
0x71: {  	v8 =	vld [tilespmem:s9+$0x1100]  }
0x72: {  	v9 =	vld [tilespmem:s9+$0x1180]  }
0x73: {  	v10 =	vld [tilespmem:s19+$0x10]  }
0x74: {  	v11 =	vld [tilespmem:s9+$0x1010]  }
0x75: {  	v12 =	vld [tilespmem:s9+$0x1090]  }
0x76: {  	v13 =	vld [tilespmem:s9+$0x1110]  }
0x77: {  	v14 =	vld [tilespmem:s9+$0x1190]  }
0x78: {  	v15 =	vld [tilespmem:s19+$0x20];
	v5 =	vadd.f32 v5, v3  }
0x79: {  	v16 =	vld [tilespmem:s9+$0x1020];
	v6 =	vadd.f32 v6, v4  }
0x7a: {  	v59 =	vld [tilespmem:s9+$0x10B0];
	v7 =	vadd.f32 v7, v4;
	[tilespmem:s9+$0x11F0] =	vst v5  }
0x7b: {  	v60 =	vld [tilespmem:s9+$0x11B0];
	[tilespmem:s9+$0x1000] =	vst v6;
	v6 =	vadd.f32 v8, v4  }
0x7c: {  	v5 =	vld [tilespmem:s9+$0x10A0];
	[tilespmem:s9+$0x1080] =	vst v7;
	v4 =	vadd.f32 v9, v4  }
0x7d: {  	v8 =	vld [tilespmem:s9+$0x1120];
	[tilespmem:s9+$0x1100] =	vst v6;
	v6 =	vadd.f32 v11, v10  }
0x7e: {  	v7 =	vld [tilespmem:s9+$0x11A0];
	[tilespmem:s9+$0x1180] =	vst v4;
	v4 =	vadd.f32 v12, v10  }
0x7f: {  	v9 =	vld [tilespmem:s19+$0x30];
	[tilespmem:s9+$0x1010] =	vst v6;
	v6 =	vadd.f32 v13, v10  }
0x80: {  	v11 =	vld [tilespmem:s9+$0x1030];
	[tilespmem:s9+$0x1090] =	vst v4;
	v4 =	vadd.f32 v14, v10  }
0x81: {  	v61 =	vld [tilespmem:s19+$0x40];
	[tilespmem:s9+$0x1110] =	vst v6;
	v6 =	vadd.f32 v16, v15  }
0x82: {  	v10 =	vld [tilespmem:s9+$0x1130];
	[tilespmem:s9+$0x1190] =	vst v4;
	v4 =	vadd.f32 v5, v15  }
0x83: {  	v62 =	vld [tilespmem:s9+$0x1050];
	v5 =	vadd.f32 v8, v15;
	[tilespmem:s9+$0x1020] =	vst v6  }
0x84: {  	v6 =	vld [tilespmem:s9+$0x1040];
	[tilespmem:s9+$0x10A0] =	vst v4;
	v4 =	vadd.f32 v7, v15  }
0x85: {  	v7 =	vld [tilespmem:s9+$0x10C0];
	[tilespmem:s9+$0x1120] =	vst v5;
	v5 =	vadd.f32 v11, v9  }
0x86: {  	v8 =	vld [tilespmem:s9+$0x1140];
	[tilespmem:s9+$0x11A0] =	vst v4;
	v4 =	vadd.f32 v59, v9  }
0x87: {  	v11 =	vld [tilespmem:s9+$0x11C0];
	v10 =	vadd.f32 v10, v9;
	[tilespmem:s9+$0x1030] =	vst v5  }
0x88: {  	v5 =	vld [tilespmem:s19+$0x50];
	[tilespmem:s9+$0x10B0] =	vst v4;
	v4 =	vadd.f32 v60, v9  }
0x89: {  	[tilespmem:s9+$0x1130] =	vst v10;
	v10 =	vld [tilespmem:s9+$0x10D0];
	v6 =	vadd.f32 v6, v61  }
0x8a: {  	v63 =	vld [tilespmem:s9+$0x1150];
	[tilespmem:s9+$0x11B0] =	vst v4;
	v4 =	vadd.f32 v7, v61  }
0x8b: {  	v9 =	vld [tilespmem:s9+$0x11D0];
	[tilespmem:s9+$0x1040] =	vst v6;
	v6 =	vadd.f32 v8, v61  }
0x8c: {  	v7 =	vadd.f32 v11, v61;
	v8 =	vld [tilespmem:s9+$0x1060];
	[tilespmem:s9+$0x10C0] =	vst v4  }
0x8d: {  	v4 =	vld [tilespmem:s19+$0x60];
	[tilespmem:s9+$0x1140] =	vst v6;
	v6 =	vadd.f32 v62, v5  }
0x8e: {  	[tilespmem:s9+$0x11C0] =	vst v7;
	v7 =	vld [tilespmem:s9+$0x10E0];
	v11 =	vadd.f32 v10, v5  }
0x8f: {  	s11 =	simm.s32 $0x0;
	v10 =	vadd.f32 v63, v5;
	[tilespmem:s9+$0x1050] =	vst v6;
	v6 =	vld [tilespmem:s9+$0x1160]  }
.LBB2_3:
0x90: {  	s11 =	sadd.s32 $0x8, s11;
	[tilespmem:s9+$0x10D0] =	vst v11;
	v5 =	vadd.f32 v9, v5;
	v9 =	vld [tilespmem:s9+$0x11E0];
	s4 =	sadd.s32 $0x1, s4  }
0x91: {  	s16 =	sand.u32 $0x7, s4;
	s12 =	sshll.u32 s11, $0x6;
	s17 =	sshll.u32 s11, $0x4;
	[tilespmem:s9+$0x1150] =	vst v10;
	v10 =	vld [tilespmem:s9+$0x1070]  }
0x92: {  	s19 =	sshll.u32 s11, $0x3;
	s17 =	sand.u32 $0x3FFFFC00, s17;
	s18 =	sshll.u32 s16, $0x7;
	[tilespmem:s9+$0x11D0] =	vst v5;
	v5 =	vadd.f32 v8, v4;
	v8 =	vld [tilespmem:s9+$0x10F0]  }
0x93: {  	s19 =	sand.u32 $0x200, s19;
	s17 =	sor.u32 s18, s17;
	s18 =	sand.u32 $0x2000, s12;
	v7 =	vadd.f32 v7, v4;
	v11 =	vld [tilespmem:s9+$0x1170]  }
0x94: {  	s16 =	sshll.u32 s16, $0xA;
	s12 =	sadd.s32 $0x11000, s17;
	v12 =	vld [tilespmem:s17+$0x11000];
	s17 =	sor.u32 s19, s18;
	[tilespmem:s9+$0x1060] =	vst v5;
	v5 =	vadd.f32 v6, v4  }
0x95: {  	p1 =	slt.u32 s11, $0xF8;
	s16 =	sor.u32 s17, s16;
	v6 =	vld [tilespmem:s12+$0x70];
	[tilespmem:s9+$0x10E0] =	vst v7;
	v4 =	vadd.f32 v9, v4  }
0x96: {  	v7 =	vld [tilespmem:s16+$0x11F0];
	[tilespmem:s9+$0x1160] =	vst v5;
	v5 =	vadd.f32 v10, v3  }
0x97: {  	v9 =	vld [tilespmem:s16+$0x1000];
	[tilespmem:s9+$0x11E0] =	vst v4;
	v4 =	vadd.f32 v8, v3  }
0x98: {  	v8 =	vld [tilespmem:s16+$0x1080];
	[tilespmem:s9+$0x1070] =	vst v5;
	v10 =	vadd.f32 v11, v3  }
0x99: {  	v5 =	vld [tilespmem:s16+$0x1100];
	[tilespmem:s9+$0x10F0] =	vst v4  }
0x9a: {  	v4 =	vld [tilespmem:s16+$0x1180];
	[tilespmem:s9+$0x1170] =	vst v10;
	v3 =	vmov v6;
	s9 =	smov.u32 s16  }
0x9b: {  	v6 =	vld [tilespmem:s12+$0x10];
	v7 =	vadd.f32 v7, v3  }
0x9c: {  	v9 =	vadd.f32 v9, v12;
	v10 =	vld [tilespmem:s9+$0x1010]  }
0x9d: {  	v8 =	vadd.f32 v8, v12;
	v11 =	vld [tilespmem:s9+$0x1090];
	[tilespmem:s9+$0x11F0] =	vst v7  }
0x9e: {  	[tilespmem:s9+$0x1000] =	vst v9;
	v5 =	vadd.f32 v5, v12;
	v7 =	vld [tilespmem:s9+$0x1110]  }
0x9f: {  	[tilespmem:s9+$0x1080] =	vst v8;
	v4 =	vadd.f32 v4, v12;
	v8 =	vld [tilespmem:s9+$0x1190]  }
0xa0: {  	[tilespmem:s9+$0x1100] =	vst v5;
	v5 =	vld [tilespmem:s12+$0x20]  }
0xa1: {  	[tilespmem:s9+$0x1180] =	vst v4;
	v4 =	vadd.f32 v10, v6;
	v9 =	vld [tilespmem:s9+$0x1020]  }
0xa2: {  	v10 =	vadd.f32 v11, v6;
	v11 =	vld [tilespmem:s9+$0x10A0]  }
0xa3: {  	[tilespmem:s9+$0x1010] =	vst v4;
	v4 =	vadd.f32 v7, v6;
	v7 =	vld [tilespmem:s9+$0x1120]  }
0xa4: {  	[tilespmem:s9+$0x1090] =	vst v10;
	v6 =	vadd.f32 v8, v6;
	v8 =	vld [tilespmem:s9+$0x11A0]  }
0xa5: {  	[tilespmem:s9+$0x1110] =	vst v4;
	v4 =	vld [tilespmem:s12+$0x30]  }
0xa6: {  	[tilespmem:s9+$0x1190] =	vst v6;
	v6 =	vadd.f32 v9, v5;
	v9 =	vld [tilespmem:s9+$0x1030]  }
0xa7: {  	v10 =	vadd.f32 v11, v5;
	v11 =	vld [tilespmem:s9+$0x10B0]  }
0xa8: {  	[tilespmem:s9+$0x1020] =	vst v6;
	v6 =	vadd.f32 v7, v5;
	v7 =	vld [tilespmem:s9+$0x1130]  }
0xa9: {  	[tilespmem:s9+$0x10A0] =	vst v10;
	v5 =	vadd.f32 v8, v5;
	v8 =	vld [tilespmem:s9+$0x11B0]  }
0xaa: {  	[tilespmem:s9+$0x1120] =	vst v6;
	v6 =	vld [tilespmem:s12+$0x40]  }
0xab: {  	[tilespmem:s9+$0x11A0] =	vst v5;
	v5 =	vadd.f32 v9, v4;
	v9 =	vld [tilespmem:s9+$0x1040]  }
0xac: {  	v10 =	vadd.f32 v11, v4;
	v11 =	vld [tilespmem:s9+$0x10C0]  }
0xad: {  	[tilespmem:s9+$0x1030] =	vst v5;
	v5 =	vadd.f32 v7, v4;
	v7 =	vld [tilespmem:s9+$0x1140]  }
0xae: {  	[tilespmem:s9+$0x10B0] =	vst v10;
	v4 =	vadd.f32 v8, v4;
	v8 =	vld [tilespmem:s9+$0x11C0]  }
0xaf: {  	[tilespmem:s9+$0x1130] =	vst v5;
	v5 =	vld [tilespmem:s12+$0x50]  }
0xb0: {  	[tilespmem:s9+$0x11B0] =	vst v4;
	v4 =	vadd.f32 v9, v6;
	v10 =	vld [tilespmem:s9+$0x1050]  }
0xb1: {  	v9 =	vadd.f32 v11, v6;
	v11 =	vld [tilespmem:s9+$0x10D0]  }
0xb2: {  	[tilespmem:s9+$0x1040] =	vst v4;
	v4 =	vadd.f32 v7, v6;
	v12 =	vld [tilespmem:s9+$0x1150]  }
.Ltmp0:
0xb3: {  	[tilespmem:s9+$0x10C0] =	vst v9;
	v6 =	vadd.f32 v8, v6;
	v9 =	vld [tilespmem:s9+$0x11D0];
	(pc) =	sbr.rel @p1 .LBB2_3-.Ltmp0, $4  }
0xb4: {  	[tilespmem:s9+$0x1140] =	vst v4;
	v4 =	vld [tilespmem:s12+$0x60]  }
0xb5: {  	[tilespmem:s9+$0x11C0] =	vst v6;
	v6 =	vadd.f32 v10, v5;
	v8 =	vld [tilespmem:s9+$0x1060]  }
0xb6: {  	v11 =	vadd.f32 v11, v5;
	v7 =	vld [tilespmem:s9+$0x10E0]  }
0xb7: {  	[tilespmem:s9+$0x1050] =	vst v6;
	v10 =	vadd.f32 v12, v5;
	v6 =	vld [tilespmem:s9+$0x1160]  }
0xb8: {  	v12 =	vld [tilespmem:s9+$0x11E0]  }
0xb9: {  	[tilespmem:s9+$0x10D0] =	vst v11;
	v5 =	vadd.f32 v9, v5;
	v9 =	vld [tilespmem:s9+$0x1070]  }
0xba: {  	[tilespmem:s9+$0x1150] =	vst v10;
	v10 =	vld [tilespmem:s9+$0x10F0];
	v8 =	vadd.f32 v8, v4  }
0xbb: {  	[tilespmem:s9+$0x11D0] =	vst v5;
	v5 =	vadd.f32 v7, v4;
	v7 =	vld [tilespmem:s9+$0x1170]  }
0xbc: {  	[tilespmem:s9+$0x1060] =	vst v8;
	v6 =	vadd.f32 v6, v4  }
0xbd: {  	[tilespmem:s9+$0x10E0] =	vst v5;
	v4 =	vadd.f32 v12, v4  }
0xbe: {  	v5 =	vadd.f32 v9, v3;
	[tilespmem:s9+$0x1160] =	vst v6  }
0xbf: {  	[tilespmem:s9+$0x11E0] =	vst v4;
	v4 =	vadd.f32 v10, v3  }
0xc0: {  	[tilespmem:s9+$0x1070] =	vst v5;
	v3 =	vadd.f32 v7, v3  }
0xc1: {  	s4 =	sshll.u32 s1, $0xD;
	[tilespmem:s9+$0x10F0] =	vst v4  }
0xc2: {  	s4 =	sadd.s32 s4, s10;
	[tilespmem:s9+$0x1170] =	vst v3  }
0xc3: {  	[hbm4b:s4+s15] =	stream.strided.scatter [tilespmem:s13], [sflag:$0x9], $0x400, s13, s15, $0x38;
	[tilespmem:$0x15000] =	vst v63  }
0xc4: {  	s11 =	simm.s32 $0x1400;
	s18 =	sadd.s32 $0x40, s4  }
0xc5: {  	[hbm4b:s18+s15] =	stream.strided.scatter [tilespmem:s11], [sflag:$0x9], $0x400, s13, s15, $0x38;
	[tilespmem:$0x15000] =	vst v63  }
0xc6: {  	s20 =	simm.s32 $0x1800;
	s19 =	sadd.s32 $0x80, s4  }
0xc7: {  	[hbm4b:s19+s15] =	stream.strided.scatter [tilespmem:s20], [sflag:$0x9], $0x400, s13, s15, $0x38;
	[tilespmem:$0x15000] =	vst v63  }
0xc8: {  	s16 =	simm.s32 $0x1C00;
	s12 =	sadd.s32 $0xC0, s4  }
0xc9: {  	[hbm4b:s12+s15] =	stream.strided.scatter [tilespmem:s16], [sflag:$0x9], $0x400, s13, s15, $0x38;
	[tilespmem:$0x15000] =	vst v63  }
0xca: {  	s17 =	sadd.s32 $0x100, s4;
	s18 =	simm.s32 $0x2000  }
0xcb: {  	[hbm4b:s17+s15] =	stream.strided.scatter [tilespmem:s18], [sflag:$0x9], $0x400, s13, s15, $0x38;
	[tilespmem:$0x15000] =	vst v63  }
0xcc: {  	s19 =	sadd.s32 $0x140, s4;
	s20 =	simm.s32 $0x2400  }
0xcd: {  	[hbm4b:s19+s15] =	stream.strided.scatter [tilespmem:s20], [sflag:$0x9], $0x400, s13, s15, $0x38;
	[tilespmem:$0x15000] =	vst v63  }
0xce: {  	s12 =	sadd.s32 $0x180, s4;
	s16 =	simm.s32 $0x2800  }
0xcf: {  	[hbm4b:s12+s15] =	stream.strided.scatter [tilespmem:s16], [sflag:$0x9], $0x400, s13, s15, $0x38;
	[tilespmem:$0x15000] =	vst v63  }
0xd0: {  	s17 =	sadd.s32 $0x1C0, s4;
	s18 =	simm.s32 $0x2C00  }
0xd1: {  	[hbm4b:s17+s15] =	stream.strided.scatter [tilespmem:s18], [sflag:$0x9], $0x400, s13, s15, $0x38;
	[tilespmem:$0x15000] =	vst v63  }
0xd2: {  	s19 =	sadd.s32 $0x400, s4;
	s20 =	simm.s32 $0x3000  }
0xd3: {  	[hbm4b:s19+s15] =	stream.strided.scatter [tilespmem:s20], [sflag:$0x9], $0x400, s13, s15, $0x38;
	[tilespmem:$0x15000] =	vst v63  }
0xd4: {  	s12 =	sadd.s32 $0x440, s4;
	s16 =	simm.s32 $0x3400  }
0xd5: {  	[hbm4b:s12+s15] =	stream.strided.scatter [tilespmem:s16], [sflag:$0x9], $0x400, s13, s15, $0x38;
	[tilespmem:$0x15000] =	vst v63  }
0xd6: {  	s17 =	sadd.s32 $0x480, s4;
	s18 =	simm.s32 $0x3800  }
0xd7: {  	[hbm4b:s17+s15] =	stream.strided.scatter [tilespmem:s18], [sflag:$0x9], $0x400, s13, s15, $0x38;
	[tilespmem:$0x15000] =	vst v63  }
0xd8: {  	s19 =	sadd.s32 $0x4C0, s4;
	s20 =	simm.s32 $0x3C00  }
0xd9: {  	[hbm4b:s19+s15] =	stream.strided.scatter [tilespmem:s20], [sflag:$0x9], $0x400, s13, s15, $0x38;
	[tilespmem:$0x15000] =	vst v63  }
0xda: {  	s12 =	sadd.s32 $0x500, s4;
	s16 =	simm.s32 $0x4000  }
0xdb: {  	[hbm4b:s12+s15] =	stream.strided.scatter [tilespmem:s16], [sflag:$0x9], $0x400, s13, s15, $0x38;
	[tilespmem:$0x15000] =	vst v63  }
0xdc: {  	s17 =	sadd.s32 $0x540, s4;
	s18 =	simm.s32 $0x4400  }
0xdd: {  	[hbm4b:s17+s15] =	stream.strided.scatter [tilespmem:s18], [sflag:$0x9], $0x400, s13, s15, $0x38;
	[tilespmem:$0x15000] =	vst v63  }
0xde: {  	s19 =	sadd.s32 $0x580, s4;
	s20 =	simm.s32 $0x4800  }
0xdf: {  	[hbm4b:s19+s15] =	stream.strided.scatter [tilespmem:s20], [sflag:$0x9], $0x400, s13, s15, $0x38;
	[tilespmem:$0x15000] =	vst v63  }
0xe0: {  	s9 =	simm.s32 @!p0 $0xC;
	s12 =	sadd.s32 $0x5C0, s4;
	s16 =	simm.s32 $0x4C00  }
0xe1: {  	[hbm4b:s12+s15] =	stream.strided.scatter [tilespmem:s16], [sflag:$0x9], $0x400, s13, s15, $0x38;
	[tilespmem:$0x15000] =	vst v63  }
0xe2: {  	s21 =	sor.u32 $0x3, s21;
	_ =	swait.ge @!p0 [sflag:s9], $0x4000  }
0xe3: {  	s11 =	sshll.u32 s21, $0x9;
	[sflag:s9] =	ssyncset.done @!p0 $0x0  }
0xe4: {  	s17 =	sshrl.u32 s11, $0x2;
	[sflag:s9] =	ssyncadd.s32 @!p0 $0xFFFFC000  }
0xe5: {  	v3 =	vld [tilespmem:s17+$0x0];
	_ =	sdelay $0x4  }
0xe6: {  	v4 =	vshll.u32 v3, $0x3  }
0xe7: {  	v3 =	vand.u32 $0x7, v3;
	v4 =	vand.u32 $0xFFFFFFC0, v4  }
0xe8: {  	v3 =	vor.u32 v3, v4  }
0xe9: {  	v4 =	vperm.xlane v3, v0;
	_ =	sdelay $0x1  }
0xea: {  	v4 =	vadd.s32 v1, v4;
	_ =	sdelay $0x3  }
0xeb: {  	s12 =	simm.s32 $0xD000;
	s9 =	simm.s32 $0x0  }
0xec: {  	[tilespmem:s12], [sflag:$0x4] =	stream.indirect_vreg.gather [hbm4b:s2+s9], $0x80, v4, vm0, $0xb8;
	[tilespmem:$0x15000] =	vst v63  }
0xed: {  	s18 =	simm.s32 $0xD800;
	v3 =	vperm.xlane v3, v2  }
0xee: {  	[tilespmem:s18], [sflag:$0x4] =	stream.indirect_vreg.gather [hbm4b:s5+s9], $0x80, v4, vm0, $0xb8;
	[tilespmem:$0x15000] =	vst v63  }
0xef: {  	s19 =	simm.s32 $0xE000;
	v3 =	vadd.s32 v1, v3  }
0xf0: {  	[tilespmem:s19], [sflag:$0x4] =	stream.indirect_vreg.gather [hbm4b:s6+s9], $0x80, v4, vm0, $0xb8;
	[tilespmem:$0x15000] =	vst v63  }
0xf1: {  	s20 =	simm.s32 $0xE800  }
0xf2: {  	[tilespmem:s20], [sflag:$0x4] =	stream.indirect_vreg.gather [hbm4b:s8+s9], $0x80, v4, vm0, $0xb8;
	[tilespmem:$0x15000] =	vst v63  }
0xf3: {  	s16 =	simm.s32 $0xF000  }
0xf4: {  	[tilespmem:s16], [sflag:$0x4] =	stream.indirect_vreg.gather [hbm4b:s2+s9], $0x80, v3, vm0, $0xb8;
	[tilespmem:$0x15000] =	vst v63  }
0xf5: {  	_ = 	snop  }
0xf6: {  	[tilespmem:s22], [sflag:$0x4] =	stream.indirect_vreg.gather [hbm4b:s5+s9], $0x80, v3, vm0, $0xb8;
	[tilespmem:$0x15000] =	vst v63  }
0xf7: {  	_ = 	snop  }
0xf8: {  	[tilespmem:s23], [sflag:$0x4] =	stream.indirect_vreg.gather [hbm4b:s6+s9], $0x80, v3, vm0, $0xb8;
	[tilespmem:$0x15000] =	vst v63  }
0xf9: {  	_ = 	snop  }
0xfa: {  	[tilespmem:s24], [sflag:$0x4] =	stream.indirect_vreg.gather [hbm4b:s8+s9], $0x80, v3, vm0, $0xb8;
	[tilespmem:$0x15000] =	vst v63  }
0xfb: {  	s11 =	sadd.s32 s11, s7;
	s17 =	simm.s32 $0x14000  }
0xfc: {  	[tilespmem:s17], [sflag:$0x8] =	stream.linear.gather [hbm4b:s11+s9], $0x1000, $0x38;
	[tilespmem:$0x15000] =	vst v63  }
0xfd: {  	s19 =	simm.s32 $0x0;
	_ =	swait.ge [sflag:s25], $0x4000  }
0xfe: {  	s18 =	sand.u32 $0x7, s9;
	s12 =	sand.u32 $0x3FFFFC00, s19;
	[sflag:s25] =	ssyncset.done $0x0  }
0xff: {  	s20 =	simm.s32 $0x0;
	s16 =	sshll.u32 s18, $0x7;
	[sflag:s25] =	ssyncadd.s32 $0xFFFFC000  }
0x100: {  	s12 =	sor.u32 s16, s12;
	s17 =	simm.s32 $0x0;
	_ =	swait.ge [sflag:s26], $0x1000  }
0x101: {  	s16 =	sand.u32 $0x200, s20;
	s17 =	sand.u32 $0x2000, s17;
	[sflag:s26] =	ssyncset.done $0x0  }
0x102: {  	s11 =	sshll.u32 s18, $0xA;
	s16 =	sor.u32 s16, s17;
	[sflag:s26] =	ssyncadd.s32 $0xFFFFF000  }
0x103: {  	s11 =	sor.u32 s16, s11;
	v4 =	vld [tilespmem:s12+$0x12000]  }
0x104: {  	v5 =	vld [tilespmem:s11+$0x51F0]  }
0x105: {  	v6 =	vld [tilespmem:s11+$0x5000]  }
0x106: {  	v7 =	vld [tilespmem:s11+$0x5080]  }
0x107: {  	v8 =	vld [tilespmem:s11+$0x5100]  }
0x108: {  	v9 =	vld [tilespmem:s11+$0x5180]  }
0x109: {  	v11 =	vld [tilespmem:s11+$0x5010]  }
0x10a: {  	v58 =	vld [tilespmem:s11+$0x5090]  }
0x10b: {  	s12 =	sadd.s32 $0x12000, s12;
	v13 =	vld [tilespmem:s11+$0x5110]  }
0x10c: {  	v3 =	vld [tilespmem:s12+$0x70]  }
0x10d: {  	v14 =	vld [tilespmem:s11+$0x5190]  }
0x10e: {  	v16 =	vld [tilespmem:s11+$0x5020]  }
0x10f: {  	v10 =	vld [tilespmem:s12+$0x10];
	v6 =	vadd.f32 v6, v4  }
0x110: {  	v59 =	vld [tilespmem:s11+$0x50B0];
	v7 =	vadd.f32 v7, v4  }
0x111: {  	v60 =	vld [tilespmem:s11+$0x51B0];
	v5 =	vadd.f32 v5, v3;
	[tilespmem:s11+$0x5000] =	vst v6  }
0x112: {  	v15 =	vld [tilespmem:s12+$0x20];
	v6 =	vadd.f32 v8, v4;
	[tilespmem:s11+$0x5080] =	vst v7  }
0x113: {  	v8 =	vld [tilespmem:s11+$0x5120];
	v4 =	vadd.f32 v9, v4;
	[tilespmem:s11+$0x51F0] =	vst v5  }
0x114: {  	v5 =	vld [tilespmem:s11+$0x50A0];
	[tilespmem:s11+$0x5100] =	vst v6;
	v6 =	vadd.f32 v11, v10  }
0x115: {  	v7 =	vld [tilespmem:s11+$0x51A0];
	[tilespmem:s11+$0x5180] =	vst v4;
	v4 =	vadd.f32 v58, v10  }
0x116: {  	v9 =	vld [tilespmem:s12+$0x30];
	[tilespmem:s11+$0x5010] =	vst v6;
	v6 =	vadd.f32 v13, v10  }
0x117: {  	v11 =	vld [tilespmem:s11+$0x5030];
	[tilespmem:s11+$0x5090] =	vst v4;
	v4 =	vadd.f32 v14, v10  }
0x118: {  	v62 =	vld [tilespmem:s11+$0x5050];
	[tilespmem:s11+$0x5110] =	vst v6;
	v6 =	vadd.f32 v16, v15  }
0x119: {  	v10 =	vld [tilespmem:s11+$0x5130];
	[tilespmem:s11+$0x5190] =	vst v4;
	v4 =	vadd.f32 v5, v15  }
0x11a: {  	v61 =	vld [tilespmem:s12+$0x40];
	v5 =	vadd.f32 v8, v15;
	[tilespmem:s11+$0x5020] =	vst v6  }
0x11b: {  	v6 =	vld [tilespmem:s11+$0x5040];
	[tilespmem:s11+$0x50A0] =	vst v4;
	v4 =	vadd.f32 v7, v15  }
0x11c: {  	v7 =	vld [tilespmem:s11+$0x50C0];
	[tilespmem:s11+$0x5120] =	vst v5;
	v5 =	vadd.f32 v11, v9  }
0x11d: {  	v8 =	vld [tilespmem:s11+$0x5140];
	[tilespmem:s11+$0x51A0] =	vst v4;
	v4 =	vadd.f32 v59, v9  }
0x11e: {  	v11 =	vld [tilespmem:s11+$0x51C0];
	v10 =	vadd.f32 v10, v9;
	[tilespmem:s11+$0x5030] =	vst v5  }
0x11f: {  	v5 =	vld [tilespmem:s12+$0x50];
	[tilespmem:s11+$0x50B0] =	vst v4;
	v4 =	vadd.f32 v60, v9  }
0x120: {  	[tilespmem:s11+$0x5130] =	vst v10;
	v10 =	vld [tilespmem:s11+$0x50D0];
	v6 =	vadd.f32 v6, v61  }
0x121: {  	v63 =	vld [tilespmem:s11+$0x5150];
	[tilespmem:s11+$0x51B0] =	vst v4;
	v4 =	vadd.f32 v7, v61  }
0x122: {  	v9 =	vld [tilespmem:s11+$0x51D0];
	[tilespmem:s11+$0x5040] =	vst v6;
	v6 =	vadd.f32 v8, v61  }
0x123: {  	v7 =	vadd.f32 v11, v61;
	v8 =	vld [tilespmem:s11+$0x5060];
	[tilespmem:s11+$0x50C0] =	vst v4  }
0x124: {  	v4 =	vld [tilespmem:s12+$0x60];
	[tilespmem:s11+$0x5140] =	vst v6;
	v6 =	vadd.f32 v62, v5  }
0x125: {  	[tilespmem:s11+$0x51C0] =	vst v7;
	v7 =	vld [tilespmem:s11+$0x50E0];
	v11 =	vadd.f32 v10, v5  }
0x126: {  	s12 =	simm.s32 $0x0;
	v10 =	vadd.f32 v63, v5;
	[tilespmem:s11+$0x5050] =	vst v6;
	v6 =	vld [tilespmem:s11+$0x5160]  }
.LBB2_5:
0x127: {  	s12 =	sadd.s32 $0x8, s12;
	[tilespmem:s11+$0x50D0] =	vst v11;
	v5 =	vadd.f32 v9, v5;
	v9 =	vld [tilespmem:s11+$0x51E0];
	s9 =	sadd.s32 $0x1, s9  }
0x128: {  	s17 =	sand.u32 $0x7, s9;
	s16 =	sshll.u32 s12, $0x6;
	s18 =	sshll.u32 s12, $0x4;
	[tilespmem:s11+$0x5150] =	vst v10;
	v10 =	vld [tilespmem:s11+$0x5070]  }
0x129: {  	s20 =	sshll.u32 s12, $0x3;
	s18 =	sand.u32 $0x3FFFFC00, s18;
	s19 =	sshll.u32 s17, $0x7;
	[tilespmem:s11+$0x51D0] =	vst v5;
	v5 =	vadd.f32 v8, v4;
	v8 =	vld [tilespmem:s11+$0x50F0]  }
0x12a: {  	s20 =	sand.u32 $0x200, s20;
	s18 =	sor.u32 s19, s18;
	s19 =	sand.u32 $0x2000, s16;
	v7 =	vadd.f32 v7, v4;
	v11 =	vld [tilespmem:s11+$0x5170]  }
0x12b: {  	s17 =	sshll.u32 s17, $0xA;
	s16 =	sadd.s32 $0x12000, s18;
	v12 =	vld [tilespmem:s18+$0x12000];
	s18 =	sor.u32 s20, s19;
	[tilespmem:s11+$0x5060] =	vst v5;
	v5 =	vadd.f32 v6, v4  }
0x12c: {  	p0 =	slt.u32 s12, $0xF8;
	s17 =	sor.u32 s18, s17;
	v6 =	vld [tilespmem:s16+$0x70];
	[tilespmem:s11+$0x50E0] =	vst v7;
	v4 =	vadd.f32 v9, v4  }
0x12d: {  	v7 =	vld [tilespmem:s17+$0x51F0];
	[tilespmem:s11+$0x5160] =	vst v5;
	v5 =	vadd.f32 v10, v3  }
0x12e: {  	v9 =	vld [tilespmem:s17+$0x5000];
	[tilespmem:s11+$0x51E0] =	vst v4;
	v4 =	vadd.f32 v8, v3  }
0x12f: {  	v8 =	vld [tilespmem:s17+$0x5080];
	[tilespmem:s11+$0x5070] =	vst v5;
	v10 =	vadd.f32 v11, v3  }
0x130: {  	v5 =	vld [tilespmem:s17+$0x5100];
	[tilespmem:s11+$0x50F0] =	vst v4  }
0x131: {  	v4 =	vld [tilespmem:s17+$0x5180];
	[tilespmem:s11+$0x5170] =	vst v10;
	v3 =	vmov v6;
	s11 =	smov.u32 s17  }
0x132: {  	v6 =	vld [tilespmem:s16+$0x10];
	v7 =	vadd.f32 v7, v3  }
0x133: {  	v9 =	vadd.f32 v9, v12;
	v10 =	vld [tilespmem:s11+$0x5010]  }
0x134: {  	v8 =	vadd.f32 v8, v12;
	v11 =	vld [tilespmem:s11+$0x5090];
	[tilespmem:s11+$0x51F0] =	vst v7  }
0x135: {  	[tilespmem:s11+$0x5000] =	vst v9;
	v5 =	vadd.f32 v5, v12;
	v7 =	vld [tilespmem:s11+$0x5110]  }
0x136: {  	[tilespmem:s11+$0x5080] =	vst v8;
	v4 =	vadd.f32 v4, v12;
	v8 =	vld [tilespmem:s11+$0x5190]  }
0x137: {  	[tilespmem:s11+$0x5100] =	vst v5;
	v5 =	vld [tilespmem:s16+$0x20]  }
0x138: {  	[tilespmem:s11+$0x5180] =	vst v4;
	v4 =	vadd.f32 v10, v6;
	v9 =	vld [tilespmem:s11+$0x5020]  }
0x139: {  	v10 =	vadd.f32 v11, v6;
	v11 =	vld [tilespmem:s11+$0x50A0]  }
0x13a: {  	[tilespmem:s11+$0x5010] =	vst v4;
	v4 =	vadd.f32 v7, v6;
	v7 =	vld [tilespmem:s11+$0x5120]  }
0x13b: {  	[tilespmem:s11+$0x5090] =	vst v10;
	v6 =	vadd.f32 v8, v6;
	v8 =	vld [tilespmem:s11+$0x51A0]  }
0x13c: {  	[tilespmem:s11+$0x5110] =	vst v4;
	v4 =	vld [tilespmem:s16+$0x30]  }
0x13d: {  	[tilespmem:s11+$0x5190] =	vst v6;
	v6 =	vadd.f32 v9, v5;
	v9 =	vld [tilespmem:s11+$0x5030]  }
0x13e: {  	v10 =	vadd.f32 v11, v5;
	v11 =	vld [tilespmem:s11+$0x50B0]  }
0x13f: {  	[tilespmem:s11+$0x5020] =	vst v6;
	v6 =	vadd.f32 v7, v5;
	v7 =	vld [tilespmem:s11+$0x5130]  }
0x140: {  	[tilespmem:s11+$0x50A0] =	vst v10;
	v5 =	vadd.f32 v8, v5;
	v8 =	vld [tilespmem:s11+$0x51B0]  }
0x141: {  	[tilespmem:s11+$0x5120] =	vst v6;
	v6 =	vld [tilespmem:s16+$0x40]  }
0x142: {  	[tilespmem:s11+$0x51A0] =	vst v5;
	v5 =	vadd.f32 v9, v4;
	v9 =	vld [tilespmem:s11+$0x5040]  }
0x143: {  	v10 =	vadd.f32 v11, v4;
	v11 =	vld [tilespmem:s11+$0x50C0]  }
0x144: {  	[tilespmem:s11+$0x5030] =	vst v5;
	v5 =	vadd.f32 v7, v4;
	v7 =	vld [tilespmem:s11+$0x5140]  }
0x145: {  	[tilespmem:s11+$0x50B0] =	vst v10;
	v4 =	vadd.f32 v8, v4;
	v8 =	vld [tilespmem:s11+$0x51C0]  }
0x146: {  	[tilespmem:s11+$0x5130] =	vst v5;
	v5 =	vld [tilespmem:s16+$0x50]  }
0x147: {  	[tilespmem:s11+$0x51B0] =	vst v4;
	v4 =	vadd.f32 v9, v6;
	v10 =	vld [tilespmem:s11+$0x5050]  }
0x148: {  	v9 =	vadd.f32 v11, v6;
	v11 =	vld [tilespmem:s11+$0x50D0]  }
0x149: {  	[tilespmem:s11+$0x5040] =	vst v4;
	v4 =	vadd.f32 v7, v6;
	v12 =	vld [tilespmem:s11+$0x5150]  }
.Ltmp1:
0x14a: {  	[tilespmem:s11+$0x50C0] =	vst v9;
	v6 =	vadd.f32 v8, v6;
	v9 =	vld [tilespmem:s11+$0x51D0];
	(pc) =	sbr.rel @p0 .LBB2_5-.Ltmp1, $4  }
0x14b: {  	[tilespmem:s11+$0x5140] =	vst v4;
	v4 =	vld [tilespmem:s16+$0x60]  }
0x14c: {  	[tilespmem:s11+$0x51C0] =	vst v6;
	v6 =	vadd.f32 v10, v5;
	v8 =	vld [tilespmem:s11+$0x5060]  }
0x14d: {  	v11 =	vadd.f32 v11, v5;
	v7 =	vld [tilespmem:s11+$0x50E0]  }
0x14e: {  	[tilespmem:s11+$0x5050] =	vst v6;
	v10 =	vadd.f32 v12, v5;
	v6 =	vld [tilespmem:s11+$0x5160]  }
0x14f: {  	v12 =	vld [tilespmem:s11+$0x51E0]  }
0x150: {  	[tilespmem:s11+$0x50D0] =	vst v11;
	v5 =	vadd.f32 v9, v5;
	v9 =	vld [tilespmem:s11+$0x5070]  }
0x151: {  	[tilespmem:s11+$0x5150] =	vst v10;
	v10 =	vld [tilespmem:s11+$0x50F0];
	v8 =	vadd.f32 v8, v4  }
0x152: {  	[tilespmem:s11+$0x51D0] =	vst v5;
	v5 =	vadd.f32 v7, v4;
	v7 =	vld [tilespmem:s11+$0x5170]  }
0x153: {  	[tilespmem:s11+$0x5060] =	vst v8;
	v6 =	vadd.f32 v6, v4  }
0x154: {  	[tilespmem:s11+$0x50E0] =	vst v5;
	v4 =	vadd.f32 v12, v4  }
0x155: {  	v5 =	vadd.f32 v9, v3;
	[tilespmem:s11+$0x5160] =	vst v6  }
0x156: {  	[tilespmem:s11+$0x51E0] =	vst v4;
	v4 =	vadd.f32 v10, v3  }
0x157: {  	[tilespmem:s11+$0x5070] =	vst v5;
	v3 =	vadd.f32 v7, v3  }
0x158: {  	[tilespmem:s11+$0x50F0] =	vst v4  }
0x159: {  	s9 =	sadd.s32 $0x800, s4;
	s18 =	simm.s32 $0x5000;
	[tilespmem:s11+$0x5170] =	vst v3  }
0x15a: {  	[hbm4b:s9+s15] =	stream.strided.scatter [tilespmem:s18], [sflag:$0xA], $0x400, s13, s15, $0x38;
	[tilespmem:$0x15000] =	vst v63  }
0x15b: {  	s19 =	sadd.s32 $0x840, s4;
	s20 =	simm.s32 $0x5400  }
0x15c: {  	[hbm4b:s19+s15] =	stream.strided.scatter [tilespmem:s20], [sflag:$0xA], $0x400, s13, s15, $0x38;
	[tilespmem:$0x15000] =	vst v63  }
0x15d: {  	s12 =	sadd.s32 $0x880, s4;
	s16 =	simm.s32 $0x5800  }
0x15e: {  	[hbm4b:s12+s15] =	stream.strided.scatter [tilespmem:s16], [sflag:$0xA], $0x400, s13, s15, $0x38;
	[tilespmem:$0x15000] =	vst v63  }
0x15f: {  	s17 =	sadd.s32 $0x8C0, s4;
	s18 =	simm.s32 $0x5C00  }
0x160: {  	[hbm4b:s17+s15] =	stream.strided.scatter [tilespmem:s18], [sflag:$0xA], $0x400, s13, s15, $0x38;
	[tilespmem:$0x15000] =	vst v63  }
0x161: {  	s19 =	sadd.s32 $0x900, s4;
	s20 =	simm.s32 $0x6000  }
0x162: {  	[hbm4b:s19+s15] =	stream.strided.scatter [tilespmem:s20], [sflag:$0xA], $0x400, s13, s15, $0x38;
	[tilespmem:$0x15000] =	vst v63  }
0x163: {  	s12 =	sadd.s32 $0x940, s4;
	s16 =	simm.s32 $0x6400  }
0x164: {  	[hbm4b:s12+s15] =	stream.strided.scatter [tilespmem:s16], [sflag:$0xA], $0x400, s13, s15, $0x38;
	[tilespmem:$0x15000] =	vst v63  }
0x165: {  	s17 =	sadd.s32 $0x980, s4;
	s18 =	simm.s32 $0x6800  }
0x166: {  	[hbm4b:s17+s15] =	stream.strided.scatter [tilespmem:s18], [sflag:$0xA], $0x400, s13, s15, $0x38;
	[tilespmem:$0x15000] =	vst v63  }
0x167: {  	s19 =	sadd.s32 $0x9C0, s4;
	s20 =	simm.s32 $0x6C00  }
0x168: {  	[hbm4b:s19+s15] =	stream.strided.scatter [tilespmem:s20], [sflag:$0xA], $0x400, s13, s15, $0x38;
	[tilespmem:$0x15000] =	vst v63  }
0x169: {  	s12 =	sadd.s32 $0xC00, s4;
	s16 =	simm.s32 $0x7000  }
0x16a: {  	[hbm4b:s12+s15] =	stream.strided.scatter [tilespmem:s16], [sflag:$0xA], $0x400, s13, s15, $0x38;
	[tilespmem:$0x15000] =	vst v63  }
0x16b: {  	s17 =	sadd.s32 $0xC40, s4;
	s18 =	simm.s32 $0x7400  }
0x16c: {  	[hbm4b:s17+s15] =	stream.strided.scatter [tilespmem:s18], [sflag:$0xA], $0x400, s13, s15, $0x38;
	[tilespmem:$0x15000] =	vst v63  }
0x16d: {  	s19 =	sadd.s32 $0xC80, s4;
	s20 =	simm.s32 $0x7800  }
0x16e: {  	[hbm4b:s19+s15] =	stream.strided.scatter [tilespmem:s20], [sflag:$0xA], $0x400, s13, s15, $0x38;
	[tilespmem:$0x15000] =	vst v63  }
0x16f: {  	s12 =	sadd.s32 $0xCC0, s4;
	s16 =	simm.s32 $0x7C00  }
0x170: {  	[hbm4b:s12+s15] =	stream.strided.scatter [tilespmem:s16], [sflag:$0xA], $0x400, s13, s15, $0x38;
	[tilespmem:$0x15000] =	vst v63  }
0x171: {  	s17 =	sadd.s32 $0xD00, s4;
	s18 =	simm.s32 $0x8000  }
0x172: {  	[hbm4b:s17+s15] =	stream.strided.scatter [tilespmem:s18], [sflag:$0xA], $0x400, s13, s15, $0x38;
	[tilespmem:$0x15000] =	vst v63  }
0x173: {  	s19 =	sadd.s32 $0xD40, s4;
	s20 =	simm.s32 $0x8400  }
0x174: {  	[hbm4b:s19+s15] =	stream.strided.scatter [tilespmem:s20], [sflag:$0xA], $0x400, s13, s15, $0x38;
	[tilespmem:$0x15000] =	vst v63  }
0x175: {  	p0 =	seq.s32 s1, $0x7;
	s11 =	sadd.s32 $0xD80, s4;
	s12 =	simm.s32 $0x8800  }
0x176: {  	[hbm4b:s11+s15] =	stream.strided.scatter [tilespmem:s12], [sflag:$0xA], $0x400, s13, s15, $0x38;
	[tilespmem:$0x15000] =	vst v63  }
0x177: {  	s9 =	simm.s32 @!p0 $0x9;
	s16 =	sadd.s32 $0xDC0, s4;
	s17 =	simm.s32 $0x8C00  }
0x178: {  	[hbm4b:s16+s15] =	stream.strided.scatter [tilespmem:s17], [sflag:$0xA], $0x400, s13, s15, $0x38;
	[tilespmem:$0x15000] =	vst v63  }
0x179: {  	s4 =	sshll.u32 @!p0 s1, $0xB;
	_ =	swait.ge @!p0 [sflag:s9], $0x4000  }
0x17a: {  	s11 =	sadd.s32 @!p0 $0x800, s4;
	[sflag:s9] =	ssyncset.done @!p0 $0x0  }
0x17b: {  	[sflag:s9] =	ssyncadd.s32 @!p0 $0xFFFFC000;
	s9 =	sshrl.u32 @!p0 s11, $0x2  }
0x17c: {  	v3 =	vld @!p0 [tilespmem:s9+$0x0];
	_ =	sdelay $0x4  }
0x17d: {  	v4 =	vshll.u32 @!p0 v3, $0x3  }
0x17e: {  	v5 =	vlaneseq.u32 @!p0;
	v3 =	vand.u32 @!p0 $0x7, v3;
	v4 =	vand.u32 @!p0 $0xFFFFFFC0, v4  }
0x17f: {  	v6 =	vshrl.u32 @!p0 v5, $0x3;
	v3 =	vor.u32 @!p0 v3, v4;
	v4 =	vand.u32 @!p0 $0x7, v5  }
0x180: {  	v6 =	vmul.u32 @!p0 $0x8, v6;
	v4 =	vperm.xlane @!p0 v3, v4;
	_ =	sdelay $0x1  }
0x181: {  	v4 =	vadd.s32 @!p0 v6, v4;
	_ =	sdelay $0x3  }
0x182: {  	vm1 =	vmmov @!p0 $0xffff;
	s12 =	simm.s32 @!p0 $0x1000;
	s9 =	simm.s32 @!p0 $0x0  }
0x183: {  	v5 =	vor.u32 @!p0 $0x8, v5;
	[tilespmem:s12], [sflag:$0x1] =	stream.indirect_vreg.gather @!p0 [hbm4b:s2+s9], $0x80, v4, vm1, $0xb8;
	[tilespmem:$0x15000] =	vst v63  }
0x184: {  	v3 =	vperm.xlane @!p0 v3, v5;
	s12 =	simm.s32 @!p0 $0x1800  }
0x185: {  	[tilespmem:s12], [sflag:$0x1] =	stream.indirect_vreg.gather @!p0 [hbm4b:s5+s9], $0x80, v4, vm1, $0xb8;
	[tilespmem:$0x15000] =	vst v63  }
0x186: {  	v3 =	vadd.s32 @!p0 v6, v3;
	s12 =	simm.s32 @!p0 $0x2000  }
0x187: {  	[tilespmem:s12], [sflag:$0x1] =	stream.indirect_vreg.gather @!p0 [hbm4b:s6+s9], $0x80, v4, vm1, $0xb8;
	[tilespmem:$0x15000] =	vst v63  }
0x188: {  	s12 =	simm.s32 @!p0 $0x2800  }
0x189: {  	[tilespmem:s12], [sflag:$0x1] =	stream.indirect_vreg.gather @!p0 [hbm4b:s8+s9], $0x80, v4, vm1, $0xb8;
	[tilespmem:$0x15000] =	vst v63  }
0x18a: {  	s12 =	simm.s32 @!p0 $0x3000  }
0x18b: {  	[tilespmem:s12], [sflag:$0x1] =	stream.indirect_vreg.gather @!p0 [hbm4b:s2+s9], $0x80, v3, vm1, $0xb8;
	[tilespmem:$0x15000] =	vst v63  }
0x18c: {  	s12 =	simm.s32 @!p0 $0x3800  }
0x18d: {  	[tilespmem:s12], [sflag:$0x1] =	stream.indirect_vreg.gather @!p0 [hbm4b:s5+s9], $0x80, v3, vm1, $0xb8;
	[tilespmem:$0x15000] =	vst v63  }
0x18e: {  	s12 =	simm.s32 @!p0 $0x4000  }
0x18f: {  	[tilespmem:s12], [sflag:$0x1] =	stream.indirect_vreg.gather @!p0 [hbm4b:s6+s9], $0x80, v3, vm1, $0xb8;
	[tilespmem:$0x15000] =	vst v63  }
0x190: {  	s12 =	simm.s32 @!p0 $0x4800  }
0x191: {  	[tilespmem:s12], [sflag:$0x1] =	stream.indirect_vreg.gather @!p0 [hbm4b:s8+s9], $0x80, v3, vm1, $0xb8;
	[tilespmem:$0x15000] =	vst v63  }
0x192: {  	s11 =	sadd.s32 @!p0 s11, s7;
	s12 =	simm.s32 @!p0 $0x11000  }
0x193: {  	[tilespmem:s12], [sflag:$0x5] =	stream.linear.gather @!p0 [hbm4b:s11+s9], $0x1000, $0x38;
	[tilespmem:$0x15000] =	vst v63  }
0x194: {  	s19 =	simm.s32 $0x0;
	s20 =	simm.s32 $0x0;
	_ =	swait.ge [sflag:s28], $0x4000  }
0x195: {  	s17 =	simm.s32 $0x0;
	s11 =	simm.s32 $0x0;
	[sflag:s28] =	ssyncset.done $0x0  }
0x196: {  	s17 =	sand.u32 $0x2000, s17;
	s18 =	sand.u32 $0x7, s11;
	[sflag:s28] =	ssyncadd.s32 $0xFFFFC000  }
0x197: {  	s12 =	sand.u32 $0x3FFFFC00, s19;
	s16 =	sshll.u32 s18, $0x7;
	_ =	swait.ge [sflag:s29], $0x1000  }
0x198: {  	s12 =	sor.u32 s16, s12;
	s16 =	sand.u32 $0x200, s20;
	[sflag:s29] =	ssyncset.done $0x0  }
0x199: {  	s9 =	sshll.u32 s18, $0xA;
	s16 =	sor.u32 s16, s17;
	[sflag:s29] =	ssyncadd.s32 $0xFFFFF000  }
0x19a: {  	s9 =	sor.u32 s16, s9;
	v4 =	vld [tilespmem:s12+$0x13000]  }
0x19b: {  	v5 =	vld [tilespmem:s9+$0x91F0]  }
0x19c: {  	v6 =	vld [tilespmem:s9+$0x9000]  }
0x19d: {  	v7 =	vld [tilespmem:s9+$0x9080]  }
0x19e: {  	v8 =	vld [tilespmem:s9+$0x9100]  }
0x19f: {  	v9 =	vld [tilespmem:s9+$0x9180]  }
0x1a0: {  	v11 =	vld [tilespmem:s9+$0x9010]  }
0x1a1: {  	v58 =	vld [tilespmem:s9+$0x9090]  }
0x1a2: {  	s12 =	sadd.s32 $0x13000, s12;
	v13 =	vld [tilespmem:s9+$0x9110]  }
0x1a3: {  	v3 =	vld [tilespmem:s12+$0x70]  }
0x1a4: {  	v14 =	vld [tilespmem:s9+$0x9190]  }
0x1a5: {  	v16 =	vld [tilespmem:s9+$0x9020]  }
0x1a6: {  	v10 =	vld [tilespmem:s12+$0x10];
	v6 =	vadd.f32 v6, v4  }
0x1a7: {  	v59 =	vld [tilespmem:s9+$0x90B0];
	v7 =	vadd.f32 v7, v4  }
0x1a8: {  	v60 =	vld [tilespmem:s9+$0x91B0];
	v5 =	vadd.f32 v5, v3;
	[tilespmem:s9+$0x9000] =	vst v6  }
0x1a9: {  	v15 =	vld [tilespmem:s12+$0x20];
	v6 =	vadd.f32 v8, v4;
	[tilespmem:s9+$0x9080] =	vst v7  }
0x1aa: {  	v8 =	vld [tilespmem:s9+$0x9120];
	v4 =	vadd.f32 v9, v4;
	[tilespmem:s9+$0x91F0] =	vst v5  }
0x1ab: {  	v5 =	vld [tilespmem:s9+$0x90A0];
	[tilespmem:s9+$0x9100] =	vst v6;
	v6 =	vadd.f32 v11, v10  }
0x1ac: {  	v7 =	vld [tilespmem:s9+$0x91A0];
	[tilespmem:s9+$0x9180] =	vst v4;
	v4 =	vadd.f32 v58, v10  }
0x1ad: {  	v9 =	vld [tilespmem:s12+$0x30];
	[tilespmem:s9+$0x9010] =	vst v6;
	v6 =	vadd.f32 v13, v10  }
0x1ae: {  	v11 =	vld [tilespmem:s9+$0x9030];
	[tilespmem:s9+$0x9090] =	vst v4;
	v4 =	vadd.f32 v14, v10  }
0x1af: {  	v62 =	vld [tilespmem:s9+$0x9050];
	[tilespmem:s9+$0x9110] =	vst v6;
	v6 =	vadd.f32 v16, v15  }
0x1b0: {  	v10 =	vld [tilespmem:s9+$0x9130];
	[tilespmem:s9+$0x9190] =	vst v4;
	v4 =	vadd.f32 v5, v15  }
0x1b1: {  	v61 =	vld [tilespmem:s12+$0x40];
	v5 =	vadd.f32 v8, v15;
	[tilespmem:s9+$0x9020] =	vst v6  }
0x1b2: {  	v6 =	vld [tilespmem:s9+$0x9040];
	[tilespmem:s9+$0x90A0] =	vst v4;
	v4 =	vadd.f32 v7, v15  }
0x1b3: {  	v7 =	vld [tilespmem:s9+$0x90C0];
	[tilespmem:s9+$0x9120] =	vst v5;
	v5 =	vadd.f32 v11, v9  }
0x1b4: {  	v8 =	vld [tilespmem:s9+$0x9140];
	[tilespmem:s9+$0x91A0] =	vst v4;
	v4 =	vadd.f32 v59, v9  }
0x1b5: {  	v11 =	vld [tilespmem:s9+$0x91C0];
	v10 =	vadd.f32 v10, v9;
	[tilespmem:s9+$0x9030] =	vst v5  }
0x1b6: {  	v5 =	vld [tilespmem:s12+$0x50];
	[tilespmem:s9+$0x90B0] =	vst v4;
	v4 =	vadd.f32 v60, v9  }
0x1b7: {  	[tilespmem:s9+$0x9130] =	vst v10;
	v10 =	vld [tilespmem:s9+$0x90D0];
	v6 =	vadd.f32 v6, v61  }
0x1b8: {  	v63 =	vld [tilespmem:s9+$0x9150];
	[tilespmem:s9+$0x91B0] =	vst v4;
	v4 =	vadd.f32 v7, v61  }
0x1b9: {  	v9 =	vld [tilespmem:s9+$0x91D0];
	[tilespmem:s9+$0x9040] =	vst v6;
	v6 =	vadd.f32 v8, v61  }
0x1ba: {  	v7 =	vadd.f32 v11, v61;
	v8 =	vld [tilespmem:s9+$0x9060];
	[tilespmem:s9+$0x90C0] =	vst v4  }
0x1bb: {  	v4 =	vld [tilespmem:s12+$0x60];
	[tilespmem:s9+$0x9140] =	vst v6;
	v6 =	vadd.f32 v62, v5  }
0x1bc: {  	[tilespmem:s9+$0x91C0] =	vst v7;
	v7 =	vld [tilespmem:s9+$0x90E0];
	v11 =	vadd.f32 v10, v5  }
0x1bd: {  	s12 =	simm.s32 $0x0;
	v10 =	vadd.f32 v63, v5;
	[tilespmem:s9+$0x9050] =	vst v6;
	v6 =	vld [tilespmem:s9+$0x9160]  }
.LBB2_7:
0x1be: {  	s12 =	sadd.s32 $0x8, s12;
	[tilespmem:s9+$0x90D0] =	vst v11;
	v5 =	vadd.f32 v9, v5;
	v9 =	vld [tilespmem:s9+$0x91E0];
	s11 =	sadd.s32 $0x1, s11  }
0x1bf: {  	s17 =	sand.u32 $0x7, s11;
	s16 =	sshll.u32 s12, $0x6;
	s18 =	sshll.u32 s12, $0x4;
	[tilespmem:s9+$0x9150] =	vst v10;
	v10 =	vld [tilespmem:s9+$0x9070]  }
0x1c0: {  	s20 =	sshll.u32 s12, $0x3;
	s18 =	sand.u32 $0x3FFFFC00, s18;
	s19 =	sshll.u32 s17, $0x7;
	[tilespmem:s9+$0x91D0] =	vst v5;
	v5 =	vadd.f32 v8, v4;
	v8 =	vld [tilespmem:s9+$0x90F0]  }
0x1c1: {  	s20 =	sand.u32 $0x200, s20;
	s18 =	sor.u32 s19, s18;
	s19 =	sand.u32 $0x2000, s16;
	v7 =	vadd.f32 v7, v4;
	v11 =	vld [tilespmem:s9+$0x9170]  }
0x1c2: {  	s17 =	sshll.u32 s17, $0xA;
	s16 =	sadd.s32 $0x13000, s18;
	v12 =	vld [tilespmem:s18+$0x13000];
	s18 =	sor.u32 s20, s19;
	[tilespmem:s9+$0x9060] =	vst v5;
	v5 =	vadd.f32 v6, v4  }
0x1c3: {  	p1 =	slt.u32 s12, $0xF8;
	s17 =	sor.u32 s18, s17;
	v6 =	vld [tilespmem:s16+$0x70];
	[tilespmem:s9+$0x90E0] =	vst v7;
	v4 =	vadd.f32 v9, v4  }
0x1c4: {  	v7 =	vld [tilespmem:s17+$0x91F0];
	[tilespmem:s9+$0x9160] =	vst v5;
	v5 =	vadd.f32 v10, v3  }
0x1c5: {  	v9 =	vld [tilespmem:s17+$0x9000];
	[tilespmem:s9+$0x91E0] =	vst v4;
	v4 =	vadd.f32 v8, v3  }
0x1c6: {  	v8 =	vld [tilespmem:s17+$0x9080];
	[tilespmem:s9+$0x9070] =	vst v5;
	v10 =	vadd.f32 v11, v3  }
0x1c7: {  	v5 =	vld [tilespmem:s17+$0x9100];
	[tilespmem:s9+$0x90F0] =	vst v4  }
0x1c8: {  	v4 =	vld [tilespmem:s17+$0x9180];
	[tilespmem:s9+$0x9170] =	vst v10;
	v3 =	vmov v6;
	s9 =	smov.u32 s17  }
0x1c9: {  	v6 =	vld [tilespmem:s16+$0x10];
	v7 =	vadd.f32 v7, v3  }
0x1ca: {  	v9 =	vadd.f32 v9, v12;
	v10 =	vld [tilespmem:s9+$0x9010]  }
0x1cb: {  	v8 =	vadd.f32 v8, v12;
	v11 =	vld [tilespmem:s9+$0x9090];
	[tilespmem:s9+$0x91F0] =	vst v7  }
0x1cc: {  	[tilespmem:s9+$0x9000] =	vst v9;
	v5 =	vadd.f32 v5, v12;
	v7 =	vld [tilespmem:s9+$0x9110]  }
0x1cd: {  	[tilespmem:s9+$0x9080] =	vst v8;
	v4 =	vadd.f32 v4, v12;
	v8 =	vld [tilespmem:s9+$0x9190]  }
0x1ce: {  	[tilespmem:s9+$0x9100] =	vst v5;
	v5 =	vld [tilespmem:s16+$0x20]  }
0x1cf: {  	[tilespmem:s9+$0x9180] =	vst v4;
	v4 =	vadd.f32 v10, v6;
	v9 =	vld [tilespmem:s9+$0x9020]  }
0x1d0: {  	v10 =	vadd.f32 v11, v6;
	v11 =	vld [tilespmem:s9+$0x90A0]  }
0x1d1: {  	[tilespmem:s9+$0x9010] =	vst v4;
	v4 =	vadd.f32 v7, v6;
	v7 =	vld [tilespmem:s9+$0x9120]  }
0x1d2: {  	[tilespmem:s9+$0x9090] =	vst v10;
	v6 =	vadd.f32 v8, v6;
	v8 =	vld [tilespmem:s9+$0x91A0]  }
0x1d3: {  	[tilespmem:s9+$0x9110] =	vst v4;
	v4 =	vld [tilespmem:s16+$0x30]  }
0x1d4: {  	[tilespmem:s9+$0x9190] =	vst v6;
	v6 =	vadd.f32 v9, v5;
	v9 =	vld [tilespmem:s9+$0x9030]  }
0x1d5: {  	v10 =	vadd.f32 v11, v5;
	v11 =	vld [tilespmem:s9+$0x90B0]  }
0x1d6: {  	[tilespmem:s9+$0x9020] =	vst v6;
	v6 =	vadd.f32 v7, v5;
	v7 =	vld [tilespmem:s9+$0x9130]  }
0x1d7: {  	[tilespmem:s9+$0x90A0] =	vst v10;
	v5 =	vadd.f32 v8, v5;
	v8 =	vld [tilespmem:s9+$0x91B0]  }
0x1d8: {  	[tilespmem:s9+$0x9120] =	vst v6;
	v6 =	vld [tilespmem:s16+$0x40]  }
0x1d9: {  	[tilespmem:s9+$0x91A0] =	vst v5;
	v5 =	vadd.f32 v9, v4;
	v9 =	vld [tilespmem:s9+$0x9040]  }
0x1da: {  	v10 =	vadd.f32 v11, v4;
	v11 =	vld [tilespmem:s9+$0x90C0]  }
0x1db: {  	[tilespmem:s9+$0x9030] =	vst v5;
	v5 =	vadd.f32 v7, v4;
	v7 =	vld [tilespmem:s9+$0x9140]  }
0x1dc: {  	[tilespmem:s9+$0x90B0] =	vst v10;
	v4 =	vadd.f32 v8, v4;
	v8 =	vld [tilespmem:s9+$0x91C0]  }
0x1dd: {  	[tilespmem:s9+$0x9130] =	vst v5;
	v5 =	vld [tilespmem:s16+$0x50]  }
0x1de: {  	[tilespmem:s9+$0x91B0] =	vst v4;
	v4 =	vadd.f32 v9, v6;
	v10 =	vld [tilespmem:s9+$0x9050]  }
0x1df: {  	v9 =	vadd.f32 v11, v6;
	v11 =	vld [tilespmem:s9+$0x90D0]  }
0x1e0: {  	[tilespmem:s9+$0x9040] =	vst v4;
	v4 =	vadd.f32 v7, v6;
	v12 =	vld [tilespmem:s9+$0x9150]  }
.Ltmp2:
0x1e1: {  	[tilespmem:s9+$0x90C0] =	vst v9;
	v6 =	vadd.f32 v8, v6;
	v9 =	vld [tilespmem:s9+$0x91D0];
	(pc) =	sbr.rel @p1 .LBB2_7-.Ltmp2, $4  }
0x1e2: {  	[tilespmem:s9+$0x9140] =	vst v4;
	v4 =	vld [tilespmem:s16+$0x60]  }
0x1e3: {  	[tilespmem:s9+$0x91C0] =	vst v6;
	v6 =	vadd.f32 v10, v5;
	v8 =	vld [tilespmem:s9+$0x9060]  }
0x1e4: {  	v11 =	vadd.f32 v11, v5;
	v7 =	vld [tilespmem:s9+$0x90E0]  }
0x1e5: {  	[tilespmem:s9+$0x9050] =	vst v6;
	v10 =	vadd.f32 v12, v5;
	v6 =	vld [tilespmem:s9+$0x9160]  }
0x1e6: {  	v12 =	vld [tilespmem:s9+$0x91E0]  }
0x1e7: {  	[tilespmem:s9+$0x90D0] =	vst v11;
	v5 =	vadd.f32 v9, v5;
	v9 =	vld [tilespmem:s9+$0x9070]  }
0x1e8: {  	[tilespmem:s9+$0x9150] =	vst v10;
	v10 =	vld [tilespmem:s9+$0x90F0];
	v8 =	vadd.f32 v8, v4  }
0x1e9: {  	[tilespmem:s9+$0x91D0] =	vst v5;
	v5 =	vadd.f32 v7, v4;
	v7 =	vld [tilespmem:s9+$0x9170]  }
0x1ea: {  	[tilespmem:s9+$0x9060] =	vst v8;
	v6 =	vadd.f32 v6, v4  }
0x1eb: {  	[tilespmem:s9+$0x90E0] =	vst v5;
	v4 =	vadd.f32 v12, v4  }
0x1ec: {  	v5 =	vadd.f32 v9, v3;
	[tilespmem:s9+$0x9160] =	vst v6  }
0x1ed: {  	[tilespmem:s9+$0x91E0] =	vst v4;
	v4 =	vadd.f32 v10, v3  }
0x1ee: {  	[tilespmem:s9+$0x9070] =	vst v5;
	v3 =	vadd.f32 v7, v3  }
0x1ef: {  	s11 =	sshll.u32 s31, $0xB;
	[tilespmem:s9+$0x90F0] =	vst v4  }
0x1f0: {  	s20 =	simm.s32 $0x9000;
	[tilespmem:s9+$0x9170] =	vst v3;
	s9 =	sadd.s32 s11, s10  }
0x1f1: {  	[hbm4b:s9+s15] =	stream.strided.scatter [tilespmem:s20], [sflag:$0xB], $0x400, s13, s15, $0x38;
	[tilespmem:$0x15000] =	vst v63  }
0x1f2: {  	s12 =	simm.s32 $0x9400;
	s11 =	sadd.s32 $0x40, s9  }
0x1f3: {  	[hbm4b:s11+s15] =	stream.strided.scatter [tilespmem:s12], [sflag:$0xB], $0x400, s13, s15, $0x38;
	[tilespmem:$0x15000] =	vst v63  }
0x1f4: {  	s31 =	simm.s32 $0x9800;
	s19 =	sadd.s32 $0x80, s9  }
0x1f5: {  	[hbm4b:s19+s15] =	stream.strided.scatter [tilespmem:s31], [sflag:$0xB], $0x400, s13, s15, $0x38;
	[tilespmem:$0x15000] =	vst v63  }
0x1f6: {  	s16 =	simm.s32 $0x9C00;
	s12 =	sadd.s32 $0xC0, s9  }
0x1f7: {  	[hbm4b:s12+s15] =	stream.strided.scatter [tilespmem:s16], [sflag:$0xB], $0x400, s13, s15, $0x38;
	[tilespmem:$0x15000] =	vst v63  }
0x1f8: {  	s18 =	simm.s32 $0xA000;
	s17 =	sadd.s32 $0x100, s9  }
0x1f9: {  	[hbm4b:s17+s15] =	stream.strided.scatter [tilespmem:s18], [sflag:$0xB], $0x400, s13, s15, $0x38;
	[tilespmem:$0x15000] =	vst v63  }
0x1fa: {  	s19 =	sadd.s32 $0x140, s9;
	s31 =	simm.s32 $0xA400  }
0x1fb: {  	[hbm4b:s19+s15] =	stream.strided.scatter [tilespmem:s31], [sflag:$0xB], $0x400, s13, s15, $0x38;
	[tilespmem:$0x15000] =	vst v63  }
0x1fc: {  	s12 =	sadd.s32 $0x180, s9;
	s16 =	simm.s32 $0xA800  }
0x1fd: {  	[hbm4b:s12+s15] =	stream.strided.scatter [tilespmem:s16], [sflag:$0xB], $0x400, s13, s15, $0x38;
	[tilespmem:$0x15000] =	vst v63  }
0x1fe: {  	s17 =	sadd.s32 $0x1C0, s9;
	s18 =	simm.s32 $0xAC00  }
0x1ff: {  	[hbm4b:s17+s15] =	stream.strided.scatter [tilespmem:s18], [sflag:$0xB], $0x400, s13, s15, $0x38;
	[tilespmem:$0x15000] =	vst v63  }
0x200: {  	s19 =	sadd.s32 $0x400, s9;
	s31 =	simm.s32 $0xB000  }
0x201: {  	[hbm4b:s19+s15] =	stream.strided.scatter [tilespmem:s31], [sflag:$0xB], $0x400, s13, s15, $0x38;
	[tilespmem:$0x15000] =	vst v63  }
0x202: {  	s12 =	sadd.s32 $0x440, s9;
	s16 =	simm.s32 $0xB400  }
0x203: {  	[hbm4b:s12+s15] =	stream.strided.scatter [tilespmem:s16], [sflag:$0xB], $0x400, s13, s15, $0x38;
	[tilespmem:$0x15000] =	vst v63  }
0x204: {  	s17 =	sadd.s32 $0x480, s9;
	s18 =	simm.s32 $0xB800  }
0x205: {  	[hbm4b:s17+s15] =	stream.strided.scatter [tilespmem:s18], [sflag:$0xB], $0x400, s13, s15, $0x38;
	[tilespmem:$0x15000] =	vst v63  }
0x206: {  	s19 =	sadd.s32 $0x4C0, s9;
	s31 =	simm.s32 $0xBC00  }
0x207: {  	[hbm4b:s19+s15] =	stream.strided.scatter [tilespmem:s31], [sflag:$0xB], $0x400, s13, s15, $0x38;
	[tilespmem:$0x15000] =	vst v63  }
0x208: {  	s12 =	sadd.s32 $0x500, s9;
	s16 =	simm.s32 $0xC000  }
0x209: {  	[hbm4b:s12+s15] =	stream.strided.scatter [tilespmem:s16], [sflag:$0xB], $0x400, s13, s15, $0x38;
	[tilespmem:$0x15000] =	vst v63  }
0x20a: {  	s17 =	sadd.s32 $0x540, s9;
	s18 =	simm.s32 $0xC400  }
0x20b: {  	[hbm4b:s17+s15] =	stream.strided.scatter [tilespmem:s18], [sflag:$0xB], $0x400, s13, s15, $0x38;
	[tilespmem:$0x15000] =	vst v63  }
0x20c: {  	s19 =	sadd.s32 $0x580, s9;
	s31 =	simm.s32 $0xC800  }
0x20d: {  	[hbm4b:s19+s15] =	stream.strided.scatter [tilespmem:s31], [sflag:$0xB], $0x400, s13, s15, $0x38;
	[tilespmem:$0x15000] =	vst v63  }
0x20e: {  	s9 =	sadd.s32 $0x5C0, s9;
	s16 =	simm.s32 $0xCC00  }
0x20f: {  	[hbm4b:s9+s15] =	stream.strided.scatter [tilespmem:s16], [sflag:$0xB], $0x400, s13, s15, $0x38;
	[tilespmem:$0x15000] =	vst v63  }
0x210: {  	s9 =	simm.s32 @!p0 $0xA  }
0x211: {  	_ =	swait.ge @!p0 [sflag:s9], $0x4000  }
0x212: {  	s4 =	sadd.s32 @!p0 $0xA00, s4;
	[sflag:s9] =	ssyncset.done @!p0 $0x0  }
0x213: {  	[sflag:s9] =	ssyncadd.s32 @!p0 $0xFFFFC000;
	s9 =	sshrl.u32 @!p0 s4, $0x2  }
0x214: {  	v3 =	vld @!p0 [tilespmem:s9+$0x0];
	_ =	sdelay $0x4  }
0x215: {  	v4 =	vshll.u32 @!p0 v3, $0x3  }
0x216: {  	v5 =	vlaneseq.u32 @!p0;
	v3 =	vand.u32 @!p0 $0x7, v3;
	v4 =	vand.u32 @!p0 $0xFFFFFFC0, v4  }
0x217: {  	v6 =	vshrl.u32 @!p0 v5, $0x3;
	v3 =	vor.u32 @!p0 v3, v4;
	v4 =	vand.u32 @!p0 $0x7, v5  }
0x218: {  	v6 =	vmul.u32 @!p0 $0x8, v6;
	v4 =	vperm.xlane @!p0 v3, v4;
	_ =	sdelay $0x1  }
0x219: {  	v4 =	vadd.s32 @!p0 v6, v4;
	_ =	sdelay $0x3  }
0x21a: {  	s11 =	simm.s32 @!p0 $0x5000;
	s9 =	simm.s32 @!p0 $0x0  }
0x21b: {  	v5 =	vor.u32 @!p0 $0x8, v5;
	[tilespmem:s11], [sflag:$0x2] =	stream.indirect_vreg.gather @!p0 [hbm4b:s2+s9], $0x80, v4, vm1, $0xb8;
	[tilespmem:$0x15000] =	vst v63  }
0x21c: {  	v3 =	vperm.xlane @!p0 v3, v5;
	s11 =	simm.s32 @!p0 $0x5800  }
0x21d: {  	[tilespmem:s11], [sflag:$0x2] =	stream.indirect_vreg.gather @!p0 [hbm4b:s5+s9], $0x80, v4, vm1, $0xb8;
	[tilespmem:$0x15000] =	vst v63  }
0x21e: {  	v3 =	vadd.s32 @!p0 v6, v3;
	s11 =	simm.s32 @!p0 $0x6000  }
0x21f: {  	[tilespmem:s11], [sflag:$0x2] =	stream.indirect_vreg.gather @!p0 [hbm4b:s6+s9], $0x80, v4, vm1, $0xb8;
	[tilespmem:$0x15000] =	vst v63  }
0x220: {  	s11 =	simm.s32 @!p0 $0x6800  }
0x221: {  	[tilespmem:s11], [sflag:$0x2] =	stream.indirect_vreg.gather @!p0 [hbm4b:s8+s9], $0x80, v4, vm1, $0xb8;
	[tilespmem:$0x15000] =	vst v63  }
0x222: {  	s11 =	simm.s32 @!p0 $0x7000  }
0x223: {  	[tilespmem:s11], [sflag:$0x2] =	stream.indirect_vreg.gather @!p0 [hbm4b:s2+s9], $0x80, v3, vm1, $0xb8;
	[tilespmem:$0x15000] =	vst v63  }
0x224: {  	s11 =	simm.s32 @!p0 $0x7800  }
0x225: {  	[tilespmem:s11], [sflag:$0x2] =	stream.indirect_vreg.gather @!p0 [hbm4b:s5+s9], $0x80, v3, vm1, $0xb8;
	[tilespmem:$0x15000] =	vst v63  }
0x226: {  	s11 =	simm.s32 @!p0 $0x8000  }
0x227: {  	[tilespmem:s11], [sflag:$0x2] =	stream.indirect_vreg.gather @!p0 [hbm4b:s6+s9], $0x80, v3, vm1, $0xb8;
	[tilespmem:$0x15000] =	vst v63  }
0x228: {  	s11 =	simm.s32 @!p0 $0x8800  }
0x229: {  	[tilespmem:s11], [sflag:$0x2] =	stream.indirect_vreg.gather @!p0 [hbm4b:s8+s9], $0x80, v3, vm1, $0xb8;
	[tilespmem:$0x15000] =	vst v63  }
0x22a: {  	s4 =	sadd.s32 @!p0 s4, s7;
	s11 =	simm.s32 @!p0 $0x12000  }
0x22b: {  	[tilespmem:s11], [sflag:$0x6] =	stream.linear.gather @!p0 [hbm4b:s4+s9], $0x1000, $0x38;
	[tilespmem:$0x15000] =	vst v63  }
0x22c: {  	s18 =	simm.s32 $0x0;
	s31 =	simm.s32 $0x0;
	_ =	swait.ge [sflag:s30], $0x4000  }
0x22d: {  	s12 =	sand.u32 $0x200, s31;
	s16 =	simm.s32 $0x0;
	[sflag:s30] =	ssyncset.done $0x0  }
0x22e: {  	s16 =	sand.u32 $0x2000, s16;
	s9 =	simm.s32 $0x0;
	[sflag:s30] =	ssyncadd.s32 $0xFFFFC000  }
0x22f: {  	s12 =	sor.u32 s12, s16;
	s17 =	sand.u32 $0x7, s9;
	_ =	swait.ge [sflag:s0], $0x1000  }
0x230: {  	s11 =	sand.u32 $0x3FFFFC00, s18;
	s19 =	sshll.u32 s17, $0x7;
	[sflag:s0] =	ssyncset.done $0x0  }
0x231: {  	s4 =	sshll.u32 s17, $0xA;
	s11 =	sor.u32 s19, s11;
	[sflag:s0] =	ssyncadd.s32 $0xFFFFF000  }
0x232: {  	s4 =	sor.u32 s12, s4;
	v4 =	vld [tilespmem:s11+$0x14000]  }
0x233: {  	v5 =	vld [tilespmem:s4+$0xD1F0]  }
0x234: {  	v6 =	vld [tilespmem:s4+$0xD000]  }
0x235: {  	v7 =	vld [tilespmem:s4+$0xD080]  }
0x236: {  	v8 =	vld [tilespmem:s4+$0xD100]  }
0x237: {  	v9 =	vld [tilespmem:s4+$0xD180]  }
0x238: {  	v11 =	vld [tilespmem:s4+$0xD010]  }
0x239: {  	v58 =	vld [tilespmem:s4+$0xD090]  }
0x23a: {  	s11 =	sadd.s32 $0x14000, s11;
	v13 =	vld [tilespmem:s4+$0xD110]  }
0x23b: {  	v3 =	vld [tilespmem:s11+$0x70]  }
0x23c: {  	v14 =	vld [tilespmem:s4+$0xD190]  }
0x23d: {  	v16 =	vld [tilespmem:s4+$0xD020]  }
0x23e: {  	v10 =	vld [tilespmem:s11+$0x10];
	v6 =	vadd.f32 v6, v4  }
0x23f: {  	v59 =	vld [tilespmem:s4+$0xD0B0];
	v7 =	vadd.f32 v7, v4  }
0x240: {  	v60 =	vld [tilespmem:s4+$0xD1B0];
	v5 =	vadd.f32 v5, v3;
	[tilespmem:s4+$0xD000] =	vst v6  }
0x241: {  	v15 =	vld [tilespmem:s11+$0x20];
	v6 =	vadd.f32 v8, v4;
	[tilespmem:s4+$0xD080] =	vst v7  }
0x242: {  	v8 =	vld [tilespmem:s4+$0xD120];
	v4 =	vadd.f32 v9, v4;
	[tilespmem:s4+$0xD1F0] =	vst v5  }
0x243: {  	v5 =	vld [tilespmem:s4+$0xD0A0];
	[tilespmem:s4+$0xD100] =	vst v6;
	v6 =	vadd.f32 v11, v10  }
0x244: {  	v7 =	vld [tilespmem:s4+$0xD1A0];
	[tilespmem:s4+$0xD180] =	vst v4;
	v4 =	vadd.f32 v58, v10  }
0x245: {  	v9 =	vld [tilespmem:s11+$0x30];
	[tilespmem:s4+$0xD010] =	vst v6;
	v6 =	vadd.f32 v13, v10  }
0x246: {  	v11 =	vld [tilespmem:s4+$0xD030];
	[tilespmem:s4+$0xD090] =	vst v4;
	v4 =	vadd.f32 v14, v10  }
0x247: {  	v62 =	vld [tilespmem:s4+$0xD050];
	[tilespmem:s4+$0xD110] =	vst v6;
	v6 =	vadd.f32 v16, v15  }
0x248: {  	v10 =	vld [tilespmem:s4+$0xD130];
	[tilespmem:s4+$0xD190] =	vst v4;
	v4 =	vadd.f32 v5, v15  }
0x249: {  	v61 =	vld [tilespmem:s11+$0x40];
	v5 =	vadd.f32 v8, v15;
	[tilespmem:s4+$0xD020] =	vst v6  }
0x24a: {  	v6 =	vld [tilespmem:s4+$0xD040];
	[tilespmem:s4+$0xD0A0] =	vst v4;
	v4 =	vadd.f32 v7, v15  }
0x24b: {  	v7 =	vld [tilespmem:s4+$0xD0C0];
	[tilespmem:s4+$0xD120] =	vst v5;
	v5 =	vadd.f32 v11, v9  }
0x24c: {  	v8 =	vld [tilespmem:s4+$0xD140];
	[tilespmem:s4+$0xD1A0] =	vst v4;
	v4 =	vadd.f32 v59, v9  }
0x24d: {  	v11 =	vld [tilespmem:s4+$0xD1C0];
	v10 =	vadd.f32 v10, v9;
	[tilespmem:s4+$0xD030] =	vst v5  }
0x24e: {  	v5 =	vld [tilespmem:s11+$0x50];
	[tilespmem:s4+$0xD0B0] =	vst v4;
	v4 =	vadd.f32 v60, v9  }
0x24f: {  	[tilespmem:s4+$0xD130] =	vst v10;
	v10 =	vld [tilespmem:s4+$0xD0D0];
	v6 =	vadd.f32 v6, v61  }
0x250: {  	v63 =	vld [tilespmem:s4+$0xD150];
	[tilespmem:s4+$0xD1B0] =	vst v4;
	v4 =	vadd.f32 v7, v61  }
0x251: {  	v9 =	vld [tilespmem:s4+$0xD1D0];
	[tilespmem:s4+$0xD040] =	vst v6;
	v6 =	vadd.f32 v8, v61  }
0x252: {  	v7 =	vadd.f32 v11, v61;
	v8 =	vld [tilespmem:s4+$0xD060];
	[tilespmem:s4+$0xD0C0] =	vst v4  }
0x253: {  	v4 =	vld [tilespmem:s11+$0x60];
	[tilespmem:s4+$0xD140] =	vst v6;
	v6 =	vadd.f32 v62, v5  }
0x254: {  	[tilespmem:s4+$0xD1C0] =	vst v7;
	v7 =	vld [tilespmem:s4+$0xD0E0];
	v11 =	vadd.f32 v10, v5  }
0x255: {  	s11 =	simm.s32 $0x0;
	v10 =	vadd.f32 v63, v5;
	[tilespmem:s4+$0xD050] =	vst v6;
	v6 =	vld [tilespmem:s4+$0xD160]  }
.LBB2_9:
0x256: {  	s11 =	sadd.s32 $0x8, s11;
	[tilespmem:s4+$0xD0D0] =	vst v11;
	v5 =	vadd.f32 v9, v5;
	v9 =	vld [tilespmem:s4+$0xD1E0];
	s9 =	sadd.s32 $0x1, s9  }
0x257: {  	s16 =	sand.u32 $0x7, s9;
	s12 =	sshll.u32 s11, $0x6;
	s17 =	sshll.u32 s11, $0x4;
	[tilespmem:s4+$0xD150] =	vst v10;
	v10 =	vld [tilespmem:s4+$0xD070]  }
0x258: {  	s19 =	sshll.u32 s11, $0x3;
	s17 =	sand.u32 $0x3FFFFC00, s17;
	s18 =	sshll.u32 s16, $0x7;
	[tilespmem:s4+$0xD1D0] =	vst v5;
	v5 =	vadd.f32 v8, v4;
	v8 =	vld [tilespmem:s4+$0xD0F0]  }
0x259: {  	s19 =	sand.u32 $0x200, s19;
	s17 =	sor.u32 s18, s17;
	s18 =	sand.u32 $0x2000, s12;
	v7 =	vadd.f32 v7, v4;
	v11 =	vld [tilespmem:s4+$0xD170]  }
0x25a: {  	s16 =	sshll.u32 s16, $0xA;
	s12 =	sadd.s32 $0x14000, s17;
	v12 =	vld [tilespmem:s17+$0x14000];
	s17 =	sor.u32 s19, s18;
	[tilespmem:s4+$0xD060] =	vst v5;
	v5 =	vadd.f32 v6, v4  }
0x25b: {  	p0 =	slt.u32 s11, $0xF8;
	s16 =	sor.u32 s17, s16;
	v6 =	vld [tilespmem:s12+$0x70];
	[tilespmem:s4+$0xD0E0] =	vst v7;
	v4 =	vadd.f32 v9, v4  }
0x25c: {  	v7 =	vld [tilespmem:s16+$0xD1F0];
	[tilespmem:s4+$0xD160] =	vst v5;
	v5 =	vadd.f32 v10, v3  }
0x25d: {  	v9 =	vld [tilespmem:s16+$0xD000];
	[tilespmem:s4+$0xD1E0] =	vst v4;
	v4 =	vadd.f32 v8, v3  }
0x25e: {  	v8 =	vld [tilespmem:s16+$0xD080];
	[tilespmem:s4+$0xD070] =	vst v5;
	v10 =	vadd.f32 v11, v3  }
0x25f: {  	v5 =	vld [tilespmem:s16+$0xD100];
	[tilespmem:s4+$0xD0F0] =	vst v4  }
0x260: {  	v4 =	vld [tilespmem:s16+$0xD180];
	[tilespmem:s4+$0xD170] =	vst v10;
	v3 =	vmov v6;
	s4 =	smov.u32 s16  }
0x261: {  	v6 =	vld [tilespmem:s12+$0x10];
	v7 =	vadd.f32 v7, v3  }
0x262: {  	v9 =	vadd.f32 v9, v12;
	v10 =	vld [tilespmem:s4+$0xD010]  }
0x263: {  	v8 =	vadd.f32 v8, v12;
	v11 =	vld [tilespmem:s4+$0xD090];
	[tilespmem:s4+$0xD1F0] =	vst v7  }
0x264: {  	[tilespmem:s4+$0xD000] =	vst v9;
	v5 =	vadd.f32 v5, v12;
	v7 =	vld [tilespmem:s4+$0xD110]  }
0x265: {  	[tilespmem:s4+$0xD080] =	vst v8;
	v4 =	vadd.f32 v4, v12;
	v8 =	vld [tilespmem:s4+$0xD190]  }
0x266: {  	[tilespmem:s4+$0xD100] =	vst v5;
	v5 =	vld [tilespmem:s12+$0x20]  }
0x267: {  	[tilespmem:s4+$0xD180] =	vst v4;
	v4 =	vadd.f32 v10, v6;
	v9 =	vld [tilespmem:s4+$0xD020]  }
0x268: {  	v10 =	vadd.f32 v11, v6;
	v11 =	vld [tilespmem:s4+$0xD0A0]  }
0x269: {  	[tilespmem:s4+$0xD010] =	vst v4;
	v4 =	vadd.f32 v7, v6;
	v7 =	vld [tilespmem:s4+$0xD120]  }
0x26a: {  	[tilespmem:s4+$0xD090] =	vst v10;
	v6 =	vadd.f32 v8, v6;
	v8 =	vld [tilespmem:s4+$0xD1A0]  }
0x26b: {  	[tilespmem:s4+$0xD110] =	vst v4;
	v4 =	vld [tilespmem:s12+$0x30]  }
0x26c: {  	[tilespmem:s4+$0xD190] =	vst v6;
	v6 =	vadd.f32 v9, v5;
	v9 =	vld [tilespmem:s4+$0xD030]  }
0x26d: {  	v10 =	vadd.f32 v11, v5;
	v11 =	vld [tilespmem:s4+$0xD0B0]  }
0x26e: {  	[tilespmem:s4+$0xD020] =	vst v6;
	v6 =	vadd.f32 v7, v5;
	v7 =	vld [tilespmem:s4+$0xD130]  }
0x26f: {  	[tilespmem:s4+$0xD0A0] =	vst v10;
	v5 =	vadd.f32 v8, v5;
	v8 =	vld [tilespmem:s4+$0xD1B0]  }
0x270: {  	[tilespmem:s4+$0xD120] =	vst v6;
	v6 =	vld [tilespmem:s12+$0x40]  }
0x271: {  	[tilespmem:s4+$0xD1A0] =	vst v5;
	v5 =	vadd.f32 v9, v4;
	v9 =	vld [tilespmem:s4+$0xD040]  }
0x272: {  	v10 =	vadd.f32 v11, v4;
	v11 =	vld [tilespmem:s4+$0xD0C0]  }
0x273: {  	[tilespmem:s4+$0xD030] =	vst v5;
	v5 =	vadd.f32 v7, v4;
	v7 =	vld [tilespmem:s4+$0xD140]  }
0x274: {  	[tilespmem:s4+$0xD0B0] =	vst v10;
	v4 =	vadd.f32 v8, v4;
	v8 =	vld [tilespmem:s4+$0xD1C0]  }
0x275: {  	[tilespmem:s4+$0xD130] =	vst v5;
	v5 =	vld [tilespmem:s12+$0x50]  }
0x276: {  	[tilespmem:s4+$0xD1B0] =	vst v4;
	v4 =	vadd.f32 v9, v6;
	v10 =	vld [tilespmem:s4+$0xD050]  }
0x277: {  	v9 =	vadd.f32 v11, v6;
	v11 =	vld [tilespmem:s4+$0xD0D0]  }
0x278: {  	[tilespmem:s4+$0xD040] =	vst v4;
	v4 =	vadd.f32 v7, v6;
	v12 =	vld [tilespmem:s4+$0xD150]  }
.Ltmp3:
0x279: {  	[tilespmem:s4+$0xD0C0] =	vst v9;
	v6 =	vadd.f32 v8, v6;
	v9 =	vld [tilespmem:s4+$0xD1D0];
	(pc) =	sbr.rel @p0 .LBB2_9-.Ltmp3, $4  }
0x27a: {  	[tilespmem:s4+$0xD140] =	vst v4;
	v4 =	vld [tilespmem:s12+$0x60]  }
0x27b: {  	[tilespmem:s4+$0xD1C0] =	vst v6;
	v6 =	vadd.f32 v10, v5;
	v8 =	vld [tilespmem:s4+$0xD060]  }
0x27c: {  	v11 =	vadd.f32 v11, v5;
	v7 =	vld [tilespmem:s4+$0xD0E0]  }
0x27d: {  	[tilespmem:s4+$0xD050] =	vst v6;
	v10 =	vadd.f32 v12, v5;
	v6 =	vld [tilespmem:s4+$0xD160]  }
0x27e: {  	v12 =	vld [tilespmem:s4+$0xD1E0]  }
0x27f: {  	[tilespmem:s4+$0xD0D0] =	vst v11;
	v5 =	vadd.f32 v9, v5;
	v57 =	vld [tilespmem:s4+$0xD070]  }
0x280: {  	v58 =	vld [tilespmem:s4+$0xD0F0];
	[tilespmem:s4+$0xD150] =	vst v10;
	v8 =	vadd.f32 v8, v4  }
0x281: {  	v60 =	vld [tilespmem:s4+$0xD170];
	[tilespmem:s4+$0xD1D0] =	vst v5;
	v59 =	vadd.f32 v7, v4  }
0x282: {  	[tilespmem:s4+$0xD060] =	vst v8;
	v6 =	vadd.f32 v6, v4  }
0x283: {  	[tilespmem:s4+$0xD0E0] =	vst v59;
	v61 =	vadd.f32 v12, v4  }
0x284: {  	v62 =	vadd.f32 v57, v3;
	[tilespmem:s4+$0xD160] =	vst v6  }
0x285: {  	v63 =	vadd.f32 v58, v3;
	[tilespmem:s4+$0xD1E0] =	vst v61  }
0x286: {  	v3 =	vadd.f32 v60, v3;
	[tilespmem:s4+$0xD070] =	vst v62  }
0x287: {  	s9 =	sshll.u32 s21, $0xB;
	[tilespmem:s4+$0xD0F0] =	vst v63  }
0x288: {  	s21 =	simm.s32 $0xD000;
	[tilespmem:s4+$0xD170] =	vst v3;
	s4 =	sadd.s32 s9, s10  }
0x289: {  	[hbm4b:s4+s15] =	stream.strided.scatter [tilespmem:s21], [sflag:$0xC], $0x400, s13, s15, $0x38;
	[tilespmem:$0x15000] =	vst v63  }
0x28a: {  	s11 =	simm.s32 $0xD400;
	s31 =	sadd.s32 $0x40, s4  }
0x28b: {  	[hbm4b:s31+s15] =	stream.strided.scatter [tilespmem:s11], [sflag:$0xC], $0x400, s13, s15, $0x38;
	[tilespmem:$0x15000] =	vst v63  }
0x28c: {  	s12 =	simm.s32 $0xD800;
	s11 =	sadd.s32 $0x80, s4  }
0x28d: {  	[hbm4b:s11+s15] =	stream.strided.scatter [tilespmem:s12], [sflag:$0xC], $0x400, s13, s15, $0x38;
	[tilespmem:$0x15000] =	vst v63  }
0x28e: {  	s17 =	simm.s32 $0xDC00;
	s16 =	sadd.s32 $0xC0, s4  }
0x28f: {  	[hbm4b:s16+s15] =	stream.strided.scatter [tilespmem:s17], [sflag:$0xC], $0x400, s13, s15, $0x38;
	[tilespmem:$0x15000] =	vst v63  }
0x290: {  	s19 =	simm.s32 $0xE000;
	s18 =	sadd.s32 $0x100, s4  }
0x291: {  	[hbm4b:s18+s15] =	stream.strided.scatter [tilespmem:s19], [sflag:$0xC], $0x400, s13, s15, $0x38;
	[tilespmem:$0x15000] =	vst v63  }
0x292: {  	s21 =	sadd.s32 $0x140, s4;
	s31 =	simm.s32 $0xE400  }
0x293: {  	[hbm4b:s21+s15] =	stream.strided.scatter [tilespmem:s31], [sflag:$0xC], $0x400, s13, s15, $0x38;
	[tilespmem:$0x15000] =	vst v63  }
0x294: {  	s11 =	sadd.s32 $0x180, s4;
	s12 =	simm.s32 $0xE800  }
0x295: {  	[hbm4b:s11+s15] =	stream.strided.scatter [tilespmem:s12], [sflag:$0xC], $0x400, s13, s15, $0x38;
	[tilespmem:$0x15000] =	vst v63  }
0x296: {  	s16 =	sadd.s32 $0x1C0, s4;
	s17 =	simm.s32 $0xEC00  }
0x297: {  	[hbm4b:s16+s15] =	stream.strided.scatter [tilespmem:s17], [sflag:$0xC], $0x400, s13, s15, $0x38;
	[tilespmem:$0x15000] =	vst v63  }
0x298: {  	s18 =	sadd.s32 $0x400, s4;
	s19 =	simm.s32 $0xF000  }
0x299: {  	[hbm4b:s18+s15] =	stream.strided.scatter [tilespmem:s19], [sflag:$0xC], $0x400, s13, s15, $0x38;
	[tilespmem:$0x15000] =	vst v63  }
0x29a: {  	s21 =	sadd.s32 $0x440, s4;
	s31 =	simm.s32 $0xF400  }
0x29b: {  	[hbm4b:s21+s15] =	stream.strided.scatter [tilespmem:s31], [sflag:$0xC], $0x400, s13, s15, $0x38;
	[tilespmem:$0x15000] =	vst v63  }
0x29c: {  	s11 =	sadd.s32 $0x480, s4  }
0x29d: {  	[hbm4b:s11+s15] =	stream.strided.scatter [tilespmem:s22], [sflag:$0xC], $0x400, s13, s15, $0x38;
	[tilespmem:$0x15000] =	vst v63  }
0x29e: {  	s12 =	sadd.s32 $0x4C0, s4;
	s16 =	simm.s32 $0xFC00  }
0x29f: {  	[hbm4b:s12+s15] =	stream.strided.scatter [tilespmem:s16], [sflag:$0xC], $0x400, s13, s15, $0x38;
	[tilespmem:$0x15000] =	vst v63  }
0x2a0: {  	s1 =	sadd.s32 $0x1, s1;
	s17 =	sadd.s32 $0x500, s4  }
0x2a1: {  	[hbm4b:s17+s15] =	stream.strided.scatter [tilespmem:s23], [sflag:$0xC], $0x400, s13, s15, $0x38;
	[tilespmem:$0x15000] =	vst v63  }
0x2a2: {  	p0 =	sne.s32 s1, $0x8;
	s18 =	sadd.s32 $0x540, s4;
	s19 =	simm.s32 $0x10400  }
0x2a3: {  	[hbm4b:s18+s15] =	stream.strided.scatter [tilespmem:s19], [sflag:$0xC], $0x400, s13, s15, $0x38;
	[tilespmem:$0x15000] =	vst v63  }
.Ltmp4:
0x2a4: {  	_ = 	snop;
	(pc) =	sbr.rel @p0 .LBB2_2-.Ltmp4, $4  }
0x2a5: {  	s21 =	sadd.s32 $0x580, s4  }
0x2a6: {  	[hbm4b:s21+s15] =	stream.strided.scatter [tilespmem:s24], [sflag:$0xC], $0x400, s13, s15, $0x38;
	[tilespmem:$0x15000] =	vst v63  }
0x2a7: {  	s4 =	sadd.s32 $0x5C0, s4;
	s31 =	simm.s32 $0x10C00  }
0x2a8: {  	[hbm4b:s4+s15] =	stream.strided.scatter [tilespmem:s31], [sflag:$0xC], $0x400, s13, s15, $0x38;
	[tilespmem:$0x15000] =	vst v63  }
0x2a9: {  	s1 =	simm.s32 $0x9  }
0x2aa: {  	_ =	swait.ge [sflag:s1], $0x4000  }
0x2ab: {  	[sflag:s1] =	ssyncset.done $0x0  }
0x2ac: {  	s19 =	simm.s32 $0xA;
	[sflag:s1] =	ssyncadd.s32 $0xFFFFC000  }
0x2ad: {  	_ =	swait.ge [sflag:s19], $0x4000  }
0x2ae: {  	[sflag:s19] =	ssyncset.done $0x0  }
0x2af: {  	s21 =	simm.s32 $0xB;
	[sflag:s19] =	ssyncadd.s32 $0xFFFFC000  }
0x2b0: {  	_ =	swait.ge [sflag:s21], $0x4000  }
0x2b1: {  	[sflag:s21] =	ssyncset.done $0x0  }
0x2b2: {  	s4 =	simm.s32 $0xC;
	[sflag:s21] =	ssyncadd.s32 $0xFFFFC000  }
0x2b3: {  	_ =	swait.ge [sflag:s4], $0x4000  }
0x2b4: {  	s9 =	rddreg [dreg:$0x8]  }
0x2b5: {  	s31 =	rddreg [dreg:$0x7];
	s9 =	sadd.s32 $0x1, s9  }
0x2b6: {  	p0 =	sne.s32 s9, s31  }
.Ltmp5:
0x2b7: {  	_ = 	snop;
	(pc) =	sbr.rel @p0 .LBB2_1-.Ltmp5, $3  }
0x2b8: {  	_ =	sdelay $0x1  }
0x2b9: {  	[sflag:s4] =	ssyncset.done $0x0  }
0x2ba: {  	[sflag:s4] =	ssyncadd.s32 $0xFFFFC000  }
0x2bb: {  	_ =	sfence.sel $0x180000  }
0x2bc: {  	[bflag:$0x0] =	sbarrier.arrive $0xFFFF  }
0x2bd: {  	_ =	strace $0x90000047  }
0x2be: {  	s0 =	stileid.u32;
	[bflag:$0x2] =	sbarrier.arrive $0xFFFF  }
0x2bf: {  	p0 =	sne.s32 s0, $0x0;
	s0 =	rddreg [dreg:$0x4]  }
0x2c0: {  	s0 =	sadd.s32 @!p0 $0x100000, s0  }
0x2c1: {  	[sflag:s0] =	ssyncadd.tile.s32 @!p0 $0x1;
	_ =	shalt  }
.Lfunc_end2:
_tile_overlayer_lowered:
.L_overlay_start_2:
0x2c2: {  	(tag) =	ssettag $0x2  }
0x2c3: {  	s0 =	rddreg [dreg:$0x0];
	s2 =	stileid.u32  }
0x2c4: {  	s1 =	rddreg [dreg:$0x1];
	p0 =	sne.s32 s2, $0x0  }
0x2c5: {  	s3 =	rddreg [dreg:$0x2];
	[bflag:$0x3] =	sbarrier.arrive $0xFFFF;
	s2 =	simm.s32 @!p0 $0x1C0D  }
0x2c6: {  	[timem:s3], [sflag:s2] =	dma.local @!p0 [hbm:s0], s1  }
0x2c7: {  	s0 =	simm.s32 @!p0 $0xD  }
0x2c8: {  	_ =	swait.ge @!p0 [sflag:s0], s1  }
0x2c9: {  	s1 =	ssub.s32 @!p0 $0x0, s1;
	[sflag:s0] =	ssyncset.done @!p0 $0x0  }
0x2ca: {  	[sflag:s0] =	ssyncadd.s32 @!p0 s1  }
0x2cb: {  	[bflag:$0x3] =	sbarrier.arrive $0xFFFF  }
0x2cc: {  	_ =	shalt  }

</sc_bundles>
